<compile_context>
chip_gen: v7x
topology: tpu7x:2x2x1
jax: 0.10.2.dev20260603
libtpu: 0.0.44.dev20260713+nightly
codegen_flags: <defaults>
</compile_context>

<pallas_src>
import functools

import jax
import jax.numpy as jnp
from jax import lax
from jax.experimental import pallas as pl
from jax.experimental.pallas import tpu as pltpu
from jax.experimental.pallas import tpu_sc as plsc

NC = 2
NS = 16
LANES = 16
CHUNK = 128

_SC_PARAMS = pltpu.CompilerParams(use_tc_tiling_on_sc=False)


def _pad_to(v, m):
    return (v + m - 1) // m * m



def _fill_iota(iota_v, base):
    lanes_iota = lax.iota(jnp.int32, LANES)
    for t in range(CHUNK // LANES):
        iota_v[pl.ds(t * LANES, LANES)] = lanes_iota + (base + t * LANES)


def _deg_kernel_body(npad, ea_per_tile, dst_hbm, degp_hbm,
                     idx_v, ones_v, zbuf_v, iota_v, obuf_v, deg_sh):
    c = lax.axis_index("c")
    s = lax.axis_index("s")
    rows_per_tile = npad // NS

    def fill_ones(i, _):
        ones_v[i] = jnp.ones((LANES,), jnp.float32)
        return _
    lax.fori_loop(0, CHUNK, fill_ones, None)

    def fill_zeros(i, _):
        zbuf_v[i] = jnp.zeros((LANES,), jnp.float32)
        return _
    lax.fori_loop(0, CHUNK, fill_zeros, None)

    for k in range(rows_per_tile // CHUNK):
        _fill_iota(iota_v, s * rows_per_tile + k * CHUNK)
        pltpu.sync_copy(zbuf_v, deg_sh.at[iota_v])

    plsc.subcore_barrier()

    base = (c * NS + s) * ea_per_tile

    def chunk_body(j, _):
        pltpu.sync_copy(dst_hbm.at[pl.ds(base + j * CHUNK, CHUNK)], idx_v)
        pltpu.sync_copy(ones_v, deg_sh.at[idx_v], add=True)
        return _
    lax.fori_loop(0, ea_per_tile // CHUNK, chunk_body, None)

    plsc.subcore_barrier()

    for k in range(rows_per_tile // CHUNK):
        row0 = s * rows_per_tile + k * CHUNK
        _fill_iota(iota_v, row0)
        pltpu.sync_copy(deg_sh.at[iota_v], obuf_v)
        pltpu.sync_copy(obuf_v, degp_hbm.at[pl.ds(c * npad + row0, CHUNK)])


def _make_deg_kernel(npad, epad):
    ea_per_tile = epad // (NC * NS)
    mesh = plsc.VectorSubcoreMesh(core_axis_name="c", subcore_axis_name="s")
    return pl.kernel(
        functools.partial(_deg_kernel_body, npad, ea_per_tile),
        out_type=jax.ShapeDtypeStruct((NC * npad, LANES), jnp.float32),
        mesh=mesh,
        scratch_types=[
            pltpu.VMEM((CHUNK,), jnp.int32),
            pltpu.VMEM((CHUNK, LANES), jnp.float32),
            pltpu.VMEM((CHUNK, LANES), jnp.float32),
            pltpu.VMEM((CHUNK,), jnp.int32),
            pltpu.VMEM((CHUNK, LANES), jnp.float32),
            pltpu.VMEM_SHARED((npad, LANES), jnp.float32),
        ],
        compiler_params=_SC_PARAMS,
    )


def _scatter_kernel_body(npad, ec_per_tile,
                         y0_hbm, y1_hbm, srcp_hbm, dstp_hbm,
                         acc0_hbm, acc1_hbm,
                         src2_v, dst2_v, rows_v, iota_v, acc_sh):
    c = lax.axis_index("c")
    s = lax.axis_index("s")
    rows_per_tile = npad // NS
    nchunks = ec_per_tile // CHUNK

    def fill_zeros(i, _):
        for jj in range(128 // LANES):
            rows_v[i, pl.ds(jj * LANES, LANES)] = jnp.zeros(
                (LANES,), jnp.float32)
        return _
    lax.fori_loop(0, CHUNK, fill_zeros, None)

    pltpu.sync_copy(srcp_hbm.at[s], src2_v)
    pltpu.sync_copy(dstp_hbm.at[s], dst2_v)

    for k in range(rows_per_tile // CHUNK):
        _fill_iota(iota_v, s * rows_per_tile + k * CHUNK)
        pltpu.sync_copy(rows_v, acc_sh.at[iota_v])
    plsc.subcore_barrier()

    def chunk_body(j, _):
        @pl.when(c == 0)
        def _g0():
            pltpu.sync_copy(y0_hbm.at[src2_v.at[j]], rows_v)

        @pl.when(c == 1)
        def _g1():
            pltpu.sync_copy(y1_hbm.at[src2_v.at[j]], rows_v)

        pltpu.sync_copy(rows_v, acc_sh.at[dst2_v.at[j]], add=True)
        return _
    lax.fori_loop(0, nchunks, chunk_body, None)

    plsc.subcore_barrier()

    for k in range(rows_per_tile // CHUNK):
        row0 = s * rows_per_tile + k * CHUNK
        _fill_iota(iota_v, row0)
        pltpu.sync_copy(acc_sh.at[iota_v], rows_v)

        @pl.when(c == 0)
        def _o0():
            pltpu.sync_copy(rows_v, acc0_hbm.at[pl.ds(row0, CHUNK)])

        @pl.when(c == 1)
        def _o1():
            pltpu.sync_copy(rows_v, acc1_hbm.at[pl.ds(row0, CHUNK)])


def _make_scatter_kernel(npad, epad):
    ec_per_tile = epad // NS
    nchunks = ec_per_tile // CHUNK
    mesh = plsc.VectorSubcoreMesh(core_axis_name="c", subcore_axis_name="s")
    return pl.kernel(
        functools.partial(_scatter_kernel_body, npad, ec_per_tile),
        out_type=(
            jax.ShapeDtypeStruct((npad, 128), jnp.float32),
            jax.ShapeDtypeStruct((npad, 128), jnp.float32),
        ),
        mesh=mesh,
        scratch_types=[
            pltpu.VMEM((nchunks, CHUNK), jnp.int32),
            pltpu.VMEM((nchunks, CHUNK), jnp.int32),
            pltpu.VMEM((CHUNK, 128), jnp.float32),
            pltpu.VMEM((CHUNK,), jnp.int32),
            pltpu.VMEM_SHARED((npad, 128), jnp.float32),
        ],
        compiler_params=_SC_PARAMS,
    )



def _linear_body(x_ref, w_ref, degp_ref, y0_ref, y1_ref):
    deg = degp_ref[0, :, 0:1] + degp_ref[1, :, 0:1] + 1.0
    dis = lax.rsqrt(deg)
    xw = jnp.dot(x_ref[...], w_ref[...], preferred_element_type=jnp.float32)
    y0_ref[...] = xw[:, :128] * dis
    y1_ref[...] = xw[:, 128:] * dis


def _epilogue_body(acc0_ref, acc1_ref, y0_ref, y1_ref, degp_ref, b_ref,
                   out_ref):
    deg = degp_ref[0, :, 0:1] + degp_ref[1, :, 0:1] + 1.0
    dis = lax.rsqrt(deg)
    left = (acc0_ref[...] + y0_ref[...]) * dis
    right = (acc1_ref[...] + y1_ref[...]) * dis
    out_ref[...] = jnp.concatenate([left, right], axis=1) + b_ref[...][None, :]



def kernel(x, edge_index, W, b):
    n, f = x.shape
    h = W.shape[1]
    e = edge_index.shape[1]
    assert f == 256 and h == 256

    npad = _pad_to(n + 1, NS * CHUNK)
    epad = _pad_to(e, NC * NS * CHUNK)

    src = edge_index[0]
    dst = edge_index[1]
    pad_e = epad - e
    srcp = jnp.concatenate([src, jnp.zeros((pad_e,), jnp.int32)])
    dstp = jnp.concatenate([dst, jnp.full((pad_e,), n, jnp.int32)])

    degp = _make_deg_kernel(npad, epad)(dstp).reshape(NC, npad, LANES)

    rb = 400
    assert n % rb == 0
    grid = n // rb
    y0, y1 = pl.pallas_call(
        _linear_body,
        grid=(grid,),
        in_specs=[
            pl.BlockSpec((rb, f), lambda i: (i, 0)),
            pl.BlockSpec((f, h), lambda i: (0, 0)),
            pl.BlockSpec((NC, rb, LANES), lambda i: (0, i, 0)),
        ],
        out_specs=[
            pl.BlockSpec((rb, 128), lambda i: (i, 0)),
            pl.BlockSpec((rb, 128), lambda i: (i, 0)),
        ],
        out_shape=[
            jax.ShapeDtypeStruct((n, 128), jnp.float32),
            jax.ShapeDtypeStruct((n, 128), jnp.float32),
        ],
    )(x, W, degp)

    src3 = srcp.reshape(NS, epad // NS // CHUNK, CHUNK)
    dst3 = dstp.reshape(NS, epad // NS // CHUNK, CHUNK)
    acc0, acc1 = _make_scatter_kernel(npad, epad)(y0, y1, src3, dst3)

    out = pl.pallas_call(
        _epilogue_body,
        grid=(grid,),
        in_specs=[
            pl.BlockSpec((rb, 128), lambda i: (i, 0)),
            pl.BlockSpec((rb, 128), lambda i: (i, 0)),
            pl.BlockSpec((rb, 128), lambda i: (i, 0)),
            pl.BlockSpec((rb, 128), lambda i: (i, 0)),
            pl.BlockSpec((NC, rb, LANES), lambda i: (0, i, 0)),
            pl.BlockSpec((h,), lambda i: (0,)),
        ],
        out_specs=pl.BlockSpec((rb, h), lambda i: (i, 0)),
        out_shape=jax.ShapeDtypeStruct((n, h), jnp.float32),
    )(acc0, acc1, y0, y1, degp, b)
    return out

# --- scband reference (transcript-rebuilt; emitter-appended) ---
"""Pipeline reference for scband-gcn-42829413875735 (READ-ONLY COPY).

The authoritative reference and input builder live on the scoring server;
editing this copy changes nothing except your own understanding.
"""

import jax, jax.numpy as jnp
import numpy as np

N_NODES = 10000
N_EDGES = 160000
IN_FEATS = 256
H_FEATS = 256


def setup_inputs(seed: int = 0) -> dict:
    key = jax.random.key(seed)
    k1, k2, k3, k4 = jax.random.split(key, 4)
    x = jax.random.normal(k1, (N_NODES, IN_FEATS), dtype=jnp.float32)
    edge_index = jax.random.randint(k2, (2, N_EDGES), 0, N_NODES, dtype=jnp.int32)
    # GCNConv learned parameters (glorot init for weight, zeros for bias)
    limit = float(np.sqrt(6.0 / (IN_FEATS + H_FEATS)))
    W = jax.random.uniform(k3, (IN_FEATS, H_FEATS), minval=-limit, maxval=limit, dtype=jnp.float32)
    b = jnp.zeros((H_FEATS,), dtype=jnp.float32)
    return {"x": x, "edge_index": edge_index, "W": W, "b": b}


def reference(x, edge_index, W, b):
    # Faithful GCNConv (Kipf & Welling): add self-loops, symmetric normalization,
    # linear transform, scatter-add aggregation, bias.
    n = x.shape[0]
    src = edge_index[0]
    dst = edge_index[1]
    loop = jnp.arange(n, dtype=src.dtype)
    src = jnp.concatenate([src, loop], axis=0)
    dst = jnp.concatenate([dst, loop], axis=0)
    # degree (in-degree over dst, edge weight 1.0 including self-loops)
    deg = jnp.zeros((n,), dtype=x.dtype).at[dst].add(1.0)
    deg_inv_sqrt = jnp.where(deg > 0, deg ** -0.5, 0.0)
    norm = deg_inv_sqrt[src] * deg_inv_sqrt[dst]
    # linear transform then propagate
    xw = x @ W
    msg = xw[src] * norm[:, None]
    out = jnp.zeros((n, W.shape[1]), dtype=x.dtype).at[dst].add(msg)
    out = out + b
    return out

if __name__ == "__main__":
    import jax
    _d = setup_inputs()
    print(jax.jit(kernel)(*tuple(_d.values())))

</pallas_src>

<mosaic_0001>
#map = affine_map<(d0, d1) -> (0)>
#map1 = affine_map<(d0, d1) -> (0, 0)>
module attributes {stable_mosaic.version = 14 : i64} {
  func.func @_deg_kernel_body(%arg0: i32, %arg1: i32, %arg2: memref<163840xi32, #tpu.memory_space<hbm>>, %arg3: memref<20480x16xf32, #tpu.memory_space<hbm>>, %arg4: memref<128xi32, #tpu.memory_space<vmem>>, %arg5: memref<128x16xf32, #tpu.memory_space<vmem>>, %arg6: memref<128x16xf32, #tpu.memory_space<vmem>>, %arg7: memref<128xi32, #tpu.memory_space<vmem>>, %arg8: memref<128x16xf32, #tpu.memory_space<vmem>>, %arg9: memref<10240x16xf32, #tpu.memory_space<vmem_shared>>) attributes {dimension_semantics = [#tpu.dimension_semantics<core_parallel>, #tpu.dimension_semantics<subcore_parallel>], iteration_bounds = array<i64: 2, 16>, scalar_prefetch = 0 : i64, scratch_operands = 6 : i64, tpu.core_type = #tpu.core_type<sc_vector_subcore>, window_params = [{transform_indices = #map}, {transform_indices = #map1}]} {
    %scan3A = arith.constant 0 : i32
    %scan3A_0 = arith.constant 128 : i32
    %scan3A_1 = arith.addi %scan3A, %scan3A_0 : i32
    %scan3A_2 = arith.constant 1 : i32
    scf.for %scan3A_721 = %scan3A to %scan3A_1 step %scan3A_2  : i32 {
      %broadcast_in_dim3A = arith.constant 1.000000e+00 : f32
      %broadcast_in_dim3A_722 = vector.broadcast %broadcast_in_dim3A : f32 to vector<16xf32>
      %swap3A_723 = arith.index_cast %scan3A_721 : i32 to index
      %swap3A_724 = arith.constant 0 : index
      %swap3A_725 = tpu.vector_load %arg5[%swap3A_723, %swap3A_724] {strides = array<i32>} : memref<128x16xf32, #tpu.memory_space<vmem>>, vector<1x16xf32>,
      %swap3A_726 = vector.shape_cast %swap3A_725 : vector<1x16xf32> to vector<16xf32>
      %swap3A_727 = vector.shape_cast %broadcast_in_dim3A_722 : vector<16xf32> to vector<1x16xf32>
      tpu.vector_store %arg5[%swap3A_723, %swap3A_724], %swap3A_727 {strides = array<i32>} : memref<128x16xf32, #tpu.memory_space<vmem>>, vector<1x16xf32>,
    }
    %scan3A_3 = arith.constant 128 : i32
    %scan3A_4 = arith.constant 0 : i32
    %scan3A_5 = arith.constant 128 : i32
    %scan3A_6 = arith.addi %scan3A_4, %scan3A_5 : i32
    %scan3A_7 = arith.constant 1 : i32
    scf.for %scan3A_721 = %scan3A_4 to %scan3A_6 step %scan3A_7  : i32 {
      %broadcast_in_dim3A = arith.constant 0.000000e+00 : f32
      %broadcast_in_dim3A_722 = vector.broadcast %broadcast_in_dim3A : f32 to vector<16xf32>
      %swap3A_723 = arith.index_cast %scan3A_721 : i32 to index
      %swap3A_724 = arith.constant 0 : index
      %swap3A_725 = tpu.vector_load %arg6[%swap3A_723, %swap3A_724] {strides = array<i32>} : memref<128x16xf32, #tpu.memory_space<vmem>>, vector<1x16xf32>,
      %swap3A_726 = vector.shape_cast %swap3A_725 : vector<1x16xf32> to vector<16xf32>
      %swap3A_727 = vector.shape_cast %broadcast_in_dim3A_722 : vector<16xf32> to vector<1x16xf32>
      tpu.vector_store %arg6[%swap3A_723, %swap3A_724], %swap3A_727 {strides = array<i32>} : memref<128x16xf32, #tpu.memory_space<vmem>>, vector<1x16xf32>,
    }
    %scan3A_8 = arith.constant 128 : i32
    %mul3A = arith.constant 640 : i32
    %mul3A_9 = arith.muli %arg1, %mul3A : i32
    %add3A = arith.constant 0 : i32
    %add3A_10 = arith.addi %mul3A_9, %add3A : i32
    %iota3A = tpu.iota {dimensions = array<i32: 0>} : vector<16xi32>
    %add3A_11 = arith.constant 0 : i32
    %add3A_12 = arith.addi %add3A_10, %add3A_11 : i32
    %add3A_13 = vector.broadcast %add3A_12 : i32 to vector<16xi32>
    %add3A_14 = arith.addi %iota3A, %add3A_13 : vector<16xi32>
    %swap3A = arith.constant 0 : index
    %swap3A_15 = tpu.vector_load %arg7[%swap3A] {strides = array<i32>} : memref<128xi32, #tpu.memory_space<vmem>>, vector<16xi32>,
    %swap3A_16 = vector.shape_cast %swap3A_15 : vector<16xi32> to vector<16xi32>
    %swap3A_17 = vector.shape_cast %add3A_14 : vector<16xi32> to vector<16xi32>
    tpu.vector_store %arg7[%swap3A], %swap3A_17 {strides = array<i32>} : memref<128xi32, #tpu.memory_space<vmem>>, vector<16xi32>,
    %add3A_18 = arith.constant 16 : i32
    %add3A_19 = arith.addi %add3A_10, %add3A_18 : i32
    %add3A_20 = vector.broadcast %add3A_19 : i32 to vector<16xi32>
    %add3A_21 = arith.addi %iota3A, %add3A_20 : vector<16xi32>
    %swap3A_22 = arith.constant 16 : index
    %swap3A_23 = tpu.vector_load %arg7[%swap3A_22] {strides = array<i32>} : memref<128xi32, #tpu.memory_space<vmem>>, vector<16xi32>,
    %swap3A_24 = vector.shape_cast %swap3A_23 : vector<16xi32> to vector<16xi32>
    %swap3A_25 = vector.shape_cast %add3A_21 : vector<16xi32> to vector<16xi32>
    tpu.vector_store %arg7[%swap3A_22], %swap3A_25 {strides = array<i32>} : memref<128xi32, #tpu.memory_space<vmem>>, vector<16xi32>,
    %add3A_26 = arith.constant 32 : i32
    %add3A_27 = arith.addi %add3A_10, %add3A_26 : i32
    %add3A_28 = vector.broadcast %add3A_27 : i32 to vector<16xi32>
    %add3A_29 = arith.addi %iota3A, %add3A_28 : vector<16xi32>
    %swap3A_30 = arith.constant 32 : index
    %swap3A_31 = tpu.vector_load %arg7[%swap3A_30] {strides = array<i32>} : memref<128xi32, #tpu.memory_space<vmem>>, vector<16xi32>,
    %swap3A_32 = vector.shape_cast %swap3A_31 : vector<16xi32> to vector<16xi32>
    %swap3A_33 = vector.shape_cast %add3A_29 : vector<16xi32> to vector<16xi32>
    tpu.vector_store %arg7[%swap3A_30], %swap3A_33 {strides = array<i32>} : memref<128xi32, #tpu.memory_space<vmem>>, vector<16xi32>,
    %add3A_34 = arith.constant 48 : i32
    %add3A_35 = arith.addi %add3A_10, %add3A_34 : i32
    %add3A_36 = vector.broadcast %add3A_35 : i32 to vector<16xi32>
    %add3A_37 = arith.addi %iota3A, %add3A_36 : vector<16xi32>
    %swap3A_38 = arith.constant 48 : index
    %swap3A_39 = tpu.vector_load %arg7[%swap3A_38] {strides = array<i32>} : memref<128xi32, #tpu.memory_space<vmem>>, vector<16xi32>,
    %swap3A_40 = vector.shape_cast %swap3A_39 : vector<16xi32> to vector<16xi32>
    %swap3A_41 = vector.shape_cast %add3A_37 : vector<16xi32> to vector<16xi32>
    tpu.vector_store %arg7[%swap3A_38], %swap3A_41 {strides = array<i32>} : memref<128xi32, #tpu.memory_space<vmem>>, vector<16xi32>,
    %add3A_42 = arith.constant 64 : i32
    %add3A_43 = arith.addi %add3A_10, %add3A_42 : i32
    %add3A_44 = vector.broadcast %add3A_43 : i32 to vector<16xi32>
    %add3A_45 = arith.addi %iota3A, %add3A_44 : vector<16xi32>
    %swap3A_46 = arith.constant 64 : index
    %swap3A_47 = tpu.vector_load %arg7[%swap3A_46] {strides = array<i32>} : memref<128xi32, #tpu.memory_space<vmem>>, vector<16xi32>,
    %swap3A_48 = vector.shape_cast %swap3A_47 : vector<16xi32> to vector<16xi32>
    %swap3A_49 = vector.shape_cast %add3A_45 : vector<16xi32> to vector<16xi32>
    tpu.vector_store %arg7[%swap3A_46], %swap3A_49 {strides = array<i32>} : memref<128xi32, #tpu.memory_space<vmem>>, vector<16xi32>,
    %add3A_50 = arith.constant 80 : i32
    %add3A_51 = arith.addi %add3A_10, %add3A_50 : i32
    %add3A_52 = vector.broadcast %add3A_51 : i32 to vector<16xi32>
    %add3A_53 = arith.addi %iota3A, %add3A_52 : vector<16xi32>
    %swap3A_54 = arith.constant 80 : index
    %swap3A_55 = tpu.vector_load %arg7[%swap3A_54] {strides = array<i32>} : memref<128xi32, #tpu.memory_space<vmem>>, vector<16xi32>,
    %swap3A_56 = vector.shape_cast %swap3A_55 : vector<16xi32> to vector<16xi32>
    %swap3A_57 = vector.shape_cast %add3A_53 : vector<16xi32> to vector<16xi32>
    tpu.vector_store %arg7[%swap3A_54], %swap3A_57 {strides = array<i32>} : memref<128xi32, #tpu.memory_space<vmem>>, vector<16xi32>,
    %add3A_58 = arith.constant 96 : i32
    %add3A_59 = arith.addi %add3A_10, %add3A_58 : i32
    %add3A_60 = vector.broadcast %add3A_59 : i32 to vector<16xi32>
    %add3A_61 = arith.addi %iota3A, %add3A_60 : vector<16xi32>
    %swap3A_62 = arith.constant 96 : index
    %swap3A_63 = tpu.vector_load %arg7[%swap3A_62] {strides = array<i32>} : memref<128xi32, #tpu.memory_space<vmem>>, vector<16xi32>,
    %swap3A_64 = vector.shape_cast %swap3A_63 : vector<16xi32> to vector<16xi32>
    %swap3A_65 = vector.shape_cast %add3A_61 : vector<16xi32> to vector<16xi32>
    tpu.vector_store %arg7[%swap3A_62], %swap3A_65 {strides = array<i32>} : memref<128xi32, #tpu.memory_space<vmem>>, vector<16xi32>,
    %add3A_66 = arith.constant 112 : i32
    %add3A_67 = arith.addi %add3A_10, %add3A_66 : i32
    %add3A_68 = vector.broadcast %add3A_67 : i32 to vector<16xi32>
    %add3A_69 = arith.addi %iota3A, %add3A_68 : vector<16xi32>
    %swap3A_70 = arith.constant 112 : index
    %swap3A_71 = tpu.vector_load %arg7[%swap3A_70] {strides = array<i32>} : memref<128xi32, #tpu.memory_space<vmem>>, vector<16xi32>,
    %swap3A_72 = vector.shape_cast %swap3A_71 : vector<16xi32> to vector<16xi32>
    %swap3A_73 = vector.shape_cast %add3A_69 : vector<16xi32> to vector<16xi32>
    tpu.vector_store %arg7[%swap3A_70], %swap3A_73 {strides = array<i32>} : memref<128xi32, #tpu.memory_space<vmem>>, vector<16xi32>,
    "tpu.region"() ({
      %run_scoped3A = tpu.sem_alloc : memref<!tpu.dma_semaphore, #tpu.memory_space<semaphore_mem>>
      %dma_start3A = arith.constant 0 : i32
      %dma_start3A_721 = arith.constant 0 : i32
      %dma_start3A_722 = tpu.memref_slice %arg9[%dma_start3A, %dma_start3A_721] : memref<10240x16xf32, #tpu.memory_space<vmem_shared>> -> memref<10240x16xf32, #tpu.memory_space<vmem_shared>>
      tpu.enqueue_indirect_dma source(%arg6 : memref<128x16xf32, #tpu.memory_space<vmem>>) target(%dma_start3A_722 : memref<10240x16xf32, #tpu.memory_space<vmem_shared>>) offsets(%arg7 : memref<128xi32, #tpu.memory_space<vmem>>) semaphore(%run_scoped3A : memref<!tpu.dma_semaphore, #tpu.memory_space<semaphore_mem>>)
      %dma_wait3A = arith.constant 0 : i32
      %dma_wait3A_723 = arith.constant 0 : i32
      %dma_wait3A_724 = tpu.memref_slice %arg9[%dma_wait3A, %dma_wait3A_723] : memref<10240x16xf32, #tpu.memory_space<vmem_shared>> -> memref<10240x16xf32, #tpu.memory_space<vmem_shared>>
      tpu.wait_indirect_dma semaphore(%run_scoped3A : memref<!tpu.dma_semaphore, #tpu.memory_space<semaphore_mem>>) src(%arg6 : memref<128x16xf32, #tpu.memory_space<vmem>>) dst(%dma_wait3A_724 : memref<10240x16xf32, #tpu.memory_space<vmem_shared>>)
      tpu.yield
    }) : () -> ()
    %mul3A_74 = arith.constant 640 : i32
    %mul3A_75 = arith.muli %arg1, %mul3A_74 : i32
    %add3A_76 = arith.constant 128 : i32
    %add3A_77 = arith.addi %mul3A_75, %add3A_76 : i32
    %iota3A_78 = tpu.iota {dimensions = array<i32: 0>} : vector<16xi32>
    %add3A_79 = arith.constant 0 : i32
    %add3A_80 = arith.addi %add3A_77, %add3A_79 : i32
    %add3A_81 = vector.broadcast %add3A_80 : i32 to vector<16xi32>
    %add3A_82 = arith.addi %iota3A_78, %add3A_81 : vector<16xi32>
    %swap3A_83 = arith.constant 0 : index
    %swap3A_84 = tpu.vector_load %arg7[%swap3A_83] {strides = array<i32>} : memref<128xi32, #tpu.memory_space<vmem>>, vector<16xi32>,
    %swap3A_85 = vector.shape_cast %swap3A_84 : vector<16xi32> to vector<16xi32>
    %swap3A_86 = vector.shape_cast %add3A_82 : vector<16xi32> to vector<16xi32>
    tpu.vector_store %arg7[%swap3A_83], %swap3A_86 {strides = array<i32>} : memref<128xi32, #tpu.memory_space<vmem>>, vector<16xi32>,
    %add3A_87 = arith.constant 16 : i32
    %add3A_88 = arith.addi %add3A_77, %add3A_87 : i32
    %add3A_89 = vector.broadcast %add3A_88 : i32 to vector<16xi32>
    %add3A_90 = arith.addi %iota3A_78, %add3A_89 : vector<16xi32>
    %swap3A_91 = arith.constant 16 : index
    %swap3A_92 = tpu.vector_load %arg7[%swap3A_91] {strides = array<i32>} : memref<128xi32, #tpu.memory_space<vmem>>, vector<16xi32>,
    %swap3A_93 = vector.shape_cast %swap3A_92 : vector<16xi32> to vector<16xi32>
    %swap3A_94 = vector.shape_cast %add3A_90 : vector<16xi32> to vector<16xi32>
    tpu.vector_store %arg7[%swap3A_91], %swap3A_94 {strides = array<i32>} : memref<128xi32, #tpu.memory_space<vmem>>, vector<16xi32>,
    %add3A_95 = arith.constant 32 : i32
    %add3A_96 = arith.addi %add3A_77, %add3A_95 : i32
    %add3A_97 = vector.broadcast %add3A_96 : i32 to vector<16xi32>
    %add3A_98 = arith.addi %iota3A_78, %add3A_97 : vector<16xi32>
    %swap3A_99 = arith.constant 32 : index
    %swap3A_100 = tpu.vector_load %arg7[%swap3A_99] {strides = array<i32>} : memref<128xi32, #tpu.memory_space<vmem>>, vector<16xi32>,
    %swap3A_101 = vector.shape_cast %swap3A_100 : vector<16xi32> to vector<16xi32>
    %swap3A_102 = vector.shape_cast %add3A_98 : vector<16xi32> to vector<16xi32>
    tpu.vector_store %arg7[%swap3A_99], %swap3A_102 {strides = array<i32>} : memref<128xi32, #tpu.memory_space<vmem>>, vector<16xi32>,
    %add3A_103 = arith.constant 48 : i32
    %add3A_104 = arith.addi %add3A_77, %add3A_103 : i32
    %add3A_105 = vector.broadcast %add3A_104 : i32 to vector<16xi32>
    %add3A_106 = arith.addi %iota3A_78, %add3A_105 : vector<16xi32>
    %swap3A_107 = arith.constant 48 : index
    %swap3A_108 = tpu.vector_load %arg7[%swap3A_107] {strides = array<i32>} : memref<128xi32, #tpu.memory_space<vmem>>, vector<16xi32>,
    %swap3A_109 = vector.shape_cast %swap3A_108 : vector<16xi32> to vector<16xi32>
    %swap3A_110 = vector.shape_cast %add3A_106 : vector<16xi32> to vector<16xi32>
    tpu.vector_store %arg7[%swap3A_107], %swap3A_110 {strides = array<i32>} : memref<128xi32, #tpu.memory_space<vmem>>, vector<16xi32>,
    %add3A_111 = arith.constant 64 : i32
    %add3A_112 = arith.addi %add3A_77, %add3A_111 : i32
    %add3A_113 = vector.broadcast %add3A_112 : i32 to vector<16xi32>
    %add3A_114 = arith.addi %iota3A_78, %add3A_113 : vector<16xi32>
    %swap3A_115 = arith.constant 64 : index
    %swap3A_116 = tpu.vector_load %arg7[%swap3A_115] {strides = array<i32>} : memref<128xi32, #tpu.memory_space<vmem>>, vector<16xi32>,
    %swap3A_117 = vector.shape_cast %swap3A_116 : vector<16xi32> to vector<16xi32>
    %swap3A_118 = vector.shape_cast %add3A_114 : vector<16xi32> to vector<16xi32>
    tpu.vector_store %arg7[%swap3A_115], %swap3A_118 {strides = array<i32>} : memref<128xi32, #tpu.memory_space<vmem>>, vector<16xi32>,
    %add3A_119 = arith.constant 80 : i32
    %add3A_120 = arith.addi %add3A_77, %add3A_119 : i32
    %add3A_121 = vector.broadcast %add3A_120 : i32 to vector<16xi32>
    %add3A_122 = arith.addi %iota3A_78, %add3A_121 : vector<16xi32>
    %swap3A_123 = arith.constant 80 : index
    %swap3A_124 = tpu.vector_load %arg7[%swap3A_123] {strides = array<i32>} : memref<128xi32, #tpu.memory_space<vmem>>, vector<16xi32>,
    %swap3A_125 = vector.shape_cast %swap3A_124 : vector<16xi32> to vector<16xi32>
    %swap3A_126 = vector.shape_cast %add3A_122 : vector<16xi32> to vector<16xi32>
    tpu.vector_store %arg7[%swap3A_123], %swap3A_126 {strides = array<i32>} : memref<128xi32, #tpu.memory_space<vmem>>, vector<16xi32>,
    %add3A_127 = arith.constant 96 : i32
    %add3A_128 = arith.addi %add3A_77, %add3A_127 : i32
    %add3A_129 = vector.broadcast %add3A_128 : i32 to vector<16xi32>
    %add3A_130 = arith.addi %iota3A_78, %add3A_129 : vector<16xi32>
    %swap3A_131 = arith.constant 96 : index
    %swap3A_132 = tpu.vector_load %arg7[%swap3A_131] {strides = array<i32>} : memref<128xi32, #tpu.memory_space<vmem>>, vector<16xi32>,
    %swap3A_133 = vector.shape_cast %swap3A_132 : vector<16xi32> to vector<16xi32>
    %swap3A_134 = vector.shape_cast %add3A_130 : vector<16xi32> to vector<16xi32>
    tpu.vector_store %arg7[%swap3A_131], %swap3A_134 {strides = array<i32>} : memref<128xi32, #tpu.memory_space<vmem>>, vector<16xi32>,
    %add3A_135 = arith.constant 112 : i32
    %add3A_136 = arith.addi %add3A_77, %add3A_135 : i32
    %add3A_137 = vector.broadcast %add3A_136 : i32 to vector<16xi32>
    %add3A_138 = arith.addi %iota3A_78, %add3A_137 : vector<16xi32>
    %swap3A_139 = arith.constant 112 : index
    %swap3A_140 = tpu.vector_load %arg7[%swap3A_139] {strides = array<i32>} : memref<128xi32, #tpu.memory_space<vmem>>, vector<16xi32>,
    %swap3A_141 = vector.shape_cast %swap3A_140 : vector<16xi32> to vector<16xi32>
    %swap3A_142 = vector.shape_cast %add3A_138 : vector<16xi32> to vector<16xi32>
    tpu.vector_store %arg7[%swap3A_139], %swap3A_142 {strides = array<i32>} : memref<128xi32, #tpu.memory_space<vmem>>, vector<16xi32>,
    "tpu.region"() ({
      %run_scoped3A = tpu.sem_alloc : memref<!tpu.dma_semaphore, #tpu.memory_space<semaphore_mem>>
      %dma_start3A = arith.constant 0 : i32
      %dma_start3A_721 = arith.constant 0 : i32
      %dma_start3A_722 = tpu.memref_slice %arg9[%dma_start3A, %dma_start3A_721] : memref<10240x16xf32, #tpu.memory_space<vmem_shared>> -> memref<10240x16xf32, #tpu.memory_space<vmem_shared>>
      tpu.enqueue_indirect_dma source(%arg6 : memref<128x16xf32, #tpu.memory_space<vmem>>) target(%dma_start3A_722 : memref<10240x16xf32, #tpu.memory_space<vmem_shared>>) offsets(%arg7 : memref<128xi32, #tpu.memory_space<vmem>>) semaphore(%run_scoped3A : memref<!tpu.dma_semaphore, #tpu.memory_space<semaphore_mem>>)
      %dma_wait3A = arith.constant 0 : i32
      %dma_wait3A_723 = arith.constant 0 : i32
      %dma_wait3A_724 = tpu.memref_slice %arg9[%dma_wait3A, %dma_wait3A_723] : memref<10240x16xf32, #tpu.memory_space<vmem_shared>> -> memref<10240x16xf32, #tpu.memory_space<vmem_shared>>
      tpu.wait_indirect_dma semaphore(%run_scoped3A : memref<!tpu.dma_semaphore, #tpu.memory_space<semaphore_mem>>) src(%arg6 : memref<128x16xf32, #tpu.memory_space<vmem>>) dst(%dma_wait3A_724 : memref<10240x16xf32, #tpu.memory_space<vmem_shared>>)
      tpu.yield
    }) : () -> ()
    %mul3A_143 = arith.constant 640 : i32
    %mul3A_144 = arith.muli %arg1, %mul3A_143 : i32
    %add3A_145 = arith.constant 256 : i32
    %add3A_146 = arith.addi %mul3A_144, %add3A_145 : i32
    %iota3A_147 = tpu.iota {dimensions = array<i32: 0>} : vector<16xi32>
    %add3A_148 = arith.constant 0 : i32
    %add3A_149 = arith.addi %add3A_146, %add3A_148 : i32
    %add3A_150 = vector.broadcast %add3A_149 : i32 to vector<16xi32>
    %add3A_151 = arith.addi %iota3A_147, %add3A_150 : vector<16xi32>
    %swap3A_152 = arith.constant 0 : index
    %swap3A_153 = tpu.vector_load %arg7[%swap3A_152] {strides = array<i32>} : memref<128xi32, #tpu.memory_space<vmem>>, vector<16xi32>,
    %swap3A_154 = vector.shape_cast %swap3A_153 : vector<16xi32> to vector<16xi32>
    %swap3A_155 = vector.shape_cast %add3A_151 : vector<16xi32> to vector<16xi32>
    tpu.vector_store %arg7[%swap3A_152], %swap3A_155 {strides = array<i32>} : memref<128xi32, #tpu.memory_space<vmem>>, vector<16xi32>,
    %add3A_156 = arith.constant 16 : i32
    %add3A_157 = arith.addi %add3A_146, %add3A_156 : i32
    %add3A_158 = vector.broadcast %add3A_157 : i32 to vector<16xi32>
    %add3A_159 = arith.addi %iota3A_147, %add3A_158 : vector<16xi32>
    %swap3A_160 = arith.constant 16 : index
    %swap3A_161 = tpu.vector_load %arg7[%swap3A_160] {strides = array<i32>} : memref<128xi32, #tpu.memory_space<vmem>>, vector<16xi32>,
    %swap3A_162 = vector.shape_cast %swap3A_161 : vector<16xi32> to vector<16xi32>
    %swap3A_163 = vector.shape_cast %add3A_159 : vector<16xi32> to vector<16xi32>
    tpu.vector_store %arg7[%swap3A_160], %swap3A_163 {strides = array<i32>} : memref<128xi32, #tpu.memory_space<vmem>>, vector<16xi32>,
    %add3A_164 = arith.constant 32 : i32
    %add3A_165 = arith.addi %add3A_146, %add3A_164 : i32
    %add3A_166 = vector.broadcast %add3A_165 : i32 to vector<16xi32>
    %add3A_167 = arith.addi %iota3A_147, %add3A_166 : vector<16xi32>
    %swap3A_168 = arith.constant 32 : index
    %swap3A_169 = tpu.vector_load %arg7[%swap3A_168] {strides = array<i32>} : memref<128xi32, #tpu.memory_space<vmem>>, vector<16xi32>,
    %swap3A_170 = vector.shape_cast %swap3A_169 : vector<16xi32> to vector<16xi32>
    %swap3A_171 = vector.shape_cast %add3A_167 : vector<16xi32> to vector<16xi32>
    tpu.vector_store %arg7[%swap3A_168], %swap3A_171 {strides = array<i32>} : memref<128xi32, #tpu.memory_space<vmem>>, vector<16xi32>,
    %add3A_172 = arith.constant 48 : i32
    %add3A_173 = arith.addi %add3A_146, %add3A_172 : i32
    %add3A_174 = vector.broadcast %add3A_173 : i32 to vector<16xi32>
    %add3A_175 = arith.addi %iota3A_147, %add3A_174 : vector<16xi32>
    %swap3A_176 = arith.constant 48 : index
    %swap3A_177 = tpu.vector_load %arg7[%swap3A_176] {strides = array<i32>} : memref<128xi32, #tpu.memory_space<vmem>>, vector<16xi32>,
    %swap3A_178 = vector.shape_cast %swap3A_177 : vector<16xi32> to vector<16xi32>
    %swap3A_179 = vector.shape_cast %add3A_175 : vector<16xi32> to vector<16xi32>
    tpu.vector_store %arg7[%swap3A_176], %swap3A_179 {strides = array<i32>} : memref<128xi32, #tpu.memory_space<vmem>>, vector<16xi32>,
    %add3A_180 = arith.constant 64 : i32
    %add3A_181 = arith.addi %add3A_146, %add3A_180 : i32
    %add3A_182 = vector.broadcast %add3A_181 : i32 to vector<16xi32>
    %add3A_183 = arith.addi %iota3A_147, %add3A_182 : vector<16xi32>
    %swap3A_184 = arith.constant 64 : index
    %swap3A_185 = tpu.vector_load %arg7[%swap3A_184] {strides = array<i32>} : memref<128xi32, #tpu.memory_space<vmem>>, vector<16xi32>,
    %swap3A_186 = vector.shape_cast %swap3A_185 : vector<16xi32> to vector<16xi32>
    %swap3A_187 = vector.shape_cast %add3A_183 : vector<16xi32> to vector<16xi32>
    tpu.vector_store %arg7[%swap3A_184], %swap3A_187 {strides = array<i32>} : memref<128xi32, #tpu.memory_space<vmem>>, vector<16xi32>,
    %add3A_188 = arith.constant 80 : i32
    %add3A_189 = arith.addi %add3A_146, %add3A_188 : i32
    %add3A_190 = vector.broadcast %add3A_189 : i32 to vector<16xi32>
    %add3A_191 = arith.addi %iota3A_147, %add3A_190 : vector<16xi32>
    %swap3A_192 = arith.constant 80 : index
    %swap3A_193 = tpu.vector_load %arg7[%swap3A_192] {strides = array<i32>} : memref<128xi32, #tpu.memory_space<vmem>>, vector<16xi32>,
    %swap3A_194 = vector.shape_cast %swap3A_193 : vector<16xi32> to vector<16xi32>
    %swap3A_195 = vector.shape_cast %add3A_191 : vector<16xi32> to vector<16xi32>
    tpu.vector_store %arg7[%swap3A_192], %swap3A_195 {strides = array<i32>} : memref<128xi32, #tpu.memory_space<vmem>>, vector<16xi32>,
    %add3A_196 = arith.constant 96 : i32
    %add3A_197 = arith.addi %add3A_146, %add3A_196 : i32
    %add3A_198 = vector.broadcast %add3A_197 : i32 to vector<16xi32>
    %add3A_199 = arith.addi %iota3A_147, %add3A_198 : vector<16xi32>
    %swap3A_200 = arith.constant 96 : index
    %swap3A_201 = tpu.vector_load %arg7[%swap3A_200] {strides = array<i32>} : memref<128xi32, #tpu.memory_space<vmem>>, vector<16xi32>,
    %swap3A_202 = vector.shape_cast %swap3A_201 : vector<16xi32> to vector<16xi32>
    %swap3A_203 = vector.shape_cast %add3A_199 : vector<16xi32> to vector<16xi32>
    tpu.vector_store %arg7[%swap3A_200], %swap3A_203 {strides = array<i32>} : memref<128xi32, #tpu.memory_space<vmem>>, vector<16xi32>,
    %add3A_204 = arith.constant 112 : i32
    %add3A_205 = arith.addi %add3A_146, %add3A_204 : i32
    %add3A_206 = vector.broadcast %add3A_205 : i32 to vector<16xi32>
    %add3A_207 = arith.addi %iota3A_147, %add3A_206 : vector<16xi32>
    %swap3A_208 = arith.constant 112 : index
    %swap3A_209 = tpu.vector_load %arg7[%swap3A_208] {strides = array<i32>} : memref<128xi32, #tpu.memory_space<vmem>>, vector<16xi32>,
    %swap3A_210 = vector.shape_cast %swap3A_209 : vector<16xi32> to vector<16xi32>
    %swap3A_211 = vector.shape_cast %add3A_207 : vector<16xi32> to vector<16xi32>
    tpu.vector_store %arg7[%swap3A_208], %swap3A_211 {strides = array<i32>} : memref<128xi32, #tpu.memory_space<vmem>>, vector<16xi32>,
    "tpu.region"() ({
      %run_scoped3A = tpu.sem_alloc : memref<!tpu.dma_semaphore, #tpu.memory_space<semaphore_mem>>
      %dma_start3A = arith.constant 0 : i32
      %dma_start3A_721 = arith.constant 0 : i32
      %dma_start3A_722 = tpu.memref_slice %arg9[%dma_start3A, %dma_start3A_721] : memref<10240x16xf32, #tpu.memory_space<vmem_shared>> -> memref<10240x16xf32, #tpu.memory_space<vmem_shared>>
      tpu.enqueue_indirect_dma source(%arg6 : memref<128x16xf32, #tpu.memory_space<vmem>>) target(%dma_start3A_722 : memref<10240x16xf32, #tpu.memory_space<vmem_shared>>) offsets(%arg7 : memref<128xi32, #tpu.memory_space<vmem>>) semaphore(%run_scoped3A : memref<!tpu.dma_semaphore, #tpu.memory_space<semaphore_mem>>)
      %dma_wait3A = arith.constant 0 : i32
      %dma_wait3A_723 = arith.constant 0 : i32
      %dma_wait3A_724 = tpu.memref_slice %arg9[%dma_wait3A, %dma_wait3A_723] : memref<10240x16xf32, #tpu.memory_space<vmem_shared>> -> memref<10240x16xf32, #tpu.memory_space<vmem_shared>>
      tpu.wait_indirect_dma semaphore(%run_scoped3A : memref<!tpu.dma_semaphore, #tpu.memory_space<semaphore_mem>>) src(%arg6 : memref<128x16xf32, #tpu.memory_space<vmem>>) dst(%dma_wait3A_724 : memref<10240x16xf32, #tpu.memory_space<vmem_shared>>)
      tpu.yield
    }) : () -> ()
    %mul3A_212 = arith.constant 640 : i32
    %mul3A_213 = arith.muli %arg1, %mul3A_212 : i32
    %add3A_214 = arith.constant 384 : i32
    %add3A_215 = arith.addi %mul3A_213, %add3A_214 : i32
    %iota3A_216 = tpu.iota {dimensions = array<i32: 0>} : vector<16xi32>
    %add3A_217 = arith.constant 0 : i32
    %add3A_218 = arith.addi %add3A_215, %add3A_217 : i32
    %add3A_219 = vector.broadcast %add3A_218 : i32 to vector<16xi32>
    %add3A_220 = arith.addi %iota3A_216, %add3A_219 : vector<16xi32>
    %swap3A_221 = arith.constant 0 : index
    %swap3A_222 = tpu.vector_load %arg7[%swap3A_221] {strides = array<i32>} : memref<128xi32, #tpu.memory_space<vmem>>, vector<16xi32>,
    %swap3A_223 = vector.shape_cast %swap3A_222 : vector<16xi32> to vector<16xi32>
    %swap3A_224 = vector.shape_cast %add3A_220 : vector<16xi32> to vector<16xi32>
    tpu.vector_store %arg7[%swap3A_221], %swap3A_224 {strides = array<i32>} : memref<128xi32, #tpu.memory_space<vmem>>, vector<16xi32>,
    %add3A_225 = arith.constant 16 : i32
    %add3A_226 = arith.addi %add3A_215, %add3A_225 : i32
    %add3A_227 = vector.broadcast %add3A_226 : i32 to vector<16xi32>
    %add3A_228 = arith.addi %iota3A_216, %add3A_227 : vector<16xi32>
    %swap3A_229 = arith.constant 16 : index
    %swap3A_230 = tpu.vector_load %arg7[%swap3A_229] {strides = array<i32>} : memref<128xi32, #tpu.memory_space<vmem>>, vector<16xi32>,
    %swap3A_231 = vector.shape_cast %swap3A_230 : vector<16xi32> to vector<16xi32>
    %swap3A_232 = vector.shape_cast %add3A_228 : vector<16xi32> to vector<16xi32>
    tpu.vector_store %arg7[%swap3A_229], %swap3A_232 {strides = array<i32>} : memref<128xi32, #tpu.memory_space<vmem>>, vector<16xi32>,
    %add3A_233 = arith.constant 32 : i32
    %add3A_234 = arith.addi %add3A_215, %add3A_233 : i32
    %add3A_235 = vector.broadcast %add3A_234 : i32 to vector<16xi32>
    %add3A_236 = arith.addi %iota3A_216, %add3A_235 : vector<16xi32>
    %swap3A_237 = arith.constant 32 : index
    %swap3A_238 = tpu.vector_load %arg7[%swap3A_237] {strides = array<i32>} : memref<128xi32, #tpu.memory_space<vmem>>, vector<16xi32>,
    %swap3A_239 = vector.shape_cast %swap3A_238 : vector<16xi32> to vector<16xi32>
    %swap3A_240 = vector.shape_cast %add3A_236 : vector<16xi32> to vector<16xi32>
    tpu.vector_store %arg7[%swap3A_237], %swap3A_240 {strides = array<i32>} : memref<128xi32, #tpu.memory_space<vmem>>, vector<16xi32>,
    %add3A_241 = arith.constant 48 : i32
    %add3A_242 = arith.addi %add3A_215, %add3A_241 : i32
    %add3A_243 = vector.broadcast %add3A_242 : i32 to vector<16xi32>
    %add3A_244 = arith.addi %iota3A_216, %add3A_243 : vector<16xi32>
    %swap3A_245 = arith.constant 48 : index
    %swap3A_246 = tpu.vector_load %arg7[%swap3A_245] {strides = array<i32>} : memref<128xi32, #tpu.memory_space<vmem>>, vector<16xi32>,
    %swap3A_247 = vector.shape_cast %swap3A_246 : vector<16xi32> to vector<16xi32>
    %swap3A_248 = vector.shape_cast %add3A_244 : vector<16xi32> to vector<16xi32>
    tpu.vector_store %arg7[%swap3A_245], %swap3A_248 {strides = array<i32>} : memref<128xi32, #tpu.memory_space<vmem>>, vector<16xi32>,
    %add3A_249 = arith.constant 64 : i32
    %add3A_250 = arith.addi %add3A_215, %add3A_249 : i32
    %add3A_251 = vector.broadcast %add3A_250 : i32 to vector<16xi32>
    %add3A_252 = arith.addi %iota3A_216, %add3A_251 : vector<16xi32>
    %swap3A_253 = arith.constant 64 : index
    %swap3A_254 = tpu.vector_load %arg7[%swap3A_253] {strides = array<i32>} : memref<128xi32, #tpu.memory_space<vmem>>, vector<16xi32>,
    %swap3A_255 = vector.shape_cast %swap3A_254 : vector<16xi32> to vector<16xi32>
    %swap3A_256 = vector.shape_cast %add3A_252 : vector<16xi32> to vector<16xi32>
    tpu.vector_store %arg7[%swap3A_253], %swap3A_256 {strides = array<i32>} : memref<128xi32, #tpu.memory_space<vmem>>, vector<16xi32>,
    %add3A_257 = arith.constant 80 : i32
    %add3A_258 = arith.addi %add3A_215, %add3A_257 : i32
    %add3A_259 = vector.broadcast %add3A_258 : i32 to vector<16xi32>
    %add3A_260 = arith.addi %iota3A_216, %add3A_259 : vector<16xi32>
    %swap3A_261 = arith.constant 80 : index
    %swap3A_262 = tpu.vector_load %arg7[%swap3A_261] {strides = array<i32>} : memref<128xi32, #tpu.memory_space<vmem>>, vector<16xi32>,
    %swap3A_263 = vector.shape_cast %swap3A_262 : vector<16xi32> to vector<16xi32>
    %swap3A_264 = vector.shape_cast %add3A_260 : vector<16xi32> to vector<16xi32>
    tpu.vector_store %arg7[%swap3A_261], %swap3A_264 {strides = array<i32>} : memref<128xi32, #tpu.memory_space<vmem>>, vector<16xi32>,
    %add3A_265 = arith.constant 96 : i32
    %add3A_266 = arith.addi %add3A_215, %add3A_265 : i32
    %add3A_267 = vector.broadcast %add3A_266 : i32 to vector<16xi32>
    %add3A_268 = arith.addi %iota3A_216, %add3A_267 : vector<16xi32>
    %swap3A_269 = arith.constant 96 : index
    %swap3A_270 = tpu.vector_load %arg7[%swap3A_269] {strides = array<i32>} : memref<128xi32, #tpu.memory_space<vmem>>, vector<16xi32>,
    %swap3A_271 = vector.shape_cast %swap3A_270 : vector<16xi32> to vector<16xi32>
    %swap3A_272 = vector.shape_cast %add3A_268 : vector<16xi32> to vector<16xi32>
    tpu.vector_store %arg7[%swap3A_269], %swap3A_272 {strides = array<i32>} : memref<128xi32, #tpu.memory_space<vmem>>, vector<16xi32>,
    %add3A_273 = arith.constant 112 : i32
    %add3A_274 = arith.addi %add3A_215, %add3A_273 : i32
    %add3A_275 = vector.broadcast %add3A_274 : i32 to vector<16xi32>
    %add3A_276 = arith.addi %iota3A_216, %add3A_275 : vector<16xi32>
    %swap3A_277 = arith.constant 112 : index
    %swap3A_278 = tpu.vector_load %arg7[%swap3A_277] {strides = array<i32>} : memref<128xi32, #tpu.memory_space<vmem>>, vector<16xi32>,
    %swap3A_279 = vector.shape_cast %swap3A_278 : vector<16xi32> to vector<16xi32>
    %swap3A_280 = vector.shape_cast %add3A_276 : vector<16xi32> to vector<16xi32>
    tpu.vector_store %arg7[%swap3A_277], %swap3A_280 {strides = array<i32>} : memref<128xi32, #tpu.memory_space<vmem>>, vector<16xi32>,
    "tpu.region"() ({
      %run_scoped3A = tpu.sem_alloc : memref<!tpu.dma_semaphore, #tpu.memory_space<semaphore_mem>>
      %dma_start3A = arith.constant 0 : i32
      %dma_start3A_721 = arith.constant 0 : i32
      %dma_start3A_722 = tpu.memref_slice %arg9[%dma_start3A, %dma_start3A_721] : memref<10240x16xf32, #tpu.memory_space<vmem_shared>> -> memref<10240x16xf32, #tpu.memory_space<vmem_shared>>
      tpu.enqueue_indirect_dma source(%arg6 : memref<128x16xf32, #tpu.memory_space<vmem>>) target(%dma_start3A_722 : memref<10240x16xf32, #tpu.memory_space<vmem_shared>>) offsets(%arg7 : memref<128xi32, #tpu.memory_space<vmem>>) semaphore(%run_scoped3A : memref<!tpu.dma_semaphore, #tpu.memory_space<semaphore_mem>>)
      %dma_wait3A = arith.constant 0 : i32
      %dma_wait3A_723 = arith.constant 0 : i32
      %dma_wait3A_724 = tpu.memref_slice %arg9[%dma_wait3A, %dma_wait3A_723] : memref<10240x16xf32, #tpu.memory_space<vmem_shared>> -> memref<10240x16xf32, #tpu.memory_space<vmem_shared>>
      tpu.wait_indirect_dma semaphore(%run_scoped3A : memref<!tpu.dma_semaphore, #tpu.memory_space<semaphore_mem>>) src(%arg6 : memref<128x16xf32, #tpu.memory_space<vmem>>) dst(%dma_wait3A_724 : memref<10240x16xf32, #tpu.memory_space<vmem_shared>>)
      tpu.yield
    }) : () -> ()
    %mul3A_281 = arith.constant 640 : i32
    %mul3A_282 = arith.muli %arg1, %mul3A_281 : i32
    %add3A_283 = arith.constant 512 : i32
    %add3A_284 = arith.addi %mul3A_282, %add3A_283 : i32
    %iota3A_285 = tpu.iota {dimensions = array<i32: 0>} : vector<16xi32>
    %add3A_286 = arith.constant 0 : i32
    %add3A_287 = arith.addi %add3A_284, %add3A_286 : i32
    %add3A_288 = vector.broadcast %add3A_287 : i32 to vector<16xi32>
    %add3A_289 = arith.addi %iota3A_285, %add3A_288 : vector<16xi32>
    %swap3A_290 = arith.constant 0 : index
    %swap3A_291 = tpu.vector_load %arg7[%swap3A_290] {strides = array<i32>} : memref<128xi32, #tpu.memory_space<vmem>>, vector<16xi32>,
    %swap3A_292 = vector.shape_cast %swap3A_291 : vector<16xi32> to vector<16xi32>
    %swap3A_293 = vector.shape_cast %add3A_289 : vector<16xi32> to vector<16xi32>
    tpu.vector_store %arg7[%swap3A_290], %swap3A_293 {strides = array<i32>} : memref<128xi32, #tpu.memory_space<vmem>>, vector<16xi32>,
    %add3A_294 = arith.constant 16 : i32
    %add3A_295 = arith.addi %add3A_284, %add3A_294 : i32
    %add3A_296 = vector.broadcast %add3A_295 : i32 to vector<16xi32>
    %add3A_297 = arith.addi %iota3A_285, %add3A_296 : vector<16xi32>
    %swap3A_298 = arith.constant 16 : index
    %swap3A_299 = tpu.vector_load %arg7[%swap3A_298] {strides = array<i32>} : memref<128xi32, #tpu.memory_space<vmem>>, vector<16xi32>,
    %swap3A_300 = vector.shape_cast %swap3A_299 : vector<16xi32> to vector<16xi32>
    %swap3A_301 = vector.shape_cast %add3A_297 : vector<16xi32> to vector<16xi32>
    tpu.vector_store %arg7[%swap3A_298], %swap3A_301 {strides = array<i32>} : memref<128xi32, #tpu.memory_space<vmem>>, vector<16xi32>,
    %add3A_302 = arith.constant 32 : i32
    %add3A_303 = arith.addi %add3A_284, %add3A_302 : i32
    %add3A_304 = vector.broadcast %add3A_303 : i32 to vector<16xi32>
    %add3A_305 = arith.addi %iota3A_285, %add3A_304 : vector<16xi32>
    %swap3A_306 = arith.constant 32 : index
    %swap3A_307 = tpu.vector_load %arg7[%swap3A_306] {strides = array<i32>} : memref<128xi32, #tpu.memory_space<vmem>>, vector<16xi32>,
    %swap3A_308 = vector.shape_cast %swap3A_307 : vector<16xi32> to vector<16xi32>
    %swap3A_309 = vector.shape_cast %add3A_305 : vector<16xi32> to vector<16xi32>
    tpu.vector_store %arg7[%swap3A_306], %swap3A_309 {strides = array<i32>} : memref<128xi32, #tpu.memory_space<vmem>>, vector<16xi32>,
    %add3A_310 = arith.constant 48 : i32
    %add3A_311 = arith.addi %add3A_284, %add3A_310 : i32
    %add3A_312 = vector.broadcast %add3A_311 : i32 to vector<16xi32>
    %add3A_313 = arith.addi %iota3A_285, %add3A_312 : vector<16xi32>
    %swap3A_314 = arith.constant 48 : index
    %swap3A_315 = tpu.vector_load %arg7[%swap3A_314] {strides = array<i32>} : memref<128xi32, #tpu.memory_space<vmem>>, vector<16xi32>,
    %swap3A_316 = vector.shape_cast %swap3A_315 : vector<16xi32> to vector<16xi32>
    %swap3A_317 = vector.shape_cast %add3A_313 : vector<16xi32> to vector<16xi32>
    tpu.vector_store %arg7[%swap3A_314], %swap3A_317 {strides = array<i32>} : memref<128xi32, #tpu.memory_space<vmem>>, vector<16xi32>,
    %add3A_318 = arith.constant 64 : i32
    %add3A_319 = arith.addi %add3A_284, %add3A_318 : i32
    %add3A_320 = vector.broadcast %add3A_319 : i32 to vector<16xi32>
    %add3A_321 = arith.addi %iota3A_285, %add3A_320 : vector<16xi32>
    %swap3A_322 = arith.constant 64 : index
    %swap3A_323 = tpu.vector_load %arg7[%swap3A_322] {strides = array<i32>} : memref<128xi32, #tpu.memory_space<vmem>>, vector<16xi32>,
    %swap3A_324 = vector.shape_cast %swap3A_323 : vector<16xi32> to vector<16xi32>
    %swap3A_325 = vector.shape_cast %add3A_321 : vector<16xi32> to vector<16xi32>
    tpu.vector_store %arg7[%swap3A_322], %swap3A_325 {strides = array<i32>} : memref<128xi32, #tpu.memory_space<vmem>>, vector<16xi32>,
    %add3A_326 = arith.constant 80 : i32
    %add3A_327 = arith.addi %add3A_284, %add3A_326 : i32
    %add3A_328 = vector.broadcast %add3A_327 : i32 to vector<16xi32>
    %add3A_329 = arith.addi %iota3A_285, %add3A_328 : vector<16xi32>
    %swap3A_330 = arith.constant 80 : index
    %swap3A_331 = tpu.vector_load %arg7[%swap3A_330] {strides = array<i32>} : memref<128xi32, #tpu.memory_space<vmem>>, vector<16xi32>,
    %swap3A_332 = vector.shape_cast %swap3A_331 : vector<16xi32> to vector<16xi32>
    %swap3A_333 = vector.shape_cast %add3A_329 : vector<16xi32> to vector<16xi32>
    tpu.vector_store %arg7[%swap3A_330], %swap3A_333 {strides = array<i32>} : memref<128xi32, #tpu.memory_space<vmem>>, vector<16xi32>,
    %add3A_334 = arith.constant 96 : i32
    %add3A_335 = arith.addi %add3A_284, %add3A_334 : i32
    %add3A_336 = vector.broadcast %add3A_335 : i32 to vector<16xi32>
    %add3A_337 = arith.addi %iota3A_285, %add3A_336 : vector<16xi32>
    %swap3A_338 = arith.constant 96 : index
    %swap3A_339 = tpu.vector_load %arg7[%swap3A_338] {strides = array<i32>} : memref<128xi32, #tpu.memory_space<vmem>>, vector<16xi32>,
    %swap3A_340 = vector.shape_cast %swap3A_339 : vector<16xi32> to vector<16xi32>
    %swap3A_341 = vector.shape_cast %add3A_337 : vector<16xi32> to vector<16xi32>
    tpu.vector_store %arg7[%swap3A_338], %swap3A_341 {strides = array<i32>} : memref<128xi32, #tpu.memory_space<vmem>>, vector<16xi32>,
    %add3A_342 = arith.constant 112 : i32
    %add3A_343 = arith.addi %add3A_284, %add3A_342 : i32
    %add3A_344 = vector.broadcast %add3A_343 : i32 to vector<16xi32>
    %add3A_345 = arith.addi %iota3A_285, %add3A_344 : vector<16xi32>
    %swap3A_346 = arith.constant 112 : index
    %swap3A_347 = tpu.vector_load %arg7[%swap3A_346] {strides = array<i32>} : memref<128xi32, #tpu.memory_space<vmem>>, vector<16xi32>,
    %swap3A_348 = vector.shape_cast %swap3A_347 : vector<16xi32> to vector<16xi32>
    %swap3A_349 = vector.shape_cast %add3A_345 : vector<16xi32> to vector<16xi32>
    tpu.vector_store %arg7[%swap3A_346], %swap3A_349 {strides = array<i32>} : memref<128xi32, #tpu.memory_space<vmem>>, vector<16xi32>,
    "tpu.region"() ({
      %run_scoped3A = tpu.sem_alloc : memref<!tpu.dma_semaphore, #tpu.memory_space<semaphore_mem>>
      %dma_start3A = arith.constant 0 : i32
      %dma_start3A_721 = arith.constant 0 : i32
      %dma_start3A_722 = tpu.memref_slice %arg9[%dma_start3A, %dma_start3A_721] : memref<10240x16xf32, #tpu.memory_space<vmem_shared>> -> memref<10240x16xf32, #tpu.memory_space<vmem_shared>>
      tpu.enqueue_indirect_dma source(%arg6 : memref<128x16xf32, #tpu.memory_space<vmem>>) target(%dma_start3A_722 : memref<10240x16xf32, #tpu.memory_space<vmem_shared>>) offsets(%arg7 : memref<128xi32, #tpu.memory_space<vmem>>) semaphore(%run_scoped3A : memref<!tpu.dma_semaphore, #tpu.memory_space<semaphore_mem>>)
      %dma_wait3A = arith.constant 0 : i32
      %dma_wait3A_723 = arith.constant 0 : i32
      %dma_wait3A_724 = tpu.memref_slice %arg9[%dma_wait3A, %dma_wait3A_723] : memref<10240x16xf32, #tpu.memory_space<vmem_shared>> -> memref<10240x16xf32, #tpu.memory_space<vmem_shared>>
      tpu.wait_indirect_dma semaphore(%run_scoped3A : memref<!tpu.dma_semaphore, #tpu.memory_space<semaphore_mem>>) src(%arg6 : memref<128x16xf32, #tpu.memory_space<vmem>>) dst(%dma_wait3A_724 : memref<10240x16xf32, #tpu.memory_space<vmem_shared>>)
      tpu.yield
    }) : () -> ()
    %barrier3A = arith.constant 0 : index
    tpu.barrier barrier_id(%barrier3A)
    %mul3A_350 = arith.constant 16 : i32
    %mul3A_351 = arith.muli %arg0, %mul3A_350 : i32
    %add3A_352 = arith.addi %mul3A_351, %arg1 : i32
    %mul3A_353 = arith.constant 5120 : i32
    %mul3A_354 = arith.muli %add3A_352, %mul3A_353 : i32
    %scan3A_355 = arith.constant 0 : i32
    %scan3A_356 = arith.constant 40 : i32
    %scan3A_357 = arith.addi %scan3A_355, %scan3A_356 : i32
    %scan3A_358 = arith.constant 1 : i32
    scf.for %scan3A_721 = %scan3A_355 to %scan3A_357 step %scan3A_358  : i32 {
      %mul3A_722 = arith.constant 128 : i32
      %mul3A_723 = arith.muli %scan3A_721, %mul3A_722 : i32
      %add3A_724 = arith.addi %mul3A_354, %mul3A_723 : i32
      "tpu.region"() ({
        %run_scoped3A = tpu.sem_alloc : memref<!tpu.dma_semaphore, #tpu.memory_space<semaphore_mem>>
        %dma_start3A = tpu.memref_slice %arg2[%add3A_724] : memref<163840xi32, #tpu.memory_space<hbm>> -> memref<128xi32, #tpu.memory_space<hbm>>
        %dma_start3A_725 = tpu.memref_slice %arg2[%add3A_724] : memref<163840xi32, #tpu.memory_space<hbm>> -> memref<128xi32, #tpu.memory_space<hbm>>
        tpu.enqueue_dma source(%dma_start3A_725 : memref<128xi32, #tpu.memory_space<hbm>>) target(%arg4 : memref<128xi32, #tpu.memory_space<vmem>>) target_semaphore(%run_scoped3A : memref<!tpu.dma_semaphore, #tpu.memory_space<semaphore_mem>>)
        %dma_wait3A = tpu.memref_slice %arg2[%add3A_724] : memref<163840xi32, #tpu.memory_space<hbm>> -> memref<128xi32, #tpu.memory_space<hbm>>
        %dma_wait3A_726 = tpu.memref_slice %arg2[%add3A_724] : memref<163840xi32, #tpu.memory_space<hbm>> -> memref<128xi32, #tpu.memory_space<hbm>>
        tpu.wait_dma2 semaphore(%run_scoped3A : memref<!tpu.dma_semaphore, #tpu.memory_space<semaphore_mem>>) src(%dma_wait3A_726 : memref<128xi32, #tpu.memory_space<hbm>>) dst(%arg4 : memref<128xi32, #tpu.memory_space<vmem>>)
        tpu.yield
      }) : () -> ()
      "tpu.region"() ({
        %run_scoped3A = tpu.sem_alloc : memref<!tpu.dma_semaphore, #tpu.memory_space<semaphore_mem>>
        %dma_start3A = arith.constant 0 : i32
        %dma_start3A_725 = arith.constant 0 : i32
        %dma_start3A_726 = tpu.memref_slice %arg9[%dma_start3A, %dma_start3A_725] : memref<10240x16xf32, #tpu.memory_space<vmem_shared>> -> memref<10240x16xf32, #tpu.memory_space<vmem_shared>>
        tpu.enqueue_indirect_dma source(%arg5 : memref<128x16xf32, #tpu.memory_space<vmem>>) target(%dma_start3A_726 : memref<10240x16xf32, #tpu.memory_space<vmem_shared>>) offsets(%arg4 : memref<128xi32, #tpu.memory_space<vmem>>) semaphore(%run_scoped3A : memref<!tpu.dma_semaphore, #tpu.memory_space<semaphore_mem>>) {add = true}
        %dma_wait3A = arith.constant 0 : i32
        %dma_wait3A_727 = arith.constant 0 : i32
        %dma_wait3A_728 = tpu.memref_slice %arg9[%dma_wait3A, %dma_wait3A_727] : memref<10240x16xf32, #tpu.memory_space<vmem_shared>> -> memref<10240x16xf32, #tpu.memory_space<vmem_shared>>
        tpu.wait_indirect_dma semaphore(%run_scoped3A : memref<!tpu.dma_semaphore, #tpu.memory_space<semaphore_mem>>) src(%arg5 : memref<128x16xf32, #tpu.memory_space<vmem>>) dst(%dma_wait3A_728 : memref<10240x16xf32, #tpu.memory_space<vmem_shared>>)
        tpu.yield
      }) : () -> ()
    }
    %scan3A_359 = arith.constant 40 : i32
    %barrier3A_360 = arith.constant 0 : index
    tpu.barrier barrier_id(%barrier3A_360)
    %mul3A_361 = arith.constant 640 : i32
    %mul3A_362 = arith.muli %arg1, %mul3A_361 : i32
    %add3A_363 = arith.constant 0 : i32
    %add3A_364 = arith.addi %mul3A_362, %add3A_363 : i32
    %iota3A_365 = tpu.iota {dimensions = array<i32: 0>} : vector<16xi32>
    %add3A_366 = arith.constant 0 : i32
    %add3A_367 = arith.addi %add3A_364, %add3A_366 : i32
    %add3A_368 = vector.broadcast %add3A_367 : i32 to vector<16xi32>
    %add3A_369 = arith.addi %iota3A_365, %add3A_368 : vector<16xi32>
    %swap3A_370 = arith.constant 0 : index
    %swap3A_371 = tpu.vector_load %arg7[%swap3A_370] {strides = array<i32>} : memref<128xi32, #tpu.memory_space<vmem>>, vector<16xi32>,
    %swap3A_372 = vector.shape_cast %swap3A_371 : vector<16xi32> to vector<16xi32>
    %swap3A_373 = vector.shape_cast %add3A_369 : vector<16xi32> to vector<16xi32>
    tpu.vector_store %arg7[%swap3A_370], %swap3A_373 {strides = array<i32>} : memref<128xi32, #tpu.memory_space<vmem>>, vector<16xi32>,
    %add3A_374 = arith.constant 16 : i32
    %add3A_375 = arith.addi %add3A_364, %add3A_374 : i32
    %add3A_376 = vector.broadcast %add3A_375 : i32 to vector<16xi32>
    %add3A_377 = arith.addi %iota3A_365, %add3A_376 : vector<16xi32>
    %swap3A_378 = arith.constant 16 : index
    %swap3A_379 = tpu.vector_load %arg7[%swap3A_378] {strides = array<i32>} : memref<128xi32, #tpu.memory_space<vmem>>, vector<16xi32>,
    %swap3A_380 = vector.shape_cast %swap3A_379 : vector<16xi32> to vector<16xi32>
    %swap3A_381 = vector.shape_cast %add3A_377 : vector<16xi32> to vector<16xi32>
    tpu.vector_store %arg7[%swap3A_378], %swap3A_381 {strides = array<i32>} : memref<128xi32, #tpu.memory_space<vmem>>, vector<16xi32>,
    %add3A_382 = arith.constant 32 : i32
    %add3A_383 = arith.addi %add3A_364, %add3A_382 : i32
    %add3A_384 = vector.broadcast %add3A_383 : i32 to vector<16xi32>
    %add3A_385 = arith.addi %iota3A_365, %add3A_384 : vector<16xi32>
    %swap3A_386 = arith.constant 32 : index
    %swap3A_387 = tpu.vector_load %arg7[%swap3A_386] {strides = array<i32>} : memref<128xi32, #tpu.memory_space<vmem>>, vector<16xi32>,
    %swap3A_388 = vector.shape_cast %swap3A_387 : vector<16xi32> to vector<16xi32>
    %swap3A_389 = vector.shape_cast %add3A_385 : vector<16xi32> to vector<16xi32>
    tpu.vector_store %arg7[%swap3A_386], %swap3A_389 {strides = array<i32>} : memref<128xi32, #tpu.memory_space<vmem>>, vector<16xi32>,
    %add3A_390 = arith.constant 48 : i32
    %add3A_391 = arith.addi %add3A_364, %add3A_390 : i32
    %add3A_392 = vector.broadcast %add3A_391 : i32 to vector<16xi32>
    %add3A_393 = arith.addi %iota3A_365, %add3A_392 : vector<16xi32>
    %swap3A_394 = arith.constant 48 : index
    %swap3A_395 = tpu.vector_load %arg7[%swap3A_394] {strides = array<i32>} : memref<128xi32, #tpu.memory_space<vmem>>, vector<16xi32>,
    %swap3A_396 = vector.shape_cast %swap3A_395 : vector<16xi32> to vector<16xi32>
    %swap3A_397 = vector.shape_cast %add3A_393 : vector<16xi32> to vector<16xi32>
    tpu.vector_store %arg7[%swap3A_394], %swap3A_397 {strides = array<i32>} : memref<128xi32, #tpu.memory_space<vmem>>, vector<16xi32>,
    %add3A_398 = arith.constant 64 : i32
    %add3A_399 = arith.addi %add3A_364, %add3A_398 : i32
    %add3A_400 = vector.broadcast %add3A_399 : i32 to vector<16xi32>
    %add3A_401 = arith.addi %iota3A_365, %add3A_400 : vector<16xi32>
    %swap3A_402 = arith.constant 64 : index
    %swap3A_403 = tpu.vector_load %arg7[%swap3A_402] {strides = array<i32>} : memref<128xi32, #tpu.memory_space<vmem>>, vector<16xi32>,
    %swap3A_404 = vector.shape_cast %swap3A_403 : vector<16xi32> to vector<16xi32>
    %swap3A_405 = vector.shape_cast %add3A_401 : vector<16xi32> to vector<16xi32>
    tpu.vector_store %arg7[%swap3A_402], %swap3A_405 {strides = array<i32>} : memref<128xi32, #tpu.memory_space<vmem>>, vector<16xi32>,
    %add3A_406 = arith.constant 80 : i32
    %add3A_407 = arith.addi %add3A_364, %add3A_406 : i32
    %add3A_408 = vector.broadcast %add3A_407 : i32 to vector<16xi32>
    %add3A_409 = arith.addi %iota3A_365, %add3A_408 : vector<16xi32>
    %swap3A_410 = arith.constant 80 : index
    %swap3A_411 = tpu.vector_load %arg7[%swap3A_410] {strides = array<i32>} : memref<128xi32, #tpu.memory_space<vmem>>, vector<16xi32>,
    %swap3A_412 = vector.shape_cast %swap3A_411 : vector<16xi32> to vector<16xi32>
    %swap3A_413 = vector.shape_cast %add3A_409 : vector<16xi32> to vector<16xi32>
    tpu.vector_store %arg7[%swap3A_410], %swap3A_413 {strides = array<i32>} : memref<128xi32, #tpu.memory_space<vmem>>, vector<16xi32>,
    %add3A_414 = arith.constant 96 : i32
    %add3A_415 = arith.addi %add3A_364, %add3A_414 : i32
    %add3A_416 = vector.broadcast %add3A_415 : i32 to vector<16xi32>
    %add3A_417 = arith.addi %iota3A_365, %add3A_416 : vector<16xi32>
    %swap3A_418 = arith.constant 96 : index
    %swap3A_419 = tpu.vector_load %arg7[%swap3A_418] {strides = array<i32>} : memref<128xi32, #tpu.memory_space<vmem>>, vector<16xi32>,
    %swap3A_420 = vector.shape_cast %swap3A_419 : vector<16xi32> to vector<16xi32>
    %swap3A_421 = vector.shape_cast %add3A_417 : vector<16xi32> to vector<16xi32>
    tpu.vector_store %arg7[%swap3A_418], %swap3A_421 {strides = array<i32>} : memref<128xi32, #tpu.memory_space<vmem>>, vector<16xi32>,
    %add3A_422 = arith.constant 112 : i32
    %add3A_423 = arith.addi %add3A_364, %add3A_422 : i32
    %add3A_424 = vector.broadcast %add3A_423 : i32 to vector<16xi32>
    %add3A_425 = arith.addi %iota3A_365, %add3A_424 : vector<16xi32>
    %swap3A_426 = arith.constant 112 : index
    %swap3A_427 = tpu.vector_load %arg7[%swap3A_426] {strides = array<i32>} : memref<128xi32, #tpu.memory_space<vmem>>, vector<16xi32>,
    %swap3A_428 = vector.shape_cast %swap3A_427 : vector<16xi32> to vector<16xi32>
    %swap3A_429 = vector.shape_cast %add3A_425 : vector<16xi32> to vector<16xi32>
    tpu.vector_store %arg7[%swap3A_426], %swap3A_429 {strides = array<i32>} : memref<128xi32, #tpu.memory_space<vmem>>, vector<16xi32>,
    "tpu.region"() ({
      %run_scoped3A = tpu.sem_alloc : memref<!tpu.dma_semaphore, #tpu.memory_space<semaphore_mem>>
      %dma_start3A = arith.constant 0 : i32
      %dma_start3A_721 = arith.constant 0 : i32
      %dma_start3A_722 = tpu.memref_slice %arg9[%dma_start3A, %dma_start3A_721] : memref<10240x16xf32, #tpu.memory_space<vmem_shared>> -> memref<10240x16xf32, #tpu.memory_space<vmem_shared>>
      tpu.enqueue_indirect_dma source(%dma_start3A_722 : memref<10240x16xf32, #tpu.memory_space<vmem_shared>>) target(%arg8 : memref<128x16xf32, #tpu.memory_space<vmem>>) offsets(%arg7 : memref<128xi32, #tpu.memory_space<vmem>>) semaphore(%run_scoped3A : memref<!tpu.dma_semaphore, #tpu.memory_space<semaphore_mem>>)
      %dma_wait3A = arith.constant 0 : i32
      %dma_wait3A_723 = arith.constant 0 : i32
      %dma_wait3A_724 = tpu.memref_slice %arg9[%dma_wait3A, %dma_wait3A_723] : memref<10240x16xf32, #tpu.memory_space<vmem_shared>> -> memref<10240x16xf32, #tpu.memory_space<vmem_shared>>
      tpu.wait_indirect_dma semaphore(%run_scoped3A : memref<!tpu.dma_semaphore, #tpu.memory_space<semaphore_mem>>) src(%dma_wait3A_724 : memref<10240x16xf32, #tpu.memory_space<vmem_shared>>) dst(%arg8 : memref<128x16xf32, #tpu.memory_space<vmem>>)
      tpu.yield
    }) : () -> ()
    %mul3A_430 = arith.constant 10240 : i32
    %mul3A_431 = arith.muli %arg0, %mul3A_430 : i32
    %add3A_432 = arith.addi %mul3A_431, %add3A_364 : i32
    "tpu.region"() ({
      %run_scoped3A = tpu.sem_alloc : memref<!tpu.dma_semaphore, #tpu.memory_space<semaphore_mem>>
      %dma_start3A = arith.constant 0 : i32
      %dma_start3A_721 = tpu.memref_slice %arg3[%add3A_432, %dma_start3A] : memref<20480x16xf32, #tpu.memory_space<hbm>> -> memref<128x16xf32, #tpu.memory_space<hbm>>
      %dma_start3A_722 = arith.constant 0 : i32
      %dma_start3A_723 = tpu.memref_slice %arg3[%add3A_432, %dma_start3A_722] : memref<20480x16xf32, #tpu.memory_space<hbm>> -> memref<128x16xf32, #tpu.memory_space<hbm>>
      tpu.enqueue_dma source(%arg8 : memref<128x16xf32, #tpu.memory_space<vmem>>) target(%dma_start3A_723 : memref<128x16xf32, #tpu.memory_space<hbm>>) target_semaphore(%run_scoped3A : memref<!tpu.dma_semaphore, #tpu.memory_space<semaphore_mem>>)
      %dma_wait3A = arith.constant 0 : i32
      %dma_wait3A_724 = tpu.memref_slice %arg3[%add3A_432, %dma_wait3A] : memref<20480x16xf32, #tpu.memory_space<hbm>> -> memref<128x16xf32, #tpu.memory_space<hbm>>
      %dma_wait3A_725 = arith.constant 0 : i32
      %dma_wait3A_726 = tpu.memref_slice %arg3[%add3A_432, %dma_wait3A_725] : memref<20480x16xf32, #tpu.memory_space<hbm>> -> memref<128x16xf32, #tpu.memory_space<hbm>>
      tpu.wait_dma2 semaphore(%run_scoped3A : memref<!tpu.dma_semaphore, #tpu.memory_space<semaphore_mem>>) src(%arg8 : memref<128x16xf32, #tpu.memory_space<vmem>>) dst(%dma_wait3A_726 : memref<128x16xf32, #tpu.memory_space<hbm>>)
      tpu.yield
    }) : () -> ()
    %mul3A_433 = arith.constant 640 : i32
    %mul3A_434 = arith.muli %arg1, %mul3A_433 : i32
    %add3A_435 = arith.constant 128 : i32
    %add3A_436 = arith.addi %mul3A_434, %add3A_435 : i32
    %iota3A_437 = tpu.iota {dimensions = array<i32: 0>} : vector<16xi32>
    %add3A_438 = arith.constant 0 : i32
    %add3A_439 = arith.addi %add3A_436, %add3A_438 : i32
    %add3A_440 = vector.broadcast %add3A_439 : i32 to vector<16xi32>
    %add3A_441 = arith.addi %iota3A_437, %add3A_440 : vector<16xi32>
    %swap3A_442 = arith.constant 0 : index
    %swap3A_443 = tpu.vector_load %arg7[%swap3A_442] {strides = array<i32>} : memref<128xi32, #tpu.memory_space<vmem>>, vector<16xi32>,
    %swap3A_444 = vector.shape_cast %swap3A_443 : vector<16xi32> to vector<16xi32>
    %swap3A_445 = vector.shape_cast %add3A_441 : vector<16xi32> to vector<16xi32>
    tpu.vector_store %arg7[%swap3A_442], %swap3A_445 {strides = array<i32>} : memref<128xi32, #tpu.memory_space<vmem>>, vector<16xi32>,
    %add3A_446 = arith.constant 16 : i32
    %add3A_447 = arith.addi %add3A_436, %add3A_446 : i32
    %add3A_448 = vector.broadcast %add3A_447 : i32 to vector<16xi32>
    %add3A_449 = arith.addi %iota3A_437, %add3A_448 : vector<16xi32>
    %swap3A_450 = arith.constant 16 : index
    %swap3A_451 = tpu.vector_load %arg7[%swap3A_450] {strides = array<i32>} : memref<128xi32, #tpu.memory_space<vmem>>, vector<16xi32>,
    %swap3A_452 = vector.shape_cast %swap3A_451 : vector<16xi32> to vector<16xi32>
    %swap3A_453 = vector.shape_cast %add3A_449 : vector<16xi32> to vector<16xi32>
    tpu.vector_store %arg7[%swap3A_450], %swap3A_453 {strides = array<i32>} : memref<128xi32, #tpu.memory_space<vmem>>, vector<16xi32>,
    %add3A_454 = arith.constant 32 : i32
    %add3A_455 = arith.addi %add3A_436, %add3A_454 : i32
    %add3A_456 = vector.broadcast %add3A_455 : i32 to vector<16xi32>
    %add3A_457 = arith.addi %iota3A_437, %add3A_456 : vector<16xi32>
    %swap3A_458 = arith.constant 32 : index
    %swap3A_459 = tpu.vector_load %arg7[%swap3A_458] {strides = array<i32>} : memref<128xi32, #tpu.memory_space<vmem>>, vector<16xi32>,
    %swap3A_460 = vector.shape_cast %swap3A_459 : vector<16xi32> to vector<16xi32>
    %swap3A_461 = vector.shape_cast %add3A_457 : vector<16xi32> to vector<16xi32>
    tpu.vector_store %arg7[%swap3A_458], %swap3A_461 {strides = array<i32>} : memref<128xi32, #tpu.memory_space<vmem>>, vector<16xi32>,
    %add3A_462 = arith.constant 48 : i32
    %add3A_463 = arith.addi %add3A_436, %add3A_462 : i32
    %add3A_464 = vector.broadcast %add3A_463 : i32 to vector<16xi32>
    %add3A_465 = arith.addi %iota3A_437, %add3A_464 : vector<16xi32>
    %swap3A_466 = arith.constant 48 : index
    %swap3A_467 = tpu.vector_load %arg7[%swap3A_466] {strides = array<i32>} : memref<128xi32, #tpu.memory_space<vmem>>, vector<16xi32>,
    %swap3A_468 = vector.shape_cast %swap3A_467 : vector<16xi32> to vector<16xi32>
    %swap3A_469 = vector.shape_cast %add3A_465 : vector<16xi32> to vector<16xi32>
    tpu.vector_store %arg7[%swap3A_466], %swap3A_469 {strides = array<i32>} : memref<128xi32, #tpu.memory_space<vmem>>, vector<16xi32>,
    %add3A_470 = arith.constant 64 : i32
    %add3A_471 = arith.addi %add3A_436, %add3A_470 : i32
    %add3A_472 = vector.broadcast %add3A_471 : i32 to vector<16xi32>
    %add3A_473 = arith.addi %iota3A_437, %add3A_472 : vector<16xi32>
    %swap3A_474 = arith.constant 64 : index
    %swap3A_475 = tpu.vector_load %arg7[%swap3A_474] {strides = array<i32>} : memref<128xi32, #tpu.memory_space<vmem>>, vector<16xi32>,
    %swap3A_476 = vector.shape_cast %swap3A_475 : vector<16xi32> to vector<16xi32>
    %swap3A_477 = vector.shape_cast %add3A_473 : vector<16xi32> to vector<16xi32>
    tpu.vector_store %arg7[%swap3A_474], %swap3A_477 {strides = array<i32>} : memref<128xi32, #tpu.memory_space<vmem>>, vector<16xi32>,
    %add3A_478 = arith.constant 80 : i32
    %add3A_479 = arith.addi %add3A_436, %add3A_478 : i32
    %add3A_480 = vector.broadcast %add3A_479 : i32 to vector<16xi32>
    %add3A_481 = arith.addi %iota3A_437, %add3A_480 : vector<16xi32>
    %swap3A_482 = arith.constant 80 : index
    %swap3A_483 = tpu.vector_load %arg7[%swap3A_482] {strides = array<i32>} : memref<128xi32, #tpu.memory_space<vmem>>, vector<16xi32>,
    %swap3A_484 = vector.shape_cast %swap3A_483 : vector<16xi32> to vector<16xi32>
    %swap3A_485 = vector.shape_cast %add3A_481 : vector<16xi32> to vector<16xi32>
    tpu.vector_store %arg7[%swap3A_482], %swap3A_485 {strides = array<i32>} : memref<128xi32, #tpu.memory_space<vmem>>, vector<16xi32>,
    %add3A_486 = arith.constant 96 : i32
    %add3A_487 = arith.addi %add3A_436, %add3A_486 : i32
    %add3A_488 = vector.broadcast %add3A_487 : i32 to vector<16xi32>
    %add3A_489 = arith.addi %iota3A_437, %add3A_488 : vector<16xi32>
    %swap3A_490 = arith.constant 96 : index
    %swap3A_491 = tpu.vector_load %arg7[%swap3A_490] {strides = array<i32>} : memref<128xi32, #tpu.memory_space<vmem>>, vector<16xi32>,
    %swap3A_492 = vector.shape_cast %swap3A_491 : vector<16xi32> to vector<16xi32>
    %swap3A_493 = vector.shape_cast %add3A_489 : vector<16xi32> to vector<16xi32>
    tpu.vector_store %arg7[%swap3A_490], %swap3A_493 {strides = array<i32>} : memref<128xi32, #tpu.memory_space<vmem>>, vector<16xi32>,
    %add3A_494 = arith.constant 112 : i32
    %add3A_495 = arith.addi %add3A_436, %add3A_494 : i32
    %add3A_496 = vector.broadcast %add3A_495 : i32 to vector<16xi32>
    %add3A_497 = arith.addi %iota3A_437, %add3A_496 : vector<16xi32>
    %swap3A_498 = arith.constant 112 : index
    %swap3A_499 = tpu.vector_load %arg7[%swap3A_498] {strides = array<i32>} : memref<128xi32, #tpu.memory_space<vmem>>, vector<16xi32>,
    %swap3A_500 = vector.shape_cast %swap3A_499 : vector<16xi32> to vector<16xi32>
    %swap3A_501 = vector.shape_cast %add3A_497 : vector<16xi32> to vector<16xi32>
    tpu.vector_store %arg7[%swap3A_498], %swap3A_501 {strides = array<i32>} : memref<128xi32, #tpu.memory_space<vmem>>, vector<16xi32>,
    "tpu.region"() ({
      %run_scoped3A = tpu.sem_alloc : memref<!tpu.dma_semaphore, #tpu.memory_space<semaphore_mem>>
      %dma_start3A = arith.constant 0 : i32
      %dma_start3A_721 = arith.constant 0 : i32
      %dma_start3A_722 = tpu.memref_slice %arg9[%dma_start3A, %dma_start3A_721] : memref<10240x16xf32, #tpu.memory_space<vmem_shared>> -> memref<10240x16xf32, #tpu.memory_space<vmem_shared>>
      tpu.enqueue_indirect_dma source(%dma_start3A_722 : memref<10240x16xf32, #tpu.memory_space<vmem_shared>>) target(%arg8 : memref<128x16xf32, #tpu.memory_space<vmem>>) offsets(%arg7 : memref<128xi32, #tpu.memory_space<vmem>>) semaphore(%run_scoped3A : memref<!tpu.dma_semaphore, #tpu.memory_space<semaphore_mem>>)
      %dma_wait3A = arith.constant 0 : i32
      %dma_wait3A_723 = arith.constant 0 : i32
      %dma_wait3A_724 = tpu.memref_slice %arg9[%dma_wait3A, %dma_wait3A_723] : memref<10240x16xf32, #tpu.memory_space<vmem_shared>> -> memref<10240x16xf32, #tpu.memory_space<vmem_shared>>
      tpu.wait_indirect_dma semaphore(%run_scoped3A : memref<!tpu.dma_semaphore, #tpu.memory_space<semaphore_mem>>) src(%dma_wait3A_724 : memref<10240x16xf32, #tpu.memory_space<vmem_shared>>) dst(%arg8 : memref<128x16xf32, #tpu.memory_space<vmem>>)
      tpu.yield
    }) : () -> ()
    %mul3A_502 = arith.constant 10240 : i32
    %mul3A_503 = arith.muli %arg0, %mul3A_502 : i32
    %add3A_504 = arith.addi %mul3A_503, %add3A_436 : i32
    "tpu.region"() ({
      %run_scoped3A = tpu.sem_alloc : memref<!tpu.dma_semaphore, #tpu.memory_space<semaphore_mem>>
      %dma_start3A = arith.constant 0 : i32
      %dma_start3A_721 = tpu.memref_slice %arg3[%add3A_504, %dma_start3A] : memref<20480x16xf32, #tpu.memory_space<hbm>> -> memref<128x16xf32, #tpu.memory_space<hbm>>
      %dma_start3A_722 = arith.constant 0 : i32
      %dma_start3A_723 = tpu.memref_slice %arg3[%add3A_504, %dma_start3A_722] : memref<20480x16xf32, #tpu.memory_space<hbm>> -> memref<128x16xf32, #tpu.memory_space<hbm>>
      tpu.enqueue_dma source(%arg8 : memref<128x16xf32, #tpu.memory_space<vmem>>) target(%dma_start3A_723 : memref<128x16xf32, #tpu.memory_space<hbm>>) target_semaphore(%run_scoped3A : memref<!tpu.dma_semaphore, #tpu.memory_space<semaphore_mem>>)
      %dma_wait3A = arith.constant 0 : i32
      %dma_wait3A_724 = tpu.memref_slice %arg3[%add3A_504, %dma_wait3A] : memref<20480x16xf32, #tpu.memory_space<hbm>> -> memref<128x16xf32, #tpu.memory_space<hbm>>
      %dma_wait3A_725 = arith.constant 0 : i32
      %dma_wait3A_726 = tpu.memref_slice %arg3[%add3A_504, %dma_wait3A_725] : memref<20480x16xf32, #tpu.memory_space<hbm>> -> memref<128x16xf32, #tpu.memory_space<hbm>>
      tpu.wait_dma2 semaphore(%run_scoped3A : memref<!tpu.dma_semaphore, #tpu.memory_space<semaphore_mem>>) src(%arg8 : memref<128x16xf32, #tpu.memory_space<vmem>>) dst(%dma_wait3A_726 : memref<128x16xf32, #tpu.memory_space<hbm>>)
      tpu.yield
    }) : () -> ()
    %mul3A_505 = arith.constant 640 : i32
    %mul3A_506 = arith.muli %arg1, %mul3A_505 : i32
    %add3A_507 = arith.constant 256 : i32
    %add3A_508 = arith.addi %mul3A_506, %add3A_507 : i32
    %iota3A_509 = tpu.iota {dimensions = array<i32: 0>} : vector<16xi32>
    %add3A_510 = arith.constant 0 : i32
    %add3A_511 = arith.addi %add3A_508, %add3A_510 : i32
    %add3A_512 = vector.broadcast %add3A_511 : i32 to vector<16xi32>
    %add3A_513 = arith.addi %iota3A_509, %add3A_512 : vector<16xi32>
    %swap3A_514 = arith.constant 0 : index
    %swap3A_515 = tpu.vector_load %arg7[%swap3A_514] {strides = array<i32>} : memref<128xi32, #tpu.memory_space<vmem>>, vector<16xi32>,
    %swap3A_516 = vector.shape_cast %swap3A_515 : vector<16xi32> to vector<16xi32>
    %swap3A_517 = vector.shape_cast %add3A_513 : vector<16xi32> to vector<16xi32>
    tpu.vector_store %arg7[%swap3A_514], %swap3A_517 {strides = array<i32>} : memref<128xi32, #tpu.memory_space<vmem>>, vector<16xi32>,
    %add3A_518 = arith.constant 16 : i32
    %add3A_519 = arith.addi %add3A_508, %add3A_518 : i32
    %add3A_520 = vector.broadcast %add3A_519 : i32 to vector<16xi32>
    %add3A_521 = arith.addi %iota3A_509, %add3A_520 : vector<16xi32>
    %swap3A_522 = arith.constant 16 : index
    %swap3A_523 = tpu.vector_load %arg7[%swap3A_522] {strides = array<i32>} : memref<128xi32, #tpu.memory_space<vmem>>, vector<16xi32>,
    %swap3A_524 = vector.shape_cast %swap3A_523 : vector<16xi32> to vector<16xi32>
    %swap3A_525 = vector.shape_cast %add3A_521 : vector<16xi32> to vector<16xi32>
    tpu.vector_store %arg7[%swap3A_522], %swap3A_525 {strides = array<i32>} : memref<128xi32, #tpu.memory_space<vmem>>, vector<16xi32>,
    %add3A_526 = arith.constant 32 : i32
    %add3A_527 = arith.addi %add3A_508, %add3A_526 : i32
    %add3A_528 = vector.broadcast %add3A_527 : i32 to vector<16xi32>
    %add3A_529 = arith.addi %iota3A_509, %add3A_528 : vector<16xi32>
    %swap3A_530 = arith.constant 32 : index
    %swap3A_531 = tpu.vector_load %arg7[%swap3A_530] {strides = array<i32>} : memref<128xi32, #tpu.memory_space<vmem>>, vector<16xi32>,
    %swap3A_532 = vector.shape_cast %swap3A_531 : vector<16xi32> to vector<16xi32>
    %swap3A_533 = vector.shape_cast %add3A_529 : vector<16xi32> to vector<16xi32>
    tpu.vector_store %arg7[%swap3A_530], %swap3A_533 {strides = array<i32>} : memref<128xi32, #tpu.memory_space<vmem>>, vector<16xi32>,
    %add3A_534 = arith.constant 48 : i32
    %add3A_535 = arith.addi %add3A_508, %add3A_534 : i32
    %add3A_536 = vector.broadcast %add3A_535 : i32 to vector<16xi32>
    %add3A_537 = arith.addi %iota3A_509, %add3A_536 : vector<16xi32>
    %swap3A_538 = arith.constant 48 : index
    %swap3A_539 = tpu.vector_load %arg7[%swap3A_538] {strides = array<i32>} : memref<128xi32, #tpu.memory_space<vmem>>, vector<16xi32>,
    %swap3A_540 = vector.shape_cast %swap3A_539 : vector<16xi32> to vector<16xi32>
    %swap3A_541 = vector.shape_cast %add3A_537 : vector<16xi32> to vector<16xi32>
    tpu.vector_store %arg7[%swap3A_538], %swap3A_541 {strides = array<i32>} : memref<128xi32, #tpu.memory_space<vmem>>, vector<16xi32>,
    %add3A_542 = arith.constant 64 : i32
    %add3A_543 = arith.addi %add3A_508, %add3A_542 : i32
    %add3A_544 = vector.broadcast %add3A_543 : i32 to vector<16xi32>
    %add3A_545 = arith.addi %iota3A_509, %add3A_544 : vector<16xi32>
    %swap3A_546 = arith.constant 64 : index
    %swap3A_547 = tpu.vector_load %arg7[%swap3A_546] {strides = array<i32>} : memref<128xi32, #tpu.memory_space<vmem>>, vector<16xi32>,
    %swap3A_548 = vector.shape_cast %swap3A_547 : vector<16xi32> to vector<16xi32>
    %swap3A_549 = vector.shape_cast %add3A_545 : vector<16xi32> to vector<16xi32>
    tpu.vector_store %arg7[%swap3A_546], %swap3A_549 {strides = array<i32>} : memref<128xi32, #tpu.memory_space<vmem>>, vector<16xi32>,
    %add3A_550 = arith.constant 80 : i32
    %add3A_551 = arith.addi %add3A_508, %add3A_550 : i32
    %add3A_552 = vector.broadcast %add3A_551 : i32 to vector<16xi32>
    %add3A_553 = arith.addi %iota3A_509, %add3A_552 : vector<16xi32>
    %swap3A_554 = arith.constant 80 : index
    %swap3A_555 = tpu.vector_load %arg7[%swap3A_554] {strides = array<i32>} : memref<128xi32, #tpu.memory_space<vmem>>, vector<16xi32>,
    %swap3A_556 = vector.shape_cast %swap3A_555 : vector<16xi32> to vector<16xi32>
    %swap3A_557 = vector.shape_cast %add3A_553 : vector<16xi32> to vector<16xi32>
    tpu.vector_store %arg7[%swap3A_554], %swap3A_557 {strides = array<i32>} : memref<128xi32, #tpu.memory_space<vmem>>, vector<16xi32>,
    %add3A_558 = arith.constant 96 : i32
    %add3A_559 = arith.addi %add3A_508, %add3A_558 : i32
    %add3A_560 = vector.broadcast %add3A_559 : i32 to vector<16xi32>
    %add3A_561 = arith.addi %iota3A_509, %add3A_560 : vector<16xi32>
    %swap3A_562 = arith.constant 96 : index
    %swap3A_563 = tpu.vector_load %arg7[%swap3A_562] {strides = array<i32>} : memref<128xi32, #tpu.memory_space<vmem>>, vector<16xi32>,
    %swap3A_564 = vector.shape_cast %swap3A_563 : vector<16xi32> to vector<16xi32>
    %swap3A_565 = vector.shape_cast %add3A_561 : vector<16xi32> to vector<16xi32>
    tpu.vector_store %arg7[%swap3A_562], %swap3A_565 {strides = array<i32>} : memref<128xi32, #tpu.memory_space<vmem>>, vector<16xi32>,
    %add3A_566 = arith.constant 112 : i32
    %add3A_567 = arith.addi %add3A_508, %add3A_566 : i32
    %add3A_568 = vector.broadcast %add3A_567 : i32 to vector<16xi32>
    %add3A_569 = arith.addi %iota3A_509, %add3A_568 : vector<16xi32>
    %swap3A_570 = arith.constant 112 : index
    %swap3A_571 = tpu.vector_load %arg7[%swap3A_570] {strides = array<i32>} : memref<128xi32, #tpu.memory_space<vmem>>, vector<16xi32>,
    %swap3A_572 = vector.shape_cast %swap3A_571 : vector<16xi32> to vector<16xi32>
    %swap3A_573 = vector.shape_cast %add3A_569 : vector<16xi32> to vector<16xi32>
    tpu.vector_store %arg7[%swap3A_570], %swap3A_573 {strides = array<i32>} : memref<128xi32, #tpu.memory_space<vmem>>, vector<16xi32>,
    "tpu.region"() ({
      %run_scoped3A = tpu.sem_alloc : memref<!tpu.dma_semaphore, #tpu.memory_space<semaphore_mem>>
      %dma_start3A = arith.constant 0 : i32
      %dma_start3A_721 = arith.constant 0 : i32
      %dma_start3A_722 = tpu.memref_slice %arg9[%dma_start3A, %dma_start3A_721] : memref<10240x16xf32, #tpu.memory_space<vmem_shared>> -> memref<10240x16xf32, #tpu.memory_space<vmem_shared>>
      tpu.enqueue_indirect_dma source(%dma_start3A_722 : memref<10240x16xf32, #tpu.memory_space<vmem_shared>>) target(%arg8 : memref<128x16xf32, #tpu.memory_space<vmem>>) offsets(%arg7 : memref<128xi32, #tpu.memory_space<vmem>>) semaphore(%run_scoped3A : memref<!tpu.dma_semaphore, #tpu.memory_space<semaphore_mem>>)
      %dma_wait3A = arith.constant 0 : i32
      %dma_wait3A_723 = arith.constant 0 : i32
      %dma_wait3A_724 = tpu.memref_slice %arg9[%dma_wait3A, %dma_wait3A_723] : memref<10240x16xf32, #tpu.memory_space<vmem_shared>> -> memref<10240x16xf32, #tpu.memory_space<vmem_shared>>
      tpu.wait_indirect_dma semaphore(%run_scoped3A : memref<!tpu.dma_semaphore, #tpu.memory_space<semaphore_mem>>) src(%dma_wait3A_724 : memref<10240x16xf32, #tpu.memory_space<vmem_shared>>) dst(%arg8 : memref<128x16xf32, #tpu.memory_space<vmem>>)
      tpu.yield
    }) : () -> ()
    %mul3A_574 = arith.constant 10240 : i32
    %mul3A_575 = arith.muli %arg0, %mul3A_574 : i32
    %add3A_576 = arith.addi %mul3A_575, %add3A_508 : i32
    "tpu.region"() ({
      %run_scoped3A = tpu.sem_alloc : memref<!tpu.dma_semaphore, #tpu.memory_space<semaphore_mem>>
      %dma_start3A = arith.constant 0 : i32
      %dma_start3A_721 = tpu.memref_slice %arg3[%add3A_576, %dma_start3A] : memref<20480x16xf32, #tpu.memory_space<hbm>> -> memref<128x16xf32, #tpu.memory_space<hbm>>
      %dma_start3A_722 = arith.constant 0 : i32
      %dma_start3A_723 = tpu.memref_slice %arg3[%add3A_576, %dma_start3A_722] : memref<20480x16xf32, #tpu.memory_space<hbm>> -> memref<128x16xf32, #tpu.memory_space<hbm>>
      tpu.enqueue_dma source(%arg8 : memref<128x16xf32, #tpu.memory_space<vmem>>) target(%dma_start3A_723 : memref<128x16xf32, #tpu.memory_space<hbm>>) target_semaphore(%run_scoped3A : memref<!tpu.dma_semaphore, #tpu.memory_space<semaphore_mem>>)
      %dma_wait3A = arith.constant 0 : i32
      %dma_wait3A_724 = tpu.memref_slice %arg3[%add3A_576, %dma_wait3A] : memref<20480x16xf32, #tpu.memory_space<hbm>> -> memref<128x16xf32, #tpu.memory_space<hbm>>
      %dma_wait3A_725 = arith.constant 0 : i32
      %dma_wait3A_726 = tpu.memref_slice %arg3[%add3A_576, %dma_wait3A_725] : memref<20480x16xf32, #tpu.memory_space<hbm>> -> memref<128x16xf32, #tpu.memory_space<hbm>>
      tpu.wait_dma2 semaphore(%run_scoped3A : memref<!tpu.dma_semaphore, #tpu.memory_space<semaphore_mem>>) src(%arg8 : memref<128x16xf32, #tpu.memory_space<vmem>>) dst(%dma_wait3A_726 : memref<128x16xf32, #tpu.memory_space<hbm>>)
      tpu.yield
    }) : () -> ()
    %mul3A_577 = arith.constant 640 : i32
    %mul3A_578 = arith.muli %arg1, %mul3A_577 : i32
    %add3A_579 = arith.constant 384 : i32
    %add3A_580 = arith.addi %mul3A_578, %add3A_579 : i32
    %iota3A_581 = tpu.iota {dimensions = array<i32: 0>} : vector<16xi32>
    %add3A_582 = arith.constant 0 : i32
    %add3A_583 = arith.addi %add3A_580, %add3A_582 : i32
    %add3A_584 = vector.broadcast %add3A_583 : i32 to vector<16xi32>
    %add3A_585 = arith.addi %iota3A_581, %add3A_584 : vector<16xi32>
    %swap3A_586 = arith.constant 0 : index
    %swap3A_587 = tpu.vector_load %arg7[%swap3A_586] {strides = array<i32>} : memref<128xi32, #tpu.memory_space<vmem>>, vector<16xi32>,
    %swap3A_588 = vector.shape_cast %swap3A_587 : vector<16xi32> to vector<16xi32>
    %swap3A_589 = vector.shape_cast %add3A_585 : vector<16xi32> to vector<16xi32>
    tpu.vector_store %arg7[%swap3A_586], %swap3A_589 {strides = array<i32>} : memref<128xi32, #tpu.memory_space<vmem>>, vector<16xi32>,
    %add3A_590 = arith.constant 16 : i32
    %add3A_591 = arith.addi %add3A_580, %add3A_590 : i32
    %add3A_592 = vector.broadcast %add3A_591 : i32 to vector<16xi32>
    %add3A_593 = arith.addi %iota3A_581, %add3A_592 : vector<16xi32>
    %swap3A_594 = arith.constant 16 : index
    %swap3A_595 = tpu.vector_load %arg7[%swap3A_594] {strides = array<i32>} : memref<128xi32, #tpu.memory_space<vmem>>, vector<16xi32>,
    %swap3A_596 = vector.shape_cast %swap3A_595 : vector<16xi32> to vector<16xi32>
    %swap3A_597 = vector.shape_cast %add3A_593 : vector<16xi32> to vector<16xi32>
    tpu.vector_store %arg7[%swap3A_594], %swap3A_597 {strides = array<i32>} : memref<128xi32, #tpu.memory_space<vmem>>, vector<16xi32>,
    %add3A_598 = arith.constant 32 : i32
    %add3A_599 = arith.addi %add3A_580, %add3A_598 : i32
    %add3A_600 = vector.broadcast %add3A_599 : i32 to vector<16xi32>
    %add3A_601 = arith.addi %iota3A_581, %add3A_600 : vector<16xi32>
    %swap3A_602 = arith.constant 32 : index
    %swap3A_603 = tpu.vector_load %arg7[%swap3A_602] {strides = array<i32>} : memref<128xi32, #tpu.memory_space<vmem>>, vector<16xi32>,
    %swap3A_604 = vector.shape_cast %swap3A_603 : vector<16xi32> to vector<16xi32>
    %swap3A_605 = vector.shape_cast %add3A_601 : vector<16xi32> to vector<16xi32>
    tpu.vector_store %arg7[%swap3A_602], %swap3A_605 {strides = array<i32>} : memref<128xi32, #tpu.memory_space<vmem>>, vector<16xi32>,
    %add3A_606 = arith.constant 48 : i32
    %add3A_607 = arith.addi %add3A_580, %add3A_606 : i32
    %add3A_608 = vector.broadcast %add3A_607 : i32 to vector<16xi32>
    %add3A_609 = arith.addi %iota3A_581, %add3A_608 : vector<16xi32>
    %swap3A_610 = arith.constant 48 : index
    %swap3A_611 = tpu.vector_load %arg7[%swap3A_610] {strides = array<i32>} : memref<128xi32, #tpu.memory_space<vmem>>, vector<16xi32>,
    %swap3A_612 = vector.shape_cast %swap3A_611 : vector<16xi32> to vector<16xi32>
    %swap3A_613 = vector.shape_cast %add3A_609 : vector<16xi32> to vector<16xi32>
    tpu.vector_store %arg7[%swap3A_610], %swap3A_613 {strides = array<i32>} : memref<128xi32, #tpu.memory_space<vmem>>, vector<16xi32>,
    %add3A_614 = arith.constant 64 : i32
    %add3A_615 = arith.addi %add3A_580, %add3A_614 : i32
    %add3A_616 = vector.broadcast %add3A_615 : i32 to vector<16xi32>
    %add3A_617 = arith.addi %iota3A_581, %add3A_616 : vector<16xi32>
    %swap3A_618 = arith.constant 64 : index
    %swap3A_619 = tpu.vector_load %arg7[%swap3A_618] {strides = array<i32>} : memref<128xi32, #tpu.memory_space<vmem>>, vector<16xi32>,
    %swap3A_620 = vector.shape_cast %swap3A_619 : vector<16xi32> to vector<16xi32>
    %swap3A_621 = vector.shape_cast %add3A_617 : vector<16xi32> to vector<16xi32>
    tpu.vector_store %arg7[%swap3A_618], %swap3A_621 {strides = array<i32>} : memref<128xi32, #tpu.memory_space<vmem>>, vector<16xi32>,
    %add3A_622 = arith.constant 80 : i32
    %add3A_623 = arith.addi %add3A_580, %add3A_622 : i32
    %add3A_624 = vector.broadcast %add3A_623 : i32 to vector<16xi32>
    %add3A_625 = arith.addi %iota3A_581, %add3A_624 : vector<16xi32>
    %swap3A_626 = arith.constant 80 : index
    %swap3A_627 = tpu.vector_load %arg7[%swap3A_626] {strides = array<i32>} : memref<128xi32, #tpu.memory_space<vmem>>, vector<16xi32>,
    %swap3A_628 = vector.shape_cast %swap3A_627 : vector<16xi32> to vector<16xi32>
    %swap3A_629 = vector.shape_cast %add3A_625 : vector<16xi32> to vector<16xi32>
    tpu.vector_store %arg7[%swap3A_626], %swap3A_629 {strides = array<i32>} : memref<128xi32, #tpu.memory_space<vmem>>, vector<16xi32>,
    %add3A_630 = arith.constant 96 : i32
    %add3A_631 = arith.addi %add3A_580, %add3A_630 : i32
    %add3A_632 = vector.broadcast %add3A_631 : i32 to vector<16xi32>
    %add3A_633 = arith.addi %iota3A_581, %add3A_632 : vector<16xi32>
    %swap3A_634 = arith.constant 96 : index
    %swap3A_635 = tpu.vector_load %arg7[%swap3A_634] {strides = array<i32>} : memref<128xi32, #tpu.memory_space<vmem>>, vector<16xi32>,
    %swap3A_636 = vector.shape_cast %swap3A_635 : vector<16xi32> to vector<16xi32>
    %swap3A_637 = vector.shape_cast %add3A_633 : vector<16xi32> to vector<16xi32>
    tpu.vector_store %arg7[%swap3A_634], %swap3A_637 {strides = array<i32>} : memref<128xi32, #tpu.memory_space<vmem>>, vector<16xi32>,
    %add3A_638 = arith.constant 112 : i32
    %add3A_639 = arith.addi %add3A_580, %add3A_638 : i32
    %add3A_640 = vector.broadcast %add3A_639 : i32 to vector<16xi32>
    %add3A_641 = arith.addi %iota3A_581, %add3A_640 : vector<16xi32>
    %swap3A_642 = arith.constant 112 : index
    %swap3A_643 = tpu.vector_load %arg7[%swap3A_642] {strides = array<i32>} : memref<128xi32, #tpu.memory_space<vmem>>, vector<16xi32>,
    %swap3A_644 = vector.shape_cast %swap3A_643 : vector<16xi32> to vector<16xi32>
    %swap3A_645 = vector.shape_cast %add3A_641 : vector<16xi32> to vector<16xi32>
    tpu.vector_store %arg7[%swap3A_642], %swap3A_645 {strides = array<i32>} : memref<128xi32, #tpu.memory_space<vmem>>, vector<16xi32>,
    "tpu.region"() ({
      %run_scoped3A = tpu.sem_alloc : memref<!tpu.dma_semaphore, #tpu.memory_space<semaphore_mem>>
      %dma_start3A = arith.constant 0 : i32
      %dma_start3A_721 = arith.constant 0 : i32
      %dma_start3A_722 = tpu.memref_slice %arg9[%dma_start3A, %dma_start3A_721] : memref<10240x16xf32, #tpu.memory_space<vmem_shared>> -> memref<10240x16xf32, #tpu.memory_space<vmem_shared>>
      tpu.enqueue_indirect_dma source(%dma_start3A_722 : memref<10240x16xf32, #tpu.memory_space<vmem_shared>>) target(%arg8 : memref<128x16xf32, #tpu.memory_space<vmem>>) offsets(%arg7 : memref<128xi32, #tpu.memory_space<vmem>>) semaphore(%run_scoped3A : memref<!tpu.dma_semaphore, #tpu.memory_space<semaphore_mem>>)
      %dma_wait3A = arith.constant 0 : i32
      %dma_wait3A_723 = arith.constant 0 : i32
      %dma_wait3A_724 = tpu.memref_slice %arg9[%dma_wait3A, %dma_wait3A_723] : memref<10240x16xf32, #tpu.memory_space<vmem_shared>> -> memref<10240x16xf32, #tpu.memory_space<vmem_shared>>
      tpu.wait_indirect_dma semaphore(%run_scoped3A : memref<!tpu.dma_semaphore, #tpu.memory_space<semaphore_mem>>) src(%dma_wait3A_724 : memref<10240x16xf32, #tpu.memory_space<vmem_shared>>) dst(%arg8 : memref<128x16xf32, #tpu.memory_space<vmem>>)
      tpu.yield
    }) : () -> ()
    %mul3A_646 = arith.constant 10240 : i32
    %mul3A_647 = arith.muli %arg0, %mul3A_646 : i32
    %add3A_648 = arith.addi %mul3A_647, %add3A_580 : i32
    "tpu.region"() ({
      %run_scoped3A = tpu.sem_alloc : memref<!tpu.dma_semaphore, #tpu.memory_space<semaphore_mem>>
      %dma_start3A = arith.constant 0 : i32
      %dma_start3A_721 = tpu.memref_slice %arg3[%add3A_648, %dma_start3A] : memref<20480x16xf32, #tpu.memory_space<hbm>> -> memref<128x16xf32, #tpu.memory_space<hbm>>
      %dma_start3A_722 = arith.constant 0 : i32
      %dma_start3A_723 = tpu.memref_slice %arg3[%add3A_648, %dma_start3A_722] : memref<20480x16xf32, #tpu.memory_space<hbm>> -> memref<128x16xf32, #tpu.memory_space<hbm>>
      tpu.enqueue_dma source(%arg8 : memref<128x16xf32, #tpu.memory_space<vmem>>) target(%dma_start3A_723 : memref<128x16xf32, #tpu.memory_space<hbm>>) target_semaphore(%run_scoped3A : memref<!tpu.dma_semaphore, #tpu.memory_space<semaphore_mem>>)
      %dma_wait3A = arith.constant 0 : i32
      %dma_wait3A_724 = tpu.memref_slice %arg3[%add3A_648, %dma_wait3A] : memref<20480x16xf32, #tpu.memory_space<hbm>> -> memref<128x16xf32, #tpu.memory_space<hbm>>
      %dma_wait3A_725 = arith.constant 0 : i32
      %dma_wait3A_726 = tpu.memref_slice %arg3[%add3A_648, %dma_wait3A_725] : memref<20480x16xf32, #tpu.memory_space<hbm>> -> memref<128x16xf32, #tpu.memory_space<hbm>>
      tpu.wait_dma2 semaphore(%run_scoped3A : memref<!tpu.dma_semaphore, #tpu.memory_space<semaphore_mem>>) src(%arg8 : memref<128x16xf32, #tpu.memory_space<vmem>>) dst(%dma_wait3A_726 : memref<128x16xf32, #tpu.memory_space<hbm>>)
      tpu.yield
    }) : () -> ()
    %mul3A_649 = arith.constant 640 : i32
    %mul3A_650 = arith.muli %arg1, %mul3A_649 : i32
    %add3A_651 = arith.constant 512 : i32
    %add3A_652 = arith.addi %mul3A_650, %add3A_651 : i32
    %iota3A_653 = tpu.iota {dimensions = array<i32: 0>} : vector<16xi32>
    %add3A_654 = arith.constant 0 : i32
    %add3A_655 = arith.addi %add3A_652, %add3A_654 : i32
    %add3A_656 = vector.broadcast %add3A_655 : i32 to vector<16xi32>
    %add3A_657 = arith.addi %iota3A_653, %add3A_656 : vector<16xi32>
    %swap3A_658 = arith.constant 0 : index
    %swap3A_659 = tpu.vector_load %arg7[%swap3A_658] {strides = array<i32>} : memref<128xi32, #tpu.memory_space<vmem>>, vector<16xi32>,
    %swap3A_660 = vector.shape_cast %swap3A_659 : vector<16xi32> to vector<16xi32>
    %swap3A_661 = vector.shape_cast %add3A_657 : vector<16xi32> to vector<16xi32>
    tpu.vector_store %arg7[%swap3A_658], %swap3A_661 {strides = array<i32>} : memref<128xi32, #tpu.memory_space<vmem>>, vector<16xi32>,
    %add3A_662 = arith.constant 16 : i32
    %add3A_663 = arith.addi %add3A_652, %add3A_662 : i32
    %add3A_664 = vector.broadcast %add3A_663 : i32 to vector<16xi32>
    %add3A_665 = arith.addi %iota3A_653, %add3A_664 : vector<16xi32>
    %swap3A_666 = arith.constant 16 : index
    %swap3A_667 = tpu.vector_load %arg7[%swap3A_666] {strides = array<i32>} : memref<128xi32, #tpu.memory_space<vmem>>, vector<16xi32>,
    %swap3A_668 = vector.shape_cast %swap3A_667 : vector<16xi32> to vector<16xi32>
    %swap3A_669 = vector.shape_cast %add3A_665 : vector<16xi32> to vector<16xi32>
    tpu.vector_store %arg7[%swap3A_666], %swap3A_669 {strides = array<i32>} : memref<128xi32, #tpu.memory_space<vmem>>, vector<16xi32>,
    %add3A_670 = arith.constant 32 : i32
    %add3A_671 = arith.addi %add3A_652, %add3A_670 : i32
    %add3A_672 = vector.broadcast %add3A_671 : i32 to vector<16xi32>
    %add3A_673 = arith.addi %iota3A_653, %add3A_672 : vector<16xi32>
    %swap3A_674 = arith.constant 32 : index
    %swap3A_675 = tpu.vector_load %arg7[%swap3A_674] {strides = array<i32>} : memref<128xi32, #tpu.memory_space<vmem>>, vector<16xi32>,
    %swap3A_676 = vector.shape_cast %swap3A_675 : vector<16xi32> to vector<16xi32>
    %swap3A_677 = vector.shape_cast %add3A_673 : vector<16xi32> to vector<16xi32>
    tpu.vector_store %arg7[%swap3A_674], %swap3A_677 {strides = array<i32>} : memref<128xi32, #tpu.memory_space<vmem>>, vector<16xi32>,
    %add3A_678 = arith.constant 48 : i32
    %add3A_679 = arith.addi %add3A_652, %add3A_678 : i32
    %add3A_680 = vector.broadcast %add3A_679 : i32 to vector<16xi32>
    %add3A_681 = arith.addi %iota3A_653, %add3A_680 : vector<16xi32>
    %swap3A_682 = arith.constant 48 : index
    %swap3A_683 = tpu.vector_load %arg7[%swap3A_682] {strides = array<i32>} : memref<128xi32, #tpu.memory_space<vmem>>, vector<16xi32>,
    %swap3A_684 = vector.shape_cast %swap3A_683 : vector<16xi32> to vector<16xi32>
    %swap3A_685 = vector.shape_cast %add3A_681 : vector<16xi32> to vector<16xi32>
    tpu.vector_store %arg7[%swap3A_682], %swap3A_685 {strides = array<i32>} : memref<128xi32, #tpu.memory_space<vmem>>, vector<16xi32>,
    %add3A_686 = arith.constant 64 : i32
    %add3A_687 = arith.addi %add3A_652, %add3A_686 : i32
    %add3A_688 = vector.broadcast %add3A_687 : i32 to vector<16xi32>
    %add3A_689 = arith.addi %iota3A_653, %add3A_688 : vector<16xi32>
    %swap3A_690 = arith.constant 64 : index
    %swap3A_691 = tpu.vector_load %arg7[%swap3A_690] {strides = array<i32>} : memref<128xi32, #tpu.memory_space<vmem>>, vector<16xi32>,
    %swap3A_692 = vector.shape_cast %swap3A_691 : vector<16xi32> to vector<16xi32>
    %swap3A_693 = vector.shape_cast %add3A_689 : vector<16xi32> to vector<16xi32>
    tpu.vector_store %arg7[%swap3A_690], %swap3A_693 {strides = array<i32>} : memref<128xi32, #tpu.memory_space<vmem>>, vector<16xi32>,
    %add3A_694 = arith.constant 80 : i32
    %add3A_695 = arith.addi %add3A_652, %add3A_694 : i32
    %add3A_696 = vector.broadcast %add3A_695 : i32 to vector<16xi32>
    %add3A_697 = arith.addi %iota3A_653, %add3A_696 : vector<16xi32>
    %swap3A_698 = arith.constant 80 : index
    %swap3A_699 = tpu.vector_load %arg7[%swap3A_698] {strides = array<i32>} : memref<128xi32, #tpu.memory_space<vmem>>, vector<16xi32>,
    %swap3A_700 = vector.shape_cast %swap3A_699 : vector<16xi32> to vector<16xi32>
    %swap3A_701 = vector.shape_cast %add3A_697 : vector<16xi32> to vector<16xi32>
    tpu.vector_store %arg7[%swap3A_698], %swap3A_701 {strides = array<i32>} : memref<128xi32, #tpu.memory_space<vmem>>, vector<16xi32>,
    %add3A_702 = arith.constant 96 : i32
    %add3A_703 = arith.addi %add3A_652, %add3A_702 : i32
    %add3A_704 = vector.broadcast %add3A_703 : i32 to vector<16xi32>
    %add3A_705 = arith.addi %iota3A_653, %add3A_704 : vector<16xi32>
    %swap3A_706 = arith.constant 96 : index
    %swap3A_707 = tpu.vector_load %arg7[%swap3A_706] {strides = array<i32>} : memref<128xi32, #tpu.memory_space<vmem>>, vector<16xi32>,
    %swap3A_708 = vector.shape_cast %swap3A_707 : vector<16xi32> to vector<16xi32>
    %swap3A_709 = vector.shape_cast %add3A_705 : vector<16xi32> to vector<16xi32>
    tpu.vector_store %arg7[%swap3A_706], %swap3A_709 {strides = array<i32>} : memref<128xi32, #tpu.memory_space<vmem>>, vector<16xi32>,
    %add3A_710 = arith.constant 112 : i32
    %add3A_711 = arith.addi %add3A_652, %add3A_710 : i32
    %add3A_712 = vector.broadcast %add3A_711 : i32 to vector<16xi32>
    %add3A_713 = arith.addi %iota3A_653, %add3A_712 : vector<16xi32>
    %swap3A_714 = arith.constant 112 : index
    %swap3A_715 = tpu.vector_load %arg7[%swap3A_714] {strides = array<i32>} : memref<128xi32, #tpu.memory_space<vmem>>, vector<16xi32>,
    %swap3A_716 = vector.shape_cast %swap3A_715 : vector<16xi32> to vector<16xi32>
    %swap3A_717 = vector.shape_cast %add3A_713 : vector<16xi32> to vector<16xi32>
    tpu.vector_store %arg7[%swap3A_714], %swap3A_717 {strides = array<i32>} : memref<128xi32, #tpu.memory_space<vmem>>, vector<16xi32>,
    "tpu.region"() ({
      %run_scoped3A = tpu.sem_alloc : memref<!tpu.dma_semaphore, #tpu.memory_space<semaphore_mem>>
      %dma_start3A = arith.constant 0 : i32
      %dma_start3A_721 = arith.constant 0 : i32
      %dma_start3A_722 = tpu.memref_slice %arg9[%dma_start3A, %dma_start3A_721] : memref<10240x16xf32, #tpu.memory_space<vmem_shared>> -> memref<10240x16xf32, #tpu.memory_space<vmem_shared>>
      tpu.enqueue_indirect_dma source(%dma_start3A_722 : memref<10240x16xf32, #tpu.memory_space<vmem_shared>>) target(%arg8 : memref<128x16xf32, #tpu.memory_space<vmem>>) offsets(%arg7 : memref<128xi32, #tpu.memory_space<vmem>>) semaphore(%run_scoped3A : memref<!tpu.dma_semaphore, #tpu.memory_space<semaphore_mem>>)
      %dma_wait3A = arith.constant 0 : i32
      %dma_wait3A_723 = arith.constant 0 : i32
      %dma_wait3A_724 = tpu.memref_slice %arg9[%dma_wait3A, %dma_wait3A_723] : memref<10240x16xf32, #tpu.memory_space<vmem_shared>> -> memref<10240x16xf32, #tpu.memory_space<vmem_shared>>
      tpu.wait_indirect_dma semaphore(%run_scoped3A : memref<!tpu.dma_semaphore, #tpu.memory_space<semaphore_mem>>) src(%dma_wait3A_724 : memref<10240x16xf32, #tpu.memory_space<vmem_shared>>) dst(%arg8 : memref<128x16xf32, #tpu.memory_space<vmem>>)
      tpu.yield
    }) : () -> ()
    %mul3A_718 = arith.constant 10240 : i32
    %mul3A_719 = arith.muli %arg0, %mul3A_718 : i32
    %add3A_720 = arith.addi %mul3A_719, %add3A_652 : i32
    "tpu.region"() ({
      %run_scoped3A = tpu.sem_alloc : memref<!tpu.dma_semaphore, #tpu.memory_space<semaphore_mem>>
      %dma_start3A = arith.constant 0 : i32
      %dma_start3A_721 = tpu.memref_slice %arg3[%add3A_720, %dma_start3A] : memref<20480x16xf32, #tpu.memory_space<hbm>> -> memref<128x16xf32, #tpu.memory_space<hbm>>
      %dma_start3A_722 = arith.constant 0 : i32
      %dma_start3A_723 = tpu.memref_slice %arg3[%add3A_720, %dma_start3A_722] : memref<20480x16xf32, #tpu.memory_space<hbm>> -> memref<128x16xf32, #tpu.memory_space<hbm>>
      tpu.enqueue_dma source(%arg8 : memref<128x16xf32, #tpu.memory_space<vmem>>) target(%dma_start3A_723 : memref<128x16xf32, #tpu.memory_space<hbm>>) target_semaphore(%run_scoped3A : memref<!tpu.dma_semaphore, #tpu.memory_space<semaphore_mem>>)
      %dma_wait3A = arith.constant 0 : i32
      %dma_wait3A_724 = tpu.memref_slice %arg3[%add3A_720, %dma_wait3A] : memref<20480x16xf32, #tpu.memory_space<hbm>> -> memref<128x16xf32, #tpu.memory_space<hbm>>
      %dma_wait3A_725 = arith.constant 0 : i32
      %dma_wait3A_726 = tpu.memref_slice %arg3[%add3A_720, %dma_wait3A_725] : memref<20480x16xf32, #tpu.memory_space<hbm>> -> memref<128x16xf32, #tpu.memory_space<hbm>>
      tpu.wait_dma2 semaphore(%run_scoped3A : memref<!tpu.dma_semaphore, #tpu.memory_space<semaphore_mem>>) src(%arg8 : memref<128x16xf32, #tpu.memory_space<vmem>>) dst(%dma_wait3A_726 : memref<128x16xf32, #tpu.memory_space<hbm>>)
      tpu.yield
    }) : () -> ()
    return
  }
}

#map = affine_map<(d0, d1) -> (0, 0)>
#map1 = affine_map<(d0, d1) -> (0, 0, 0)>
module attributes {stable_mosaic.version = 14 : i64} {
  func.func @_scatter_kernel_body(%arg0: i32, %arg1: i32, %arg2: memref<10000x128xf32, #tpu.memory_space<hbm>>, %arg3: memref<10000x128xf32, #tpu.memory_space<hbm>>, %arg4: memref<16x80x128xi32, #tpu.memory_space<hbm>>, %arg5: memref<16x80x128xi32, #tpu.memory_space<hbm>>, %arg6: memref<10240x128xf32, #tpu.memory_space<hbm>>, %arg7: memref<10240x128xf32, #tpu.memory_space<hbm>>, %arg8: memref<80x128xi32, #tpu.memory_space<vmem>>, %arg9: memref<80x128xi32, #tpu.memory_space<vmem>>, %arg10: memref<128x128xf32, #tpu.memory_space<vmem>>, %arg11: memref<128xi32, #tpu.memory_space<vmem>>, %arg12: memref<10240x128xf32, #tpu.memory_space<vmem_shared>>) attributes {dimension_semantics = [#tpu.dimension_semantics<core_parallel>, #tpu.dimension_semantics<subcore_parallel>], iteration_bounds = array<i64: 2, 16>, scalar_prefetch = 0 : i64, scratch_operands = 5 : i64, tpu.core_type = #tpu.core_type<sc_vector_subcore>, window_params = [{transform_indices = #map}, {transform_indices = #map}, {transform_indices = #map1}, {transform_indices = #map1}, {transform_indices = #map}, {transform_indices = #map}]} {
    %scan3A = arith.constant 0 : i32
    %scan3A_0 = arith.constant 128 : i32
    %scan3A_1 = arith.addi %scan3A, %scan3A_0 : i32
    %scan3A_2 = arith.constant 1 : i32
    scf.for %scan3A_743 = %scan3A to %scan3A_1 step %scan3A_2  : i32 {
      %broadcast_in_dim3A = arith.constant 0.000000e+00 : f32
      %broadcast_in_dim3A_744 = vector.broadcast %broadcast_in_dim3A : f32 to vector<16xf32>
      %swap3A_745 = arith.index_cast %scan3A_743 : i32 to index
      %swap3A_746 = arith.constant 0 : index
      %swap3A_747 = tpu.vector_load %arg10[%swap3A_745, %swap3A_746] {strides = array<i32>} : memref<128x128xf32, #tpu.memory_space<vmem>>, vector<1x16xf32>,
      %swap3A_748 = vector.shape_cast %swap3A_747 : vector<1x16xf32> to vector<16xf32>
      %swap3A_749 = vector.shape_cast %broadcast_in_dim3A_744 : vector<16xf32> to vector<1x16xf32>
      tpu.vector_store %arg10[%swap3A_745, %swap3A_746], %swap3A_749 {strides = array<i32>} : memref<128x128xf32, #tpu.memory_space<vmem>>, vector<1x16xf32>,
      %broadcast_in_dim3A_750 = arith.constant 0.000000e+00 : f32
      %broadcast_in_dim3A_751 = vector.broadcast %broadcast_in_dim3A_750 : f32 to vector<16xf32>
      %swap3A_752 = arith.index_cast %scan3A_743 : i32 to index
      %swap3A_753 = arith.constant 16 : index
      %swap3A_754 = tpu.vector_load %arg10[%swap3A_752, %swap3A_753] {strides = array<i32>} : memref<128x128xf32, #tpu.memory_space<vmem>>, vector<1x16xf32>,
      %swap3A_755 = vector.shape_cast %swap3A_754 : vector<1x16xf32> to vector<16xf32>
      %swap3A_756 = vector.shape_cast %broadcast_in_dim3A_751 : vector<16xf32> to vector<1x16xf32>
      tpu.vector_store %arg10[%swap3A_752, %swap3A_753], %swap3A_756 {strides = array<i32>} : memref<128x128xf32, #tpu.memory_space<vmem>>, vector<1x16xf32>,
      %broadcast_in_dim3A_757 = arith.constant 0.000000e+00 : f32
      %broadcast_in_dim3A_758 = vector.broadcast %broadcast_in_dim3A_757 : f32 to vector<16xf32>
      %swap3A_759 = arith.index_cast %scan3A_743 : i32 to index
      %swap3A_760 = arith.constant 32 : index
      %swap3A_761 = tpu.vector_load %arg10[%swap3A_759, %swap3A_760] {strides = array<i32>} : memref<128x128xf32, #tpu.memory_space<vmem>>, vector<1x16xf32>,
      %swap3A_762 = vector.shape_cast %swap3A_761 : vector<1x16xf32> to vector<16xf32>
      %swap3A_763 = vector.shape_cast %broadcast_in_dim3A_758 : vector<16xf32> to vector<1x16xf32>
      tpu.vector_store %arg10[%swap3A_759, %swap3A_760], %swap3A_763 {strides = array<i32>} : memref<128x128xf32, #tpu.memory_space<vmem>>, vector<1x16xf32>,
      %broadcast_in_dim3A_764 = arith.constant 0.000000e+00 : f32
      %broadcast_in_dim3A_765 = vector.broadcast %broadcast_in_dim3A_764 : f32 to vector<16xf32>
      %swap3A_766 = arith.index_cast %scan3A_743 : i32 to index
      %swap3A_767 = arith.constant 48 : index
      %swap3A_768 = tpu.vector_load %arg10[%swap3A_766, %swap3A_767] {strides = array<i32>} : memref<128x128xf32, #tpu.memory_space<vmem>>, vector<1x16xf32>,
      %swap3A_769 = vector.shape_cast %swap3A_768 : vector<1x16xf32> to vector<16xf32>
      %swap3A_770 = vector.shape_cast %broadcast_in_dim3A_765 : vector<16xf32> to vector<1x16xf32>
      tpu.vector_store %arg10[%swap3A_766, %swap3A_767], %swap3A_770 {strides = array<i32>} : memref<128x128xf32, #tpu.memory_space<vmem>>, vector<1x16xf32>,
      %broadcast_in_dim3A_771 = arith.constant 0.000000e+00 : f32
      %broadcast_in_dim3A_772 = vector.broadcast %broadcast_in_dim3A_771 : f32 to vector<16xf32>
      %swap3A_773 = arith.index_cast %scan3A_743 : i32 to index
      %swap3A_774 = arith.constant 64 : index
      %swap3A_775 = tpu.vector_load %arg10[%swap3A_773, %swap3A_774] {strides = array<i32>} : memref<128x128xf32, #tpu.memory_space<vmem>>, vector<1x16xf32>,
      %swap3A_776 = vector.shape_cast %swap3A_775 : vector<1x16xf32> to vector<16xf32>
      %swap3A_777 = vector.shape_cast %broadcast_in_dim3A_772 : vector<16xf32> to vector<1x16xf32>
      tpu.vector_store %arg10[%swap3A_773, %swap3A_774], %swap3A_777 {strides = array<i32>} : memref<128x128xf32, #tpu.memory_space<vmem>>, vector<1x16xf32>,
      %broadcast_in_dim3A_778 = arith.constant 0.000000e+00 : f32
      %broadcast_in_dim3A_779 = vector.broadcast %broadcast_in_dim3A_778 : f32 to vector<16xf32>
      %swap3A_780 = arith.index_cast %scan3A_743 : i32 to index
      %swap3A_781 = arith.constant 80 : index
      %swap3A_782 = tpu.vector_load %arg10[%swap3A_780, %swap3A_781] {strides = array<i32>} : memref<128x128xf32, #tpu.memory_space<vmem>>, vector<1x16xf32>,
      %swap3A_783 = vector.shape_cast %swap3A_782 : vector<1x16xf32> to vector<16xf32>
      %swap3A_784 = vector.shape_cast %broadcast_in_dim3A_779 : vector<16xf32> to vector<1x16xf32>
      tpu.vector_store %arg10[%swap3A_780, %swap3A_781], %swap3A_784 {strides = array<i32>} : memref<128x128xf32, #tpu.memory_space<vmem>>, vector<1x16xf32>,
      %broadcast_in_dim3A_785 = arith.constant 0.000000e+00 : f32
      %broadcast_in_dim3A_786 = vector.broadcast %broadcast_in_dim3A_785 : f32 to vector<16xf32>
      %swap3A_787 = arith.index_cast %scan3A_743 : i32 to index
      %swap3A_788 = arith.constant 96 : index
      %swap3A_789 = tpu.vector_load %arg10[%swap3A_787, %swap3A_788] {strides = array<i32>} : memref<128x128xf32, #tpu.memory_space<vmem>>, vector<1x16xf32>,
      %swap3A_790 = vector.shape_cast %swap3A_789 : vector<1x16xf32> to vector<16xf32>
      %swap3A_791 = vector.shape_cast %broadcast_in_dim3A_786 : vector<16xf32> to vector<1x16xf32>
      tpu.vector_store %arg10[%swap3A_787, %swap3A_788], %swap3A_791 {strides = array<i32>} : memref<128x128xf32, #tpu.memory_space<vmem>>, vector<1x16xf32>,
      %broadcast_in_dim3A_792 = arith.constant 0.000000e+00 : f32
      %broadcast_in_dim3A_793 = vector.broadcast %broadcast_in_dim3A_792 : f32 to vector<16xf32>
      %swap3A_794 = arith.index_cast %scan3A_743 : i32 to index
      %swap3A_795 = arith.constant 112 : index
      %swap3A_796 = tpu.vector_load %arg10[%swap3A_794, %swap3A_795] {strides = array<i32>} : memref<128x128xf32, #tpu.memory_space<vmem>>, vector<1x16xf32>,
      %swap3A_797 = vector.shape_cast %swap3A_796 : vector<1x16xf32> to vector<16xf32>
      %swap3A_798 = vector.shape_cast %broadcast_in_dim3A_793 : vector<16xf32> to vector<1x16xf32>
      tpu.vector_store %arg10[%swap3A_794, %swap3A_795], %swap3A_798 {strides = array<i32>} : memref<128x128xf32, #tpu.memory_space<vmem>>, vector<1x16xf32>,
    }
    %scan3A_3 = arith.constant 128 : i32
    "tpu.region"() ({
      %run_scoped3A = tpu.sem_alloc : memref<!tpu.dma_semaphore, #tpu.memory_space<semaphore_mem>>
      %dma_start3A = arith.constant 0 : i32
      %dma_start3A_743 = arith.constant 0 : i32
      %dma_start3A_744 = tpu.memref_slice %arg4[%arg1, %dma_start3A, %dma_start3A_743] : memref<16x80x128xi32, #tpu.memory_space<hbm>> -> memref<1x80x128xi32, #tpu.memory_space<hbm>>
      %dma_start3A_745 = tpu.memref_squeeze %dma_start3A_744 : memref<1x80x128xi32, #tpu.memory_space<hbm>> -> memref<80x128xi32, #tpu.memory_space<hbm>>
      %dma_start3A_746 = arith.constant 0 : i32
      %dma_start3A_747 = arith.constant 0 : i32
      %dma_start3A_748 = tpu.memref_slice %arg4[%arg1, %dma_start3A_746, %dma_start3A_747] : memref<16x80x128xi32, #tpu.memory_space<hbm>> -> memref<1x80x128xi32, #tpu.memory_space<hbm>>
      %dma_start3A_749 = tpu.memref_squeeze %dma_start3A_748 : memref<1x80x128xi32, #tpu.memory_space<hbm>> -> memref<80x128xi32, #tpu.memory_space<hbm>>
      tpu.enqueue_dma source(%dma_start3A_749 : memref<80x128xi32, #tpu.memory_space<hbm>>) target(%arg8 : memref<80x128xi32, #tpu.memory_space<vmem>>) target_semaphore(%run_scoped3A : memref<!tpu.dma_semaphore, #tpu.memory_space<semaphore_mem>>)
      %dma_wait3A = arith.constant 0 : i32
      %dma_wait3A_750 = arith.constant 0 : i32
      %dma_wait3A_751 = tpu.memref_slice %arg4[%arg1, %dma_wait3A, %dma_wait3A_750] : memref<16x80x128xi32, #tpu.memory_space<hbm>> -> memref<1x80x128xi32, #tpu.memory_space<hbm>>
      %dma_wait3A_752 = tpu.memref_squeeze %dma_wait3A_751 : memref<1x80x128xi32, #tpu.memory_space<hbm>> -> memref<80x128xi32, #tpu.memory_space<hbm>>
      %dma_wait3A_753 = arith.constant 0 : i32
      %dma_wait3A_754 = arith.constant 0 : i32
      %dma_wait3A_755 = tpu.memref_slice %arg4[%arg1, %dma_wait3A_753, %dma_wait3A_754] : memref<16x80x128xi32, #tpu.memory_space<hbm>> -> memref<1x80x128xi32, #tpu.memory_space<hbm>>
      %dma_wait3A_756 = tpu.memref_squeeze %dma_wait3A_755 : memref<1x80x128xi32, #tpu.memory_space<hbm>> -> memref<80x128xi32, #tpu.memory_space<hbm>>
      tpu.wait_dma2 semaphore(%run_scoped3A : memref<!tpu.dma_semaphore, #tpu.memory_space<semaphore_mem>>) src(%dma_wait3A_756 : memref<80x128xi32, #tpu.memory_space<hbm>>) dst(%arg8 : memref<80x128xi32, #tpu.memory_space<vmem>>)
      tpu.yield
    }) : () -> ()
    "tpu.region"() ({
      %run_scoped3A = tpu.sem_alloc : memref<!tpu.dma_semaphore, #tpu.memory_space<semaphore_mem>>
      %dma_start3A = arith.constant 0 : i32
      %dma_start3A_743 = arith.constant 0 : i32
      %dma_start3A_744 = tpu.memref_slice %arg5[%arg1, %dma_start3A, %dma_start3A_743] : memref<16x80x128xi32, #tpu.memory_space<hbm>> -> memref<1x80x128xi32, #tpu.memory_space<hbm>>
      %dma_start3A_745 = tpu.memref_squeeze %dma_start3A_744 : memref<1x80x128xi32, #tpu.memory_space<hbm>> -> memref<80x128xi32, #tpu.memory_space<hbm>>
      %dma_start3A_746 = arith.constant 0 : i32
      %dma_start3A_747 = arith.constant 0 : i32
      %dma_start3A_748 = tpu.memref_slice %arg5[%arg1, %dma_start3A_746, %dma_start3A_747] : memref<16x80x128xi32, #tpu.memory_space<hbm>> -> memref<1x80x128xi32, #tpu.memory_space<hbm>>
      %dma_start3A_749 = tpu.memref_squeeze %dma_start3A_748 : memref<1x80x128xi32, #tpu.memory_space<hbm>> -> memref<80x128xi32, #tpu.memory_space<hbm>>
      tpu.enqueue_dma source(%dma_start3A_749 : memref<80x128xi32, #tpu.memory_space<hbm>>) target(%arg9 : memref<80x128xi32, #tpu.memory_space<vmem>>) target_semaphore(%run_scoped3A : memref<!tpu.dma_semaphore, #tpu.memory_space<semaphore_mem>>)
      %dma_wait3A = arith.constant 0 : i32
      %dma_wait3A_750 = arith.constant 0 : i32
      %dma_wait3A_751 = tpu.memref_slice %arg5[%arg1, %dma_wait3A, %dma_wait3A_750] : memref<16x80x128xi32, #tpu.memory_space<hbm>> -> memref<1x80x128xi32, #tpu.memory_space<hbm>>
      %dma_wait3A_752 = tpu.memref_squeeze %dma_wait3A_751 : memref<1x80x128xi32, #tpu.memory_space<hbm>> -> memref<80x128xi32, #tpu.memory_space<hbm>>
      %dma_wait3A_753 = arith.constant 0 : i32
      %dma_wait3A_754 = arith.constant 0 : i32
      %dma_wait3A_755 = tpu.memref_slice %arg5[%arg1, %dma_wait3A_753, %dma_wait3A_754] : memref<16x80x128xi32, #tpu.memory_space<hbm>> -> memref<1x80x128xi32, #tpu.memory_space<hbm>>
      %dma_wait3A_756 = tpu.memref_squeeze %dma_wait3A_755 : memref<1x80x128xi32, #tpu.memory_space<hbm>> -> memref<80x128xi32, #tpu.memory_space<hbm>>
      tpu.wait_dma2 semaphore(%run_scoped3A : memref<!tpu.dma_semaphore, #tpu.memory_space<semaphore_mem>>) src(%dma_wait3A_756 : memref<80x128xi32, #tpu.memory_space<hbm>>) dst(%arg9 : memref<80x128xi32, #tpu.memory_space<vmem>>)
      tpu.yield
    }) : () -> ()
    %mul3A = arith.constant 640 : i32
    %mul3A_4 = arith.muli %arg1, %mul3A : i32
    %add3A = arith.constant 0 : i32
    %add3A_5 = arith.addi %mul3A_4, %add3A : i32
    %iota3A = tpu.iota {dimensions = array<i32: 0>} : vector<16xi32>
    %add3A_6 = arith.constant 0 : i32
    %add3A_7 = arith.addi %add3A_5, %add3A_6 : i32
    %add3A_8 = vector.broadcast %add3A_7 : i32 to vector<16xi32>
    %add3A_9 = arith.addi %iota3A, %add3A_8 : vector<16xi32>
    %swap3A = arith.constant 0 : index
    %swap3A_10 = tpu.vector_load %arg11[%swap3A] {strides = array<i32>} : memref<128xi32, #tpu.memory_space<vmem>>, vector<16xi32>,
    %swap3A_11 = vector.shape_cast %swap3A_10 : vector<16xi32> to vector<16xi32>
    %swap3A_12 = vector.shape_cast %add3A_9 : vector<16xi32> to vector<16xi32>
    tpu.vector_store %arg11[%swap3A], %swap3A_12 {strides = array<i32>} : memref<128xi32, #tpu.memory_space<vmem>>, vector<16xi32>,
    %add3A_13 = arith.constant 16 : i32
    %add3A_14 = arith.addi %add3A_5, %add3A_13 : i32
    %add3A_15 = vector.broadcast %add3A_14 : i32 to vector<16xi32>
    %add3A_16 = arith.addi %iota3A, %add3A_15 : vector<16xi32>
    %swap3A_17 = arith.constant 16 : index
    %swap3A_18 = tpu.vector_load %arg11[%swap3A_17] {strides = array<i32>} : memref<128xi32, #tpu.memory_space<vmem>>, vector<16xi32>,
    %swap3A_19 = vector.shape_cast %swap3A_18 : vector<16xi32> to vector<16xi32>
    %swap3A_20 = vector.shape_cast %add3A_16 : vector<16xi32> to vector<16xi32>
    tpu.vector_store %arg11[%swap3A_17], %swap3A_20 {strides = array<i32>} : memref<128xi32, #tpu.memory_space<vmem>>, vector<16xi32>,
    %add3A_21 = arith.constant 32 : i32
    %add3A_22 = arith.addi %add3A_5, %add3A_21 : i32
    %add3A_23 = vector.broadcast %add3A_22 : i32 to vector<16xi32>
    %add3A_24 = arith.addi %iota3A, %add3A_23 : vector<16xi32>
    %swap3A_25 = arith.constant 32 : index
    %swap3A_26 = tpu.vector_load %arg11[%swap3A_25] {strides = array<i32>} : memref<128xi32, #tpu.memory_space<vmem>>, vector<16xi32>,
    %swap3A_27 = vector.shape_cast %swap3A_26 : vector<16xi32> to vector<16xi32>
    %swap3A_28 = vector.shape_cast %add3A_24 : vector<16xi32> to vector<16xi32>
    tpu.vector_store %arg11[%swap3A_25], %swap3A_28 {strides = array<i32>} : memref<128xi32, #tpu.memory_space<vmem>>, vector<16xi32>,
    %add3A_29 = arith.constant 48 : i32
    %add3A_30 = arith.addi %add3A_5, %add3A_29 : i32
    %add3A_31 = vector.broadcast %add3A_30 : i32 to vector<16xi32>
    %add3A_32 = arith.addi %iota3A, %add3A_31 : vector<16xi32>
    %swap3A_33 = arith.constant 48 : index
    %swap3A_34 = tpu.vector_load %arg11[%swap3A_33] {strides = array<i32>} : memref<128xi32, #tpu.memory_space<vmem>>, vector<16xi32>,
    %swap3A_35 = vector.shape_cast %swap3A_34 : vector<16xi32> to vector<16xi32>
    %swap3A_36 = vector.shape_cast %add3A_32 : vector<16xi32> to vector<16xi32>
    tpu.vector_store %arg11[%swap3A_33], %swap3A_36 {strides = array<i32>} : memref<128xi32, #tpu.memory_space<vmem>>, vector<16xi32>,
    %add3A_37 = arith.constant 64 : i32
    %add3A_38 = arith.addi %add3A_5, %add3A_37 : i32
    %add3A_39 = vector.broadcast %add3A_38 : i32 to vector<16xi32>
    %add3A_40 = arith.addi %iota3A, %add3A_39 : vector<16xi32>
    %swap3A_41 = arith.constant 64 : index
    %swap3A_42 = tpu.vector_load %arg11[%swap3A_41] {strides = array<i32>} : memref<128xi32, #tpu.memory_space<vmem>>, vector<16xi32>,
    %swap3A_43 = vector.shape_cast %swap3A_42 : vector<16xi32> to vector<16xi32>
    %swap3A_44 = vector.shape_cast %add3A_40 : vector<16xi32> to vector<16xi32>
    tpu.vector_store %arg11[%swap3A_41], %swap3A_44 {strides = array<i32>} : memref<128xi32, #tpu.memory_space<vmem>>, vector<16xi32>,
    %add3A_45 = arith.constant 80 : i32
    %add3A_46 = arith.addi %add3A_5, %add3A_45 : i32
    %add3A_47 = vector.broadcast %add3A_46 : i32 to vector<16xi32>
    %add3A_48 = arith.addi %iota3A, %add3A_47 : vector<16xi32>
    %swap3A_49 = arith.constant 80 : index
    %swap3A_50 = tpu.vector_load %arg11[%swap3A_49] {strides = array<i32>} : memref<128xi32, #tpu.memory_space<vmem>>, vector<16xi32>,
    %swap3A_51 = vector.shape_cast %swap3A_50 : vector<16xi32> to vector<16xi32>
    %swap3A_52 = vector.shape_cast %add3A_48 : vector<16xi32> to vector<16xi32>
    tpu.vector_store %arg11[%swap3A_49], %swap3A_52 {strides = array<i32>} : memref<128xi32, #tpu.memory_space<vmem>>, vector<16xi32>,
    %add3A_53 = arith.constant 96 : i32
    %add3A_54 = arith.addi %add3A_5, %add3A_53 : i32
    %add3A_55 = vector.broadcast %add3A_54 : i32 to vector<16xi32>
    %add3A_56 = arith.addi %iota3A, %add3A_55 : vector<16xi32>
    %swap3A_57 = arith.constant 96 : index
    %swap3A_58 = tpu.vector_load %arg11[%swap3A_57] {strides = array<i32>} : memref<128xi32, #tpu.memory_space<vmem>>, vector<16xi32>,
    %swap3A_59 = vector.shape_cast %swap3A_58 : vector<16xi32> to vector<16xi32>
    %swap3A_60 = vector.shape_cast %add3A_56 : vector<16xi32> to vector<16xi32>
    tpu.vector_store %arg11[%swap3A_57], %swap3A_60 {strides = array<i32>} : memref<128xi32, #tpu.memory_space<vmem>>, vector<16xi32>,
    %add3A_61 = arith.constant 112 : i32
    %add3A_62 = arith.addi %add3A_5, %add3A_61 : i32
    %add3A_63 = vector.broadcast %add3A_62 : i32 to vector<16xi32>
    %add3A_64 = arith.addi %iota3A, %add3A_63 : vector<16xi32>
    %swap3A_65 = arith.constant 112 : index
    %swap3A_66 = tpu.vector_load %arg11[%swap3A_65] {strides = array<i32>} : memref<128xi32, #tpu.memory_space<vmem>>, vector<16xi32>,
    %swap3A_67 = vector.shape_cast %swap3A_66 : vector<16xi32> to vector<16xi32>
    %swap3A_68 = vector.shape_cast %add3A_64 : vector<16xi32> to vector<16xi32>
    tpu.vector_store %arg11[%swap3A_65], %swap3A_68 {strides = array<i32>} : memref<128xi32, #tpu.memory_space<vmem>>, vector<16xi32>,
    "tpu.region"() ({
      %run_scoped3A = tpu.sem_alloc : memref<!tpu.dma_semaphore, #tpu.memory_space<semaphore_mem>>
      %dma_start3A = arith.constant 0 : i32
      %dma_start3A_743 = arith.constant 0 : i32
      %dma_start3A_744 = tpu.memref_slice %arg12[%dma_start3A, %dma_start3A_743] : memref<10240x128xf32, #tpu.memory_space<vmem_shared>> -> memref<10240x128xf32, #tpu.memory_space<vmem_shared>>
      tpu.enqueue_indirect_dma source(%arg10 : memref<128x128xf32, #tpu.memory_space<vmem>>) target(%dma_start3A_744 : memref<10240x128xf32, #tpu.memory_space<vmem_shared>>) offsets(%arg11 : memref<128xi32, #tpu.memory_space<vmem>>) semaphore(%run_scoped3A : memref<!tpu.dma_semaphore, #tpu.memory_space<semaphore_mem>>)
      %dma_wait3A = arith.constant 0 : i32
      %dma_wait3A_745 = arith.constant 0 : i32
      %dma_wait3A_746 = tpu.memref_slice %arg12[%dma_wait3A, %dma_wait3A_745] : memref<10240x128xf32, #tpu.memory_space<vmem_shared>> -> memref<10240x128xf32, #tpu.memory_space<vmem_shared>>
      tpu.wait_indirect_dma semaphore(%run_scoped3A : memref<!tpu.dma_semaphore, #tpu.memory_space<semaphore_mem>>) src(%arg10 : memref<128x128xf32, #tpu.memory_space<vmem>>) dst(%dma_wait3A_746 : memref<10240x128xf32, #tpu.memory_space<vmem_shared>>)
      tpu.yield
    }) : () -> ()
    %mul3A_69 = arith.constant 640 : i32
    %mul3A_70 = arith.muli %arg1, %mul3A_69 : i32
    %add3A_71 = arith.constant 128 : i32
    %add3A_72 = arith.addi %mul3A_70, %add3A_71 : i32
    %iota3A_73 = tpu.iota {dimensions = array<i32: 0>} : vector<16xi32>
    %add3A_74 = arith.constant 0 : i32
    %add3A_75 = arith.addi %add3A_72, %add3A_74 : i32
    %add3A_76 = vector.broadcast %add3A_75 : i32 to vector<16xi32>
    %add3A_77 = arith.addi %iota3A_73, %add3A_76 : vector<16xi32>
    %swap3A_78 = arith.constant 0 : index
    %swap3A_79 = tpu.vector_load %arg11[%swap3A_78] {strides = array<i32>} : memref<128xi32, #tpu.memory_space<vmem>>, vector<16xi32>,
    %swap3A_80 = vector.shape_cast %swap3A_79 : vector<16xi32> to vector<16xi32>
    %swap3A_81 = vector.shape_cast %add3A_77 : vector<16xi32> to vector<16xi32>
    tpu.vector_store %arg11[%swap3A_78], %swap3A_81 {strides = array<i32>} : memref<128xi32, #tpu.memory_space<vmem>>, vector<16xi32>,
    %add3A_82 = arith.constant 16 : i32
    %add3A_83 = arith.addi %add3A_72, %add3A_82 : i32
    %add3A_84 = vector.broadcast %add3A_83 : i32 to vector<16xi32>
    %add3A_85 = arith.addi %iota3A_73, %add3A_84 : vector<16xi32>
    %swap3A_86 = arith.constant 16 : index
    %swap3A_87 = tpu.vector_load %arg11[%swap3A_86] {strides = array<i32>} : memref<128xi32, #tpu.memory_space<vmem>>, vector<16xi32>,
    %swap3A_88 = vector.shape_cast %swap3A_87 : vector<16xi32> to vector<16xi32>
    %swap3A_89 = vector.shape_cast %add3A_85 : vector<16xi32> to vector<16xi32>
    tpu.vector_store %arg11[%swap3A_86], %swap3A_89 {strides = array<i32>} : memref<128xi32, #tpu.memory_space<vmem>>, vector<16xi32>,
    %add3A_90 = arith.constant 32 : i32
    %add3A_91 = arith.addi %add3A_72, %add3A_90 : i32
    %add3A_92 = vector.broadcast %add3A_91 : i32 to vector<16xi32>
    %add3A_93 = arith.addi %iota3A_73, %add3A_92 : vector<16xi32>
    %swap3A_94 = arith.constant 32 : index
    %swap3A_95 = tpu.vector_load %arg11[%swap3A_94] {strides = array<i32>} : memref<128xi32, #tpu.memory_space<vmem>>, vector<16xi32>,
    %swap3A_96 = vector.shape_cast %swap3A_95 : vector<16xi32> to vector<16xi32>
    %swap3A_97 = vector.shape_cast %add3A_93 : vector<16xi32> to vector<16xi32>
    tpu.vector_store %arg11[%swap3A_94], %swap3A_97 {strides = array<i32>} : memref<128xi32, #tpu.memory_space<vmem>>, vector<16xi32>,
    %add3A_98 = arith.constant 48 : i32
    %add3A_99 = arith.addi %add3A_72, %add3A_98 : i32
    %add3A_100 = vector.broadcast %add3A_99 : i32 to vector<16xi32>
    %add3A_101 = arith.addi %iota3A_73, %add3A_100 : vector<16xi32>
    %swap3A_102 = arith.constant 48 : index
    %swap3A_103 = tpu.vector_load %arg11[%swap3A_102] {strides = array<i32>} : memref<128xi32, #tpu.memory_space<vmem>>, vector<16xi32>,
    %swap3A_104 = vector.shape_cast %swap3A_103 : vector<16xi32> to vector<16xi32>
    %swap3A_105 = vector.shape_cast %add3A_101 : vector<16xi32> to vector<16xi32>
    tpu.vector_store %arg11[%swap3A_102], %swap3A_105 {strides = array<i32>} : memref<128xi32, #tpu.memory_space<vmem>>, vector<16xi32>,
    %add3A_106 = arith.constant 64 : i32
    %add3A_107 = arith.addi %add3A_72, %add3A_106 : i32
    %add3A_108 = vector.broadcast %add3A_107 : i32 to vector<16xi32>
    %add3A_109 = arith.addi %iota3A_73, %add3A_108 : vector<16xi32>
    %swap3A_110 = arith.constant 64 : index
    %swap3A_111 = tpu.vector_load %arg11[%swap3A_110] {strides = array<i32>} : memref<128xi32, #tpu.memory_space<vmem>>, vector<16xi32>,
    %swap3A_112 = vector.shape_cast %swap3A_111 : vector<16xi32> to vector<16xi32>
    %swap3A_113 = vector.shape_cast %add3A_109 : vector<16xi32> to vector<16xi32>
    tpu.vector_store %arg11[%swap3A_110], %swap3A_113 {strides = array<i32>} : memref<128xi32, #tpu.memory_space<vmem>>, vector<16xi32>,
    %add3A_114 = arith.constant 80 : i32
    %add3A_115 = arith.addi %add3A_72, %add3A_114 : i32
    %add3A_116 = vector.broadcast %add3A_115 : i32 to vector<16xi32>
    %add3A_117 = arith.addi %iota3A_73, %add3A_116 : vector<16xi32>
    %swap3A_118 = arith.constant 80 : index
    %swap3A_119 = tpu.vector_load %arg11[%swap3A_118] {strides = array<i32>} : memref<128xi32, #tpu.memory_space<vmem>>, vector<16xi32>,
    %swap3A_120 = vector.shape_cast %swap3A_119 : vector<16xi32> to vector<16xi32>
    %swap3A_121 = vector.shape_cast %add3A_117 : vector<16xi32> to vector<16xi32>
    tpu.vector_store %arg11[%swap3A_118], %swap3A_121 {strides = array<i32>} : memref<128xi32, #tpu.memory_space<vmem>>, vector<16xi32>,
    %add3A_122 = arith.constant 96 : i32
    %add3A_123 = arith.addi %add3A_72, %add3A_122 : i32
    %add3A_124 = vector.broadcast %add3A_123 : i32 to vector<16xi32>
    %add3A_125 = arith.addi %iota3A_73, %add3A_124 : vector<16xi32>
    %swap3A_126 = arith.constant 96 : index
    %swap3A_127 = tpu.vector_load %arg11[%swap3A_126] {strides = array<i32>} : memref<128xi32, #tpu.memory_space<vmem>>, vector<16xi32>,
    %swap3A_128 = vector.shape_cast %swap3A_127 : vector<16xi32> to vector<16xi32>
    %swap3A_129 = vector.shape_cast %add3A_125 : vector<16xi32> to vector<16xi32>
    tpu.vector_store %arg11[%swap3A_126], %swap3A_129 {strides = array<i32>} : memref<128xi32, #tpu.memory_space<vmem>>, vector<16xi32>,
    %add3A_130 = arith.constant 112 : i32
    %add3A_131 = arith.addi %add3A_72, %add3A_130 : i32
    %add3A_132 = vector.broadcast %add3A_131 : i32 to vector<16xi32>
    %add3A_133 = arith.addi %iota3A_73, %add3A_132 : vector<16xi32>
    %swap3A_134 = arith.constant 112 : index
    %swap3A_135 = tpu.vector_load %arg11[%swap3A_134] {strides = array<i32>} : memref<128xi32, #tpu.memory_space<vmem>>, vector<16xi32>,
    %swap3A_136 = vector.shape_cast %swap3A_135 : vector<16xi32> to vector<16xi32>
    %swap3A_137 = vector.shape_cast %add3A_133 : vector<16xi32> to vector<16xi32>
    tpu.vector_store %arg11[%swap3A_134], %swap3A_137 {strides = array<i32>} : memref<128xi32, #tpu.memory_space<vmem>>, vector<16xi32>,
    "tpu.region"() ({
      %run_scoped3A = tpu.sem_alloc : memref<!tpu.dma_semaphore, #tpu.memory_space<semaphore_mem>>
      %dma_start3A = arith.constant 0 : i32
      %dma_start3A_743 = arith.constant 0 : i32
      %dma_start3A_744 = tpu.memref_slice %arg12[%dma_start3A, %dma_start3A_743] : memref<10240x128xf32, #tpu.memory_space<vmem_shared>> -> memref<10240x128xf32, #tpu.memory_space<vmem_shared>>
      tpu.enqueue_indirect_dma source(%arg10 : memref<128x128xf32, #tpu.memory_space<vmem>>) target(%dma_start3A_744 : memref<10240x128xf32, #tpu.memory_space<vmem_shared>>) offsets(%arg11 : memref<128xi32, #tpu.memory_space<vmem>>) semaphore(%run_scoped3A : memref<!tpu.dma_semaphore, #tpu.memory_space<semaphore_mem>>)
      %dma_wait3A = arith.constant 0 : i32
      %dma_wait3A_745 = arith.constant 0 : i32
      %dma_wait3A_746 = tpu.memref_slice %arg12[%dma_wait3A, %dma_wait3A_745] : memref<10240x128xf32, #tpu.memory_space<vmem_shared>> -> memref<10240x128xf32, #tpu.memory_space<vmem_shared>>
      tpu.wait_indirect_dma semaphore(%run_scoped3A : memref<!tpu.dma_semaphore, #tpu.memory_space<semaphore_mem>>) src(%arg10 : memref<128x128xf32, #tpu.memory_space<vmem>>) dst(%dma_wait3A_746 : memref<10240x128xf32, #tpu.memory_space<vmem_shared>>)
      tpu.yield
    }) : () -> ()
    %mul3A_138 = arith.constant 640 : i32
    %mul3A_139 = arith.muli %arg1, %mul3A_138 : i32
    %add3A_140 = arith.constant 256 : i32
    %add3A_141 = arith.addi %mul3A_139, %add3A_140 : i32
    %iota3A_142 = tpu.iota {dimensions = array<i32: 0>} : vector<16xi32>
    %add3A_143 = arith.constant 0 : i32
    %add3A_144 = arith.addi %add3A_141, %add3A_143 : i32
    %add3A_145 = vector.broadcast %add3A_144 : i32 to vector<16xi32>
    %add3A_146 = arith.addi %iota3A_142, %add3A_145 : vector<16xi32>
    %swap3A_147 = arith.constant 0 : index
    %swap3A_148 = tpu.vector_load %arg11[%swap3A_147] {strides = array<i32>} : memref<128xi32, #tpu.memory_space<vmem>>, vector<16xi32>,
    %swap3A_149 = vector.shape_cast %swap3A_148 : vector<16xi32> to vector<16xi32>
    %swap3A_150 = vector.shape_cast %add3A_146 : vector<16xi32> to vector<16xi32>
    tpu.vector_store %arg11[%swap3A_147], %swap3A_150 {strides = array<i32>} : memref<128xi32, #tpu.memory_space<vmem>>, vector<16xi32>,
    %add3A_151 = arith.constant 16 : i32
    %add3A_152 = arith.addi %add3A_141, %add3A_151 : i32
    %add3A_153 = vector.broadcast %add3A_152 : i32 to vector<16xi32>
    %add3A_154 = arith.addi %iota3A_142, %add3A_153 : vector<16xi32>
    %swap3A_155 = arith.constant 16 : index
    %swap3A_156 = tpu.vector_load %arg11[%swap3A_155] {strides = array<i32>} : memref<128xi32, #tpu.memory_space<vmem>>, vector<16xi32>,
    %swap3A_157 = vector.shape_cast %swap3A_156 : vector<16xi32> to vector<16xi32>
    %swap3A_158 = vector.shape_cast %add3A_154 : vector<16xi32> to vector<16xi32>
    tpu.vector_store %arg11[%swap3A_155], %swap3A_158 {strides = array<i32>} : memref<128xi32, #tpu.memory_space<vmem>>, vector<16xi32>,
    %add3A_159 = arith.constant 32 : i32
    %add3A_160 = arith.addi %add3A_141, %add3A_159 : i32
    %add3A_161 = vector.broadcast %add3A_160 : i32 to vector<16xi32>
    %add3A_162 = arith.addi %iota3A_142, %add3A_161 : vector<16xi32>
    %swap3A_163 = arith.constant 32 : index
    %swap3A_164 = tpu.vector_load %arg11[%swap3A_163] {strides = array<i32>} : memref<128xi32, #tpu.memory_space<vmem>>, vector<16xi32>,
    %swap3A_165 = vector.shape_cast %swap3A_164 : vector<16xi32> to vector<16xi32>
    %swap3A_166 = vector.shape_cast %add3A_162 : vector<16xi32> to vector<16xi32>
    tpu.vector_store %arg11[%swap3A_163], %swap3A_166 {strides = array<i32>} : memref<128xi32, #tpu.memory_space<vmem>>, vector<16xi32>,
    %add3A_167 = arith.constant 48 : i32
    %add3A_168 = arith.addi %add3A_141, %add3A_167 : i32
    %add3A_169 = vector.broadcast %add3A_168 : i32 to vector<16xi32>
    %add3A_170 = arith.addi %iota3A_142, %add3A_169 : vector<16xi32>
    %swap3A_171 = arith.constant 48 : index
    %swap3A_172 = tpu.vector_load %arg11[%swap3A_171] {strides = array<i32>} : memref<128xi32, #tpu.memory_space<vmem>>, vector<16xi32>,
    %swap3A_173 = vector.shape_cast %swap3A_172 : vector<16xi32> to vector<16xi32>
    %swap3A_174 = vector.shape_cast %add3A_170 : vector<16xi32> to vector<16xi32>
    tpu.vector_store %arg11[%swap3A_171], %swap3A_174 {strides = array<i32>} : memref<128xi32, #tpu.memory_space<vmem>>, vector<16xi32>,
    %add3A_175 = arith.constant 64 : i32
    %add3A_176 = arith.addi %add3A_141, %add3A_175 : i32
    %add3A_177 = vector.broadcast %add3A_176 : i32 to vector<16xi32>
    %add3A_178 = arith.addi %iota3A_142, %add3A_177 : vector<16xi32>
    %swap3A_179 = arith.constant 64 : index
    %swap3A_180 = tpu.vector_load %arg11[%swap3A_179] {strides = array<i32>} : memref<128xi32, #tpu.memory_space<vmem>>, vector<16xi32>,
    %swap3A_181 = vector.shape_cast %swap3A_180 : vector<16xi32> to vector<16xi32>
    %swap3A_182 = vector.shape_cast %add3A_178 : vector<16xi32> to vector<16xi32>
    tpu.vector_store %arg11[%swap3A_179], %swap3A_182 {strides = array<i32>} : memref<128xi32, #tpu.memory_space<vmem>>, vector<16xi32>,
    %add3A_183 = arith.constant 80 : i32
    %add3A_184 = arith.addi %add3A_141, %add3A_183 : i32
    %add3A_185 = vector.broadcast %add3A_184 : i32 to vector<16xi32>
    %add3A_186 = arith.addi %iota3A_142, %add3A_185 : vector<16xi32>
    %swap3A_187 = arith.constant 80 : index
    %swap3A_188 = tpu.vector_load %arg11[%swap3A_187] {strides = array<i32>} : memref<128xi32, #tpu.memory_space<vmem>>, vector<16xi32>,
    %swap3A_189 = vector.shape_cast %swap3A_188 : vector<16xi32> to vector<16xi32>
    %swap3A_190 = vector.shape_cast %add3A_186 : vector<16xi32> to vector<16xi32>
    tpu.vector_store %arg11[%swap3A_187], %swap3A_190 {strides = array<i32>} : memref<128xi32, #tpu.memory_space<vmem>>, vector<16xi32>,
    %add3A_191 = arith.constant 96 : i32
    %add3A_192 = arith.addi %add3A_141, %add3A_191 : i32
    %add3A_193 = vector.broadcast %add3A_192 : i32 to vector<16xi32>
    %add3A_194 = arith.addi %iota3A_142, %add3A_193 : vector<16xi32>
    %swap3A_195 = arith.constant 96 : index
    %swap3A_196 = tpu.vector_load %arg11[%swap3A_195] {strides = array<i32>} : memref<128xi32, #tpu.memory_space<vmem>>, vector<16xi32>,
    %swap3A_197 = vector.shape_cast %swap3A_196 : vector<16xi32> to vector<16xi32>
    %swap3A_198 = vector.shape_cast %add3A_194 : vector<16xi32> to vector<16xi32>
    tpu.vector_store %arg11[%swap3A_195], %swap3A_198 {strides = array<i32>} : memref<128xi32, #tpu.memory_space<vmem>>, vector<16xi32>,
    %add3A_199 = arith.constant 112 : i32
    %add3A_200 = arith.addi %add3A_141, %add3A_199 : i32
    %add3A_201 = vector.broadcast %add3A_200 : i32 to vector<16xi32>
    %add3A_202 = arith.addi %iota3A_142, %add3A_201 : vector<16xi32>
    %swap3A_203 = arith.constant 112 : index
    %swap3A_204 = tpu.vector_load %arg11[%swap3A_203] {strides = array<i32>} : memref<128xi32, #tpu.memory_space<vmem>>, vector<16xi32>,
    %swap3A_205 = vector.shape_cast %swap3A_204 : vector<16xi32> to vector<16xi32>
    %swap3A_206 = vector.shape_cast %add3A_202 : vector<16xi32> to vector<16xi32>
    tpu.vector_store %arg11[%swap3A_203], %swap3A_206 {strides = array<i32>} : memref<128xi32, #tpu.memory_space<vmem>>, vector<16xi32>,
    "tpu.region"() ({
      %run_scoped3A = tpu.sem_alloc : memref<!tpu.dma_semaphore, #tpu.memory_space<semaphore_mem>>
      %dma_start3A = arith.constant 0 : i32
      %dma_start3A_743 = arith.constant 0 : i32
      %dma_start3A_744 = tpu.memref_slice %arg12[%dma_start3A, %dma_start3A_743] : memref<10240x128xf32, #tpu.memory_space<vmem_shared>> -> memref<10240x128xf32, #tpu.memory_space<vmem_shared>>
      tpu.enqueue_indirect_dma source(%arg10 : memref<128x128xf32, #tpu.memory_space<vmem>>) target(%dma_start3A_744 : memref<10240x128xf32, #tpu.memory_space<vmem_shared>>) offsets(%arg11 : memref<128xi32, #tpu.memory_space<vmem>>) semaphore(%run_scoped3A : memref<!tpu.dma_semaphore, #tpu.memory_space<semaphore_mem>>)
      %dma_wait3A = arith.constant 0 : i32
      %dma_wait3A_745 = arith.constant 0 : i32
      %dma_wait3A_746 = tpu.memref_slice %arg12[%dma_wait3A, %dma_wait3A_745] : memref<10240x128xf32, #tpu.memory_space<vmem_shared>> -> memref<10240x128xf32, #tpu.memory_space<vmem_shared>>
      tpu.wait_indirect_dma semaphore(%run_scoped3A : memref<!tpu.dma_semaphore, #tpu.memory_space<semaphore_mem>>) src(%arg10 : memref<128x128xf32, #tpu.memory_space<vmem>>) dst(%dma_wait3A_746 : memref<10240x128xf32, #tpu.memory_space<vmem_shared>>)
      tpu.yield
    }) : () -> ()
    %mul3A_207 = arith.constant 640 : i32
    %mul3A_208 = arith.muli %arg1, %mul3A_207 : i32
    %add3A_209 = arith.constant 384 : i32
    %add3A_210 = arith.addi %mul3A_208, %add3A_209 : i32
    %iota3A_211 = tpu.iota {dimensions = array<i32: 0>} : vector<16xi32>
    %add3A_212 = arith.constant 0 : i32
    %add3A_213 = arith.addi %add3A_210, %add3A_212 : i32
    %add3A_214 = vector.broadcast %add3A_213 : i32 to vector<16xi32>
    %add3A_215 = arith.addi %iota3A_211, %add3A_214 : vector<16xi32>
    %swap3A_216 = arith.constant 0 : index
    %swap3A_217 = tpu.vector_load %arg11[%swap3A_216] {strides = array<i32>} : memref<128xi32, #tpu.memory_space<vmem>>, vector<16xi32>,
    %swap3A_218 = vector.shape_cast %swap3A_217 : vector<16xi32> to vector<16xi32>
    %swap3A_219 = vector.shape_cast %add3A_215 : vector<16xi32> to vector<16xi32>
    tpu.vector_store %arg11[%swap3A_216], %swap3A_219 {strides = array<i32>} : memref<128xi32, #tpu.memory_space<vmem>>, vector<16xi32>,
    %add3A_220 = arith.constant 16 : i32
    %add3A_221 = arith.addi %add3A_210, %add3A_220 : i32
    %add3A_222 = vector.broadcast %add3A_221 : i32 to vector<16xi32>
    %add3A_223 = arith.addi %iota3A_211, %add3A_222 : vector<16xi32>
    %swap3A_224 = arith.constant 16 : index
    %swap3A_225 = tpu.vector_load %arg11[%swap3A_224] {strides = array<i32>} : memref<128xi32, #tpu.memory_space<vmem>>, vector<16xi32>,
    %swap3A_226 = vector.shape_cast %swap3A_225 : vector<16xi32> to vector<16xi32>
    %swap3A_227 = vector.shape_cast %add3A_223 : vector<16xi32> to vector<16xi32>
    tpu.vector_store %arg11[%swap3A_224], %swap3A_227 {strides = array<i32>} : memref<128xi32, #tpu.memory_space<vmem>>, vector<16xi32>,
    %add3A_228 = arith.constant 32 : i32
    %add3A_229 = arith.addi %add3A_210, %add3A_228 : i32
    %add3A_230 = vector.broadcast %add3A_229 : i32 to vector<16xi32>
    %add3A_231 = arith.addi %iota3A_211, %add3A_230 : vector<16xi32>
    %swap3A_232 = arith.constant 32 : index
    %swap3A_233 = tpu.vector_load %arg11[%swap3A_232] {strides = array<i32>} : memref<128xi32, #tpu.memory_space<vmem>>, vector<16xi32>,
    %swap3A_234 = vector.shape_cast %swap3A_233 : vector<16xi32> to vector<16xi32>
    %swap3A_235 = vector.shape_cast %add3A_231 : vector<16xi32> to vector<16xi32>
    tpu.vector_store %arg11[%swap3A_232], %swap3A_235 {strides = array<i32>} : memref<128xi32, #tpu.memory_space<vmem>>, vector<16xi32>,
    %add3A_236 = arith.constant 48 : i32
    %add3A_237 = arith.addi %add3A_210, %add3A_236 : i32
    %add3A_238 = vector.broadcast %add3A_237 : i32 to vector<16xi32>
    %add3A_239 = arith.addi %iota3A_211, %add3A_238 : vector<16xi32>
    %swap3A_240 = arith.constant 48 : index
    %swap3A_241 = tpu.vector_load %arg11[%swap3A_240] {strides = array<i32>} : memref<128xi32, #tpu.memory_space<vmem>>, vector<16xi32>,
    %swap3A_242 = vector.shape_cast %swap3A_241 : vector<16xi32> to vector<16xi32>
    %swap3A_243 = vector.shape_cast %add3A_239 : vector<16xi32> to vector<16xi32>
    tpu.vector_store %arg11[%swap3A_240], %swap3A_243 {strides = array<i32>} : memref<128xi32, #tpu.memory_space<vmem>>, vector<16xi32>,
    %add3A_244 = arith.constant 64 : i32
    %add3A_245 = arith.addi %add3A_210, %add3A_244 : i32
    %add3A_246 = vector.broadcast %add3A_245 : i32 to vector<16xi32>
    %add3A_247 = arith.addi %iota3A_211, %add3A_246 : vector<16xi32>
    %swap3A_248 = arith.constant 64 : index
    %swap3A_249 = tpu.vector_load %arg11[%swap3A_248] {strides = array<i32>} : memref<128xi32, #tpu.memory_space<vmem>>, vector<16xi32>,
    %swap3A_250 = vector.shape_cast %swap3A_249 : vector<16xi32> to vector<16xi32>
    %swap3A_251 = vector.shape_cast %add3A_247 : vector<16xi32> to vector<16xi32>
    tpu.vector_store %arg11[%swap3A_248], %swap3A_251 {strides = array<i32>} : memref<128xi32, #tpu.memory_space<vmem>>, vector<16xi32>,
    %add3A_252 = arith.constant 80 : i32
    %add3A_253 = arith.addi %add3A_210, %add3A_252 : i32
    %add3A_254 = vector.broadcast %add3A_253 : i32 to vector<16xi32>
    %add3A_255 = arith.addi %iota3A_211, %add3A_254 : vector<16xi32>
    %swap3A_256 = arith.constant 80 : index
    %swap3A_257 = tpu.vector_load %arg11[%swap3A_256] {strides = array<i32>} : memref<128xi32, #tpu.memory_space<vmem>>, vector<16xi32>,
    %swap3A_258 = vector.shape_cast %swap3A_257 : vector<16xi32> to vector<16xi32>
    %swap3A_259 = vector.shape_cast %add3A_255 : vector<16xi32> to vector<16xi32>
    tpu.vector_store %arg11[%swap3A_256], %swap3A_259 {strides = array<i32>} : memref<128xi32, #tpu.memory_space<vmem>>, vector<16xi32>,
    %add3A_260 = arith.constant 96 : i32
    %add3A_261 = arith.addi %add3A_210, %add3A_260 : i32
    %add3A_262 = vector.broadcast %add3A_261 : i32 to vector<16xi32>
    %add3A_263 = arith.addi %iota3A_211, %add3A_262 : vector<16xi32>
    %swap3A_264 = arith.constant 96 : index
    %swap3A_265 = tpu.vector_load %arg11[%swap3A_264] {strides = array<i32>} : memref<128xi32, #tpu.memory_space<vmem>>, vector<16xi32>,
    %swap3A_266 = vector.shape_cast %swap3A_265 : vector<16xi32> to vector<16xi32>
    %swap3A_267 = vector.shape_cast %add3A_263 : vector<16xi32> to vector<16xi32>
    tpu.vector_store %arg11[%swap3A_264], %swap3A_267 {strides = array<i32>} : memref<128xi32, #tpu.memory_space<vmem>>, vector<16xi32>,
    %add3A_268 = arith.constant 112 : i32
    %add3A_269 = arith.addi %add3A_210, %add3A_268 : i32
    %add3A_270 = vector.broadcast %add3A_269 : i32 to vector<16xi32>
    %add3A_271 = arith.addi %iota3A_211, %add3A_270 : vector<16xi32>
    %swap3A_272 = arith.constant 112 : index
    %swap3A_273 = tpu.vector_load %arg11[%swap3A_272] {strides = array<i32>} : memref<128xi32, #tpu.memory_space<vmem>>, vector<16xi32>,
    %swap3A_274 = vector.shape_cast %swap3A_273 : vector<16xi32> to vector<16xi32>
    %swap3A_275 = vector.shape_cast %add3A_271 : vector<16xi32> to vector<16xi32>
    tpu.vector_store %arg11[%swap3A_272], %swap3A_275 {strides = array<i32>} : memref<128xi32, #tpu.memory_space<vmem>>, vector<16xi32>,
    "tpu.region"() ({
      %run_scoped3A = tpu.sem_alloc : memref<!tpu.dma_semaphore, #tpu.memory_space<semaphore_mem>>
      %dma_start3A = arith.constant 0 : i32
      %dma_start3A_743 = arith.constant 0 : i32
      %dma_start3A_744 = tpu.memref_slice %arg12[%dma_start3A, %dma_start3A_743] : memref<10240x128xf32, #tpu.memory_space<vmem_shared>> -> memref<10240x128xf32, #tpu.memory_space<vmem_shared>>
      tpu.enqueue_indirect_dma source(%arg10 : memref<128x128xf32, #tpu.memory_space<vmem>>) target(%dma_start3A_744 : memref<10240x128xf32, #tpu.memory_space<vmem_shared>>) offsets(%arg11 : memref<128xi32, #tpu.memory_space<vmem>>) semaphore(%run_scoped3A : memref<!tpu.dma_semaphore, #tpu.memory_space<semaphore_mem>>)
      %dma_wait3A = arith.constant 0 : i32
      %dma_wait3A_745 = arith.constant 0 : i32
      %dma_wait3A_746 = tpu.memref_slice %arg12[%dma_wait3A, %dma_wait3A_745] : memref<10240x128xf32, #tpu.memory_space<vmem_shared>> -> memref<10240x128xf32, #tpu.memory_space<vmem_shared>>
      tpu.wait_indirect_dma semaphore(%run_scoped3A : memref<!tpu.dma_semaphore, #tpu.memory_space<semaphore_mem>>) src(%arg10 : memref<128x128xf32, #tpu.memory_space<vmem>>) dst(%dma_wait3A_746 : memref<10240x128xf32, #tpu.memory_space<vmem_shared>>)
      tpu.yield
    }) : () -> ()
    %mul3A_276 = arith.constant 640 : i32
    %mul3A_277 = arith.muli %arg1, %mul3A_276 : i32
    %add3A_278 = arith.constant 512 : i32
    %add3A_279 = arith.addi %mul3A_277, %add3A_278 : i32
    %iota3A_280 = tpu.iota {dimensions = array<i32: 0>} : vector<16xi32>
    %add3A_281 = arith.constant 0 : i32
    %add3A_282 = arith.addi %add3A_279, %add3A_281 : i32
    %add3A_283 = vector.broadcast %add3A_282 : i32 to vector<16xi32>
    %add3A_284 = arith.addi %iota3A_280, %add3A_283 : vector<16xi32>
    %swap3A_285 = arith.constant 0 : index
    %swap3A_286 = tpu.vector_load %arg11[%swap3A_285] {strides = array<i32>} : memref<128xi32, #tpu.memory_space<vmem>>, vector<16xi32>,
    %swap3A_287 = vector.shape_cast %swap3A_286 : vector<16xi32> to vector<16xi32>
    %swap3A_288 = vector.shape_cast %add3A_284 : vector<16xi32> to vector<16xi32>
    tpu.vector_store %arg11[%swap3A_285], %swap3A_288 {strides = array<i32>} : memref<128xi32, #tpu.memory_space<vmem>>, vector<16xi32>,
    %add3A_289 = arith.constant 16 : i32
    %add3A_290 = arith.addi %add3A_279, %add3A_289 : i32
    %add3A_291 = vector.broadcast %add3A_290 : i32 to vector<16xi32>
    %add3A_292 = arith.addi %iota3A_280, %add3A_291 : vector<16xi32>
    %swap3A_293 = arith.constant 16 : index
    %swap3A_294 = tpu.vector_load %arg11[%swap3A_293] {strides = array<i32>} : memref<128xi32, #tpu.memory_space<vmem>>, vector<16xi32>,
    %swap3A_295 = vector.shape_cast %swap3A_294 : vector<16xi32> to vector<16xi32>
    %swap3A_296 = vector.shape_cast %add3A_292 : vector<16xi32> to vector<16xi32>
    tpu.vector_store %arg11[%swap3A_293], %swap3A_296 {strides = array<i32>} : memref<128xi32, #tpu.memory_space<vmem>>, vector<16xi32>,
    %add3A_297 = arith.constant 32 : i32
    %add3A_298 = arith.addi %add3A_279, %add3A_297 : i32
    %add3A_299 = vector.broadcast %add3A_298 : i32 to vector<16xi32>
    %add3A_300 = arith.addi %iota3A_280, %add3A_299 : vector<16xi32>
    %swap3A_301 = arith.constant 32 : index
    %swap3A_302 = tpu.vector_load %arg11[%swap3A_301] {strides = array<i32>} : memref<128xi32, #tpu.memory_space<vmem>>, vector<16xi32>,
    %swap3A_303 = vector.shape_cast %swap3A_302 : vector<16xi32> to vector<16xi32>
    %swap3A_304 = vector.shape_cast %add3A_300 : vector<16xi32> to vector<16xi32>
    tpu.vector_store %arg11[%swap3A_301], %swap3A_304 {strides = array<i32>} : memref<128xi32, #tpu.memory_space<vmem>>, vector<16xi32>,
    %add3A_305 = arith.constant 48 : i32
    %add3A_306 = arith.addi %add3A_279, %add3A_305 : i32
    %add3A_307 = vector.broadcast %add3A_306 : i32 to vector<16xi32>
    %add3A_308 = arith.addi %iota3A_280, %add3A_307 : vector<16xi32>
    %swap3A_309 = arith.constant 48 : index
    %swap3A_310 = tpu.vector_load %arg11[%swap3A_309] {strides = array<i32>} : memref<128xi32, #tpu.memory_space<vmem>>, vector<16xi32>,
    %swap3A_311 = vector.shape_cast %swap3A_310 : vector<16xi32> to vector<16xi32>
    %swap3A_312 = vector.shape_cast %add3A_308 : vector<16xi32> to vector<16xi32>
    tpu.vector_store %arg11[%swap3A_309], %swap3A_312 {strides = array<i32>} : memref<128xi32, #tpu.memory_space<vmem>>, vector<16xi32>,
    %add3A_313 = arith.constant 64 : i32
    %add3A_314 = arith.addi %add3A_279, %add3A_313 : i32
    %add3A_315 = vector.broadcast %add3A_314 : i32 to vector<16xi32>
    %add3A_316 = arith.addi %iota3A_280, %add3A_315 : vector<16xi32>
    %swap3A_317 = arith.constant 64 : index
    %swap3A_318 = tpu.vector_load %arg11[%swap3A_317] {strides = array<i32>} : memref<128xi32, #tpu.memory_space<vmem>>, vector<16xi32>,
    %swap3A_319 = vector.shape_cast %swap3A_318 : vector<16xi32> to vector<16xi32>
    %swap3A_320 = vector.shape_cast %add3A_316 : vector<16xi32> to vector<16xi32>
    tpu.vector_store %arg11[%swap3A_317], %swap3A_320 {strides = array<i32>} : memref<128xi32, #tpu.memory_space<vmem>>, vector<16xi32>,
    %add3A_321 = arith.constant 80 : i32
    %add3A_322 = arith.addi %add3A_279, %add3A_321 : i32
    %add3A_323 = vector.broadcast %add3A_322 : i32 to vector<16xi32>
    %add3A_324 = arith.addi %iota3A_280, %add3A_323 : vector<16xi32>
    %swap3A_325 = arith.constant 80 : index
    %swap3A_326 = tpu.vector_load %arg11[%swap3A_325] {strides = array<i32>} : memref<128xi32, #tpu.memory_space<vmem>>, vector<16xi32>,
    %swap3A_327 = vector.shape_cast %swap3A_326 : vector<16xi32> to vector<16xi32>
    %swap3A_328 = vector.shape_cast %add3A_324 : vector<16xi32> to vector<16xi32>
    tpu.vector_store %arg11[%swap3A_325], %swap3A_328 {strides = array<i32>} : memref<128xi32, #tpu.memory_space<vmem>>, vector<16xi32>,
    %add3A_329 = arith.constant 96 : i32
    %add3A_330 = arith.addi %add3A_279, %add3A_329 : i32
    %add3A_331 = vector.broadcast %add3A_330 : i32 to vector<16xi32>
    %add3A_332 = arith.addi %iota3A_280, %add3A_331 : vector<16xi32>
    %swap3A_333 = arith.constant 96 : index
    %swap3A_334 = tpu.vector_load %arg11[%swap3A_333] {strides = array<i32>} : memref<128xi32, #tpu.memory_space<vmem>>, vector<16xi32>,
    %swap3A_335 = vector.shape_cast %swap3A_334 : vector<16xi32> to vector<16xi32>
    %swap3A_336 = vector.shape_cast %add3A_332 : vector<16xi32> to vector<16xi32>
    tpu.vector_store %arg11[%swap3A_333], %swap3A_336 {strides = array<i32>} : memref<128xi32, #tpu.memory_space<vmem>>, vector<16xi32>,
    %add3A_337 = arith.constant 112 : i32
    %add3A_338 = arith.addi %add3A_279, %add3A_337 : i32
    %add3A_339 = vector.broadcast %add3A_338 : i32 to vector<16xi32>
    %add3A_340 = arith.addi %iota3A_280, %add3A_339 : vector<16xi32>
    %swap3A_341 = arith.constant 112 : index
    %swap3A_342 = tpu.vector_load %arg11[%swap3A_341] {strides = array<i32>} : memref<128xi32, #tpu.memory_space<vmem>>, vector<16xi32>,
    %swap3A_343 = vector.shape_cast %swap3A_342 : vector<16xi32> to vector<16xi32>
    %swap3A_344 = vector.shape_cast %add3A_340 : vector<16xi32> to vector<16xi32>
    tpu.vector_store %arg11[%swap3A_341], %swap3A_344 {strides = array<i32>} : memref<128xi32, #tpu.memory_space<vmem>>, vector<16xi32>,
    "tpu.region"() ({
      %run_scoped3A = tpu.sem_alloc : memref<!tpu.dma_semaphore, #tpu.memory_space<semaphore_mem>>
      %dma_start3A = arith.constant 0 : i32
      %dma_start3A_743 = arith.constant 0 : i32
      %dma_start3A_744 = tpu.memref_slice %arg12[%dma_start3A, %dma_start3A_743] : memref<10240x128xf32, #tpu.memory_space<vmem_shared>> -> memref<10240x128xf32, #tpu.memory_space<vmem_shared>>
      tpu.enqueue_indirect_dma source(%arg10 : memref<128x128xf32, #tpu.memory_space<vmem>>) target(%dma_start3A_744 : memref<10240x128xf32, #tpu.memory_space<vmem_shared>>) offsets(%arg11 : memref<128xi32, #tpu.memory_space<vmem>>) semaphore(%run_scoped3A : memref<!tpu.dma_semaphore, #tpu.memory_space<semaphore_mem>>)
      %dma_wait3A = arith.constant 0 : i32
      %dma_wait3A_745 = arith.constant 0 : i32
      %dma_wait3A_746 = tpu.memref_slice %arg12[%dma_wait3A, %dma_wait3A_745] : memref<10240x128xf32, #tpu.memory_space<vmem_shared>> -> memref<10240x128xf32, #tpu.memory_space<vmem_shared>>
      tpu.wait_indirect_dma semaphore(%run_scoped3A : memref<!tpu.dma_semaphore, #tpu.memory_space<semaphore_mem>>) src(%arg10 : memref<128x128xf32, #tpu.memory_space<vmem>>) dst(%dma_wait3A_746 : memref<10240x128xf32, #tpu.memory_space<vmem_shared>>)
      tpu.yield
    }) : () -> ()
    %barrier3A = arith.constant 0 : index
    tpu.barrier barrier_id(%barrier3A)
    %scan3A_345 = arith.constant 0 : i32
    %scan3A_346 = arith.constant 80 : i32
    %scan3A_347 = arith.addi %scan3A_345, %scan3A_346 : i32
    %scan3A_348 = arith.constant 1 : i32
    scf.for %scan3A_743 = %scan3A_345 to %scan3A_347 step %scan3A_348  : i32 {
      %eq3A_744 = arith.constant 0 : i32
      %eq3A_745 = arith.cmpi eq, %arg0, %eq3A_744 : i32
      %convert_element_type3A_746 = arith.extui %eq3A_745 : i1 to i32
      %cond3A_747 = arith.constant 0 : i32
      %cond3A_748 = arith.cmpi ne, %convert_element_type3A_746, %cond3A_747 : i32
      scf.if %cond3A_748 {
        "tpu.region"() ({
          %run_scoped3A = tpu.sem_alloc : memref<!tpu.dma_semaphore, #tpu.memory_space<semaphore_mem>>
          %dma_start3A = arith.constant 0 : i32
          %dma_start3A_754 = tpu.memref_slice %arg8[%scan3A_743, %dma_start3A] : memref<80x128xi32, #tpu.memory_space<vmem>> -> memref<1x128xi32, #tpu.memory_space<vmem>>
          %dma_start3A_755 = tpu.memref_squeeze %dma_start3A_754 : memref<1x128xi32, #tpu.memory_space<vmem>> -> memref<128xi32, #tpu.memory_space<vmem>>
          %dma_start3A_756 = arith.constant 0 : i32
          %dma_start3A_757 = arith.constant 0 : i32
          %dma_start3A_758 = tpu.memref_slice %arg2[%dma_start3A_756, %dma_start3A_757] : memref<10000x128xf32, #tpu.memory_space<hbm>> -> memref<10000x128xf32, #tpu.memory_space<hbm>>
          tpu.enqueue_indirect_dma source(%dma_start3A_758 : memref<10000x128xf32, #tpu.memory_space<hbm>>) target(%arg10 : memref<128x128xf32, #tpu.memory_space<vmem>>) offsets(%dma_start3A_755 : memref<128xi32, #tpu.memory_space<vmem>>) semaphore(%run_scoped3A : memref<!tpu.dma_semaphore, #tpu.memory_space<semaphore_mem>>)
          %dma_wait3A = arith.constant 0 : i32
          %dma_wait3A_759 = tpu.memref_slice %arg8[%scan3A_743, %dma_wait3A] : memref<80x128xi32, #tpu.memory_space<vmem>> -> memref<1x128xi32, #tpu.memory_space<vmem>>
          %dma_wait3A_760 = tpu.memref_squeeze %dma_wait3A_759 : memref<1x128xi32, #tpu.memory_space<vmem>> -> memref<128xi32, #tpu.memory_space<vmem>>
          %dma_wait3A_761 = arith.constant 0 : i32
          %dma_wait3A_762 = arith.constant 0 : i32
          %dma_wait3A_763 = tpu.memref_slice %arg2[%dma_wait3A_761, %dma_wait3A_762] : memref<10000x128xf32, #tpu.memory_space<hbm>> -> memref<10000x128xf32, #tpu.memory_space<hbm>>
          tpu.wait_indirect_dma semaphore(%run_scoped3A : memref<!tpu.dma_semaphore, #tpu.memory_space<semaphore_mem>>) src(%dma_wait3A_763 : memref<10000x128xf32, #tpu.memory_space<hbm>>) dst(%arg10 : memref<128x128xf32, #tpu.memory_space<vmem>>)
          tpu.yield
        }) : () -> ()
      } else {
      }
      %eq3A_749 = arith.constant 1 : i32
      %eq3A_750 = arith.cmpi eq, %arg0, %eq3A_749 : i32
      %convert_element_type3A_751 = arith.extui %eq3A_750 : i1 to i32
      %cond3A_752 = arith.constant 0 : i32
      %cond3A_753 = arith.cmpi ne, %convert_element_type3A_751, %cond3A_752 : i32
      scf.if %cond3A_753 {
        "tpu.region"() ({
          %run_scoped3A = tpu.sem_alloc : memref<!tpu.dma_semaphore, #tpu.memory_space<semaphore_mem>>
          %dma_start3A = arith.constant 0 : i32
          %dma_start3A_754 = tpu.memref_slice %arg8[%scan3A_743, %dma_start3A] : memref<80x128xi32, #tpu.memory_space<vmem>> -> memref<1x128xi32, #tpu.memory_space<vmem>>
          %dma_start3A_755 = tpu.memref_squeeze %dma_start3A_754 : memref<1x128xi32, #tpu.memory_space<vmem>> -> memref<128xi32, #tpu.memory_space<vmem>>
          %dma_start3A_756 = arith.constant 0 : i32
          %dma_start3A_757 = arith.constant 0 : i32
          %dma_start3A_758 = tpu.memref_slice %arg3[%dma_start3A_756, %dma_start3A_757] : memref<10000x128xf32, #tpu.memory_space<hbm>> -> memref<10000x128xf32, #tpu.memory_space<hbm>>
          tpu.enqueue_indirect_dma source(%dma_start3A_758 : memref<10000x128xf32, #tpu.memory_space<hbm>>) target(%arg10 : memref<128x128xf32, #tpu.memory_space<vmem>>) offsets(%dma_start3A_755 : memref<128xi32, #tpu.memory_space<vmem>>) semaphore(%run_scoped3A : memref<!tpu.dma_semaphore, #tpu.memory_space<semaphore_mem>>)
          %dma_wait3A = arith.constant 0 : i32
          %dma_wait3A_759 = tpu.memref_slice %arg8[%scan3A_743, %dma_wait3A] : memref<80x128xi32, #tpu.memory_space<vmem>> -> memref<1x128xi32, #tpu.memory_space<vmem>>
          %dma_wait3A_760 = tpu.memref_squeeze %dma_wait3A_759 : memref<1x128xi32, #tpu.memory_space<vmem>> -> memref<128xi32, #tpu.memory_space<vmem>>
          %dma_wait3A_761 = arith.constant 0 : i32
          %dma_wait3A_762 = arith.constant 0 : i32
          %dma_wait3A_763 = tpu.memref_slice %arg3[%dma_wait3A_761, %dma_wait3A_762] : memref<10000x128xf32, #tpu.memory_space<hbm>> -> memref<10000x128xf32, #tpu.memory_space<hbm>>
          tpu.wait_indirect_dma semaphore(%run_scoped3A : memref<!tpu.dma_semaphore, #tpu.memory_space<semaphore_mem>>) src(%dma_wait3A_763 : memref<10000x128xf32, #tpu.memory_space<hbm>>) dst(%arg10 : memref<128x128xf32, #tpu.memory_space<vmem>>)
          tpu.yield
        }) : () -> ()
      } else {
      }
      "tpu.region"() ({
        %run_scoped3A = tpu.sem_alloc : memref<!tpu.dma_semaphore, #tpu.memory_space<semaphore_mem>>
        %dma_start3A = arith.constant 0 : i32
        %dma_start3A_754 = tpu.memref_slice %arg9[%scan3A_743, %dma_start3A] : memref<80x128xi32, #tpu.memory_space<vmem>> -> memref<1x128xi32, #tpu.memory_space<vmem>>
        %dma_start3A_755 = tpu.memref_squeeze %dma_start3A_754 : memref<1x128xi32, #tpu.memory_space<vmem>> -> memref<128xi32, #tpu.memory_space<vmem>>
        %dma_start3A_756 = arith.constant 0 : i32
        %dma_start3A_757 = arith.constant 0 : i32
        %dma_start3A_758 = tpu.memref_slice %arg12[%dma_start3A_756, %dma_start3A_757] : memref<10240x128xf32, #tpu.memory_space<vmem_shared>> -> memref<10240x128xf32, #tpu.memory_space<vmem_shared>>
        tpu.enqueue_indirect_dma source(%arg10 : memref<128x128xf32, #tpu.memory_space<vmem>>) target(%dma_start3A_758 : memref<10240x128xf32, #tpu.memory_space<vmem_shared>>) offsets(%dma_start3A_755 : memref<128xi32, #tpu.memory_space<vmem>>) semaphore(%run_scoped3A : memref<!tpu.dma_semaphore, #tpu.memory_space<semaphore_mem>>) {add = true}
        %dma_wait3A = arith.constant 0 : i32
        %dma_wait3A_759 = tpu.memref_slice %arg9[%scan3A_743, %dma_wait3A] : memref<80x128xi32, #tpu.memory_space<vmem>> -> memref<1x128xi32, #tpu.memory_space<vmem>>
        %dma_wait3A_760 = tpu.memref_squeeze %dma_wait3A_759 : memref<1x128xi32, #tpu.memory_space<vmem>> -> memref<128xi32, #tpu.memory_space<vmem>>
        %dma_wait3A_761 = arith.constant 0 : i32
        %dma_wait3A_762 = arith.constant 0 : i32
        %dma_wait3A_763 = tpu.memref_slice %arg12[%dma_wait3A_761, %dma_wait3A_762] : memref<10240x128xf32, #tpu.memory_space<vmem_shared>> -> memref<10240x128xf32, #tpu.memory_space<vmem_shared>>
        tpu.wait_indirect_dma semaphore(%run_scoped3A : memref<!tpu.dma_semaphore, #tpu.memory_space<semaphore_mem>>) src(%arg10 : memref<128x128xf32, #tpu.memory_space<vmem>>) dst(%dma_wait3A_763 : memref<10240x128xf32, #tpu.memory_space<vmem_shared>>)
        tpu.yield
      }) : () -> ()
    }
    %scan3A_349 = arith.constant 80 : i32
    %barrier3A_350 = arith.constant 0 : index
    tpu.barrier barrier_id(%barrier3A_350)
    %mul3A_351 = arith.constant 640 : i32
    %mul3A_352 = arith.muli %arg1, %mul3A_351 : i32
    %add3A_353 = arith.constant 0 : i32
    %add3A_354 = arith.addi %mul3A_352, %add3A_353 : i32
    %iota3A_355 = tpu.iota {dimensions = array<i32: 0>} : vector<16xi32>
    %add3A_356 = arith.constant 0 : i32
    %add3A_357 = arith.addi %add3A_354, %add3A_356 : i32
    %add3A_358 = vector.broadcast %add3A_357 : i32 to vector<16xi32>
    %add3A_359 = arith.addi %iota3A_355, %add3A_358 : vector<16xi32>
    %swap3A_360 = arith.constant 0 : index
    %swap3A_361 = tpu.vector_load %arg11[%swap3A_360] {strides = array<i32>} : memref<128xi32, #tpu.memory_space<vmem>>, vector<16xi32>,
    %swap3A_362 = vector.shape_cast %swap3A_361 : vector<16xi32> to vector<16xi32>
    %swap3A_363 = vector.shape_cast %add3A_359 : vector<16xi32> to vector<16xi32>
    tpu.vector_store %arg11[%swap3A_360], %swap3A_363 {strides = array<i32>} : memref<128xi32, #tpu.memory_space<vmem>>, vector<16xi32>,
    %add3A_364 = arith.constant 16 : i32
    %add3A_365 = arith.addi %add3A_354, %add3A_364 : i32
    %add3A_366 = vector.broadcast %add3A_365 : i32 to vector<16xi32>
    %add3A_367 = arith.addi %iota3A_355, %add3A_366 : vector<16xi32>
    %swap3A_368 = arith.constant 16 : index
    %swap3A_369 = tpu.vector_load %arg11[%swap3A_368] {strides = array<i32>} : memref<128xi32, #tpu.memory_space<vmem>>, vector<16xi32>,
    %swap3A_370 = vector.shape_cast %swap3A_369 : vector<16xi32> to vector<16xi32>
    %swap3A_371 = vector.shape_cast %add3A_367 : vector<16xi32> to vector<16xi32>
    tpu.vector_store %arg11[%swap3A_368], %swap3A_371 {strides = array<i32>} : memref<128xi32, #tpu.memory_space<vmem>>, vector<16xi32>,
    %add3A_372 = arith.constant 32 : i32
    %add3A_373 = arith.addi %add3A_354, %add3A_372 : i32
    %add3A_374 = vector.broadcast %add3A_373 : i32 to vector<16xi32>
    %add3A_375 = arith.addi %iota3A_355, %add3A_374 : vector<16xi32>
    %swap3A_376 = arith.constant 32 : index
    %swap3A_377 = tpu.vector_load %arg11[%swap3A_376] {strides = array<i32>} : memref<128xi32, #tpu.memory_space<vmem>>, vector<16xi32>,
    %swap3A_378 = vector.shape_cast %swap3A_377 : vector<16xi32> to vector<16xi32>
    %swap3A_379 = vector.shape_cast %add3A_375 : vector<16xi32> to vector<16xi32>
    tpu.vector_store %arg11[%swap3A_376], %swap3A_379 {strides = array<i32>} : memref<128xi32, #tpu.memory_space<vmem>>, vector<16xi32>,
    %add3A_380 = arith.constant 48 : i32
    %add3A_381 = arith.addi %add3A_354, %add3A_380 : i32
    %add3A_382 = vector.broadcast %add3A_381 : i32 to vector<16xi32>
    %add3A_383 = arith.addi %iota3A_355, %add3A_382 : vector<16xi32>
    %swap3A_384 = arith.constant 48 : index
    %swap3A_385 = tpu.vector_load %arg11[%swap3A_384] {strides = array<i32>} : memref<128xi32, #tpu.memory_space<vmem>>, vector<16xi32>,
    %swap3A_386 = vector.shape_cast %swap3A_385 : vector<16xi32> to vector<16xi32>
    %swap3A_387 = vector.shape_cast %add3A_383 : vector<16xi32> to vector<16xi32>
    tpu.vector_store %arg11[%swap3A_384], %swap3A_387 {strides = array<i32>} : memref<128xi32, #tpu.memory_space<vmem>>, vector<16xi32>,
    %add3A_388 = arith.constant 64 : i32
    %add3A_389 = arith.addi %add3A_354, %add3A_388 : i32
    %add3A_390 = vector.broadcast %add3A_389 : i32 to vector<16xi32>
    %add3A_391 = arith.addi %iota3A_355, %add3A_390 : vector<16xi32>
    %swap3A_392 = arith.constant 64 : index
    %swap3A_393 = tpu.vector_load %arg11[%swap3A_392] {strides = array<i32>} : memref<128xi32, #tpu.memory_space<vmem>>, vector<16xi32>,
    %swap3A_394 = vector.shape_cast %swap3A_393 : vector<16xi32> to vector<16xi32>
    %swap3A_395 = vector.shape_cast %add3A_391 : vector<16xi32> to vector<16xi32>
    tpu.vector_store %arg11[%swap3A_392], %swap3A_395 {strides = array<i32>} : memref<128xi32, #tpu.memory_space<vmem>>, vector<16xi32>,
    %add3A_396 = arith.constant 80 : i32
    %add3A_397 = arith.addi %add3A_354, %add3A_396 : i32
    %add3A_398 = vector.broadcast %add3A_397 : i32 to vector<16xi32>
    %add3A_399 = arith.addi %iota3A_355, %add3A_398 : vector<16xi32>
    %swap3A_400 = arith.constant 80 : index
    %swap3A_401 = tpu.vector_load %arg11[%swap3A_400] {strides = array<i32>} : memref<128xi32, #tpu.memory_space<vmem>>, vector<16xi32>,
    %swap3A_402 = vector.shape_cast %swap3A_401 : vector<16xi32> to vector<16xi32>
    %swap3A_403 = vector.shape_cast %add3A_399 : vector<16xi32> to vector<16xi32>
    tpu.vector_store %arg11[%swap3A_400], %swap3A_403 {strides = array<i32>} : memref<128xi32, #tpu.memory_space<vmem>>, vector<16xi32>,
    %add3A_404 = arith.constant 96 : i32
    %add3A_405 = arith.addi %add3A_354, %add3A_404 : i32
    %add3A_406 = vector.broadcast %add3A_405 : i32 to vector<16xi32>
    %add3A_407 = arith.addi %iota3A_355, %add3A_406 : vector<16xi32>
    %swap3A_408 = arith.constant 96 : index
    %swap3A_409 = tpu.vector_load %arg11[%swap3A_408] {strides = array<i32>} : memref<128xi32, #tpu.memory_space<vmem>>, vector<16xi32>,
    %swap3A_410 = vector.shape_cast %swap3A_409 : vector<16xi32> to vector<16xi32>
    %swap3A_411 = vector.shape_cast %add3A_407 : vector<16xi32> to vector<16xi32>
    tpu.vector_store %arg11[%swap3A_408], %swap3A_411 {strides = array<i32>} : memref<128xi32, #tpu.memory_space<vmem>>, vector<16xi32>,
    %add3A_412 = arith.constant 112 : i32
    %add3A_413 = arith.addi %add3A_354, %add3A_412 : i32
    %add3A_414 = vector.broadcast %add3A_413 : i32 to vector<16xi32>
    %add3A_415 = arith.addi %iota3A_355, %add3A_414 : vector<16xi32>
    %swap3A_416 = arith.constant 112 : index
    %swap3A_417 = tpu.vector_load %arg11[%swap3A_416] {strides = array<i32>} : memref<128xi32, #tpu.memory_space<vmem>>, vector<16xi32>,
    %swap3A_418 = vector.shape_cast %swap3A_417 : vector<16xi32> to vector<16xi32>
    %swap3A_419 = vector.shape_cast %add3A_415 : vector<16xi32> to vector<16xi32>
    tpu.vector_store %arg11[%swap3A_416], %swap3A_419 {strides = array<i32>} : memref<128xi32, #tpu.memory_space<vmem>>, vector<16xi32>,
    "tpu.region"() ({
      %run_scoped3A = tpu.sem_alloc : memref<!tpu.dma_semaphore, #tpu.memory_space<semaphore_mem>>
      %dma_start3A = arith.constant 0 : i32
      %dma_start3A_743 = arith.constant 0 : i32
      %dma_start3A_744 = tpu.memref_slice %arg12[%dma_start3A, %dma_start3A_743] : memref<10240x128xf32, #tpu.memory_space<vmem_shared>> -> memref<10240x128xf32, #tpu.memory_space<vmem_shared>>
      tpu.enqueue_indirect_dma source(%dma_start3A_744 : memref<10240x128xf32, #tpu.memory_space<vmem_shared>>) target(%arg10 : memref<128x128xf32, #tpu.memory_space<vmem>>) offsets(%arg11 : memref<128xi32, #tpu.memory_space<vmem>>) semaphore(%run_scoped3A : memref<!tpu.dma_semaphore, #tpu.memory_space<semaphore_mem>>)
      %dma_wait3A = arith.constant 0 : i32
      %dma_wait3A_745 = arith.constant 0 : i32
      %dma_wait3A_746 = tpu.memref_slice %arg12[%dma_wait3A, %dma_wait3A_745] : memref<10240x128xf32, #tpu.memory_space<vmem_shared>> -> memref<10240x128xf32, #tpu.memory_space<vmem_shared>>
      tpu.wait_indirect_dma semaphore(%run_scoped3A : memref<!tpu.dma_semaphore, #tpu.memory_space<semaphore_mem>>) src(%dma_wait3A_746 : memref<10240x128xf32, #tpu.memory_space<vmem_shared>>) dst(%arg10 : memref<128x128xf32, #tpu.memory_space<vmem>>)
      tpu.yield
    }) : () -> ()
    %eq3A = arith.constant 0 : i32
    %eq3A_420 = arith.cmpi eq, %arg0, %eq3A : i32
    %convert_element_type3A = arith.extui %eq3A_420 : i1 to i32
    %cond3A = arith.constant 0 : i32
    %cond3A_421 = arith.cmpi ne, %convert_element_type3A, %cond3A : i32
    scf.if %cond3A_421 {
      "tpu.region"() ({
        %run_scoped3A = tpu.sem_alloc : memref<!tpu.dma_semaphore, #tpu.memory_space<semaphore_mem>>
        %dma_start3A = arith.constant 0 : i32
        %dma_start3A_743 = tpu.memref_slice %arg6[%add3A_354, %dma_start3A] : memref<10240x128xf32, #tpu.memory_space<hbm>> -> memref<128x128xf32, #tpu.memory_space<hbm>>
        %dma_start3A_744 = arith.constant 0 : i32
        %dma_start3A_745 = tpu.memref_slice %arg6[%add3A_354, %dma_start3A_744] : memref<10240x128xf32, #tpu.memory_space<hbm>> -> memref<128x128xf32, #tpu.memory_space<hbm>>
        tpu.enqueue_dma source(%arg10 : memref<128x128xf32, #tpu.memory_space<vmem>>) target(%dma_start3A_745 : memref<128x128xf32, #tpu.memory_space<hbm>>) target_semaphore(%run_scoped3A : memref<!tpu.dma_semaphore, #tpu.memory_space<semaphore_mem>>)
        %dma_wait3A = arith.constant 0 : i32
        %dma_wait3A_746 = tpu.memref_slice %arg6[%add3A_354, %dma_wait3A] : memref<10240x128xf32, #tpu.memory_space<hbm>> -> memref<128x128xf32, #tpu.memory_space<hbm>>
        %dma_wait3A_747 = arith.constant 0 : i32
        %dma_wait3A_748 = tpu.memref_slice %arg6[%add3A_354, %dma_wait3A_747] : memref<10240x128xf32, #tpu.memory_space<hbm>> -> memref<128x128xf32, #tpu.memory_space<hbm>>
        tpu.wait_dma2 semaphore(%run_scoped3A : memref<!tpu.dma_semaphore, #tpu.memory_space<semaphore_mem>>) src(%arg10 : memref<128x128xf32, #tpu.memory_space<vmem>>) dst(%dma_wait3A_748 : memref<128x128xf32, #tpu.memory_space<hbm>>)
        tpu.yield
      }) : () -> ()
    } else {
    }
    %eq3A_422 = arith.constant 1 : i32
    %eq3A_423 = arith.cmpi eq, %arg0, %eq3A_422 : i32
    %convert_element_type3A_424 = arith.extui %eq3A_423 : i1 to i32
    %cond3A_425 = arith.constant 0 : i32
    %cond3A_426 = arith.cmpi ne, %convert_element_type3A_424, %cond3A_425 : i32
    scf.if %cond3A_426 {
      "tpu.region"() ({
        %run_scoped3A = tpu.sem_alloc : memref<!tpu.dma_semaphore, #tpu.memory_space<semaphore_mem>>
        %dma_start3A = arith.constant 0 : i32
        %dma_start3A_743 = tpu.memref_slice %arg7[%add3A_354, %dma_start3A] : memref<10240x128xf32, #tpu.memory_space<hbm>> -> memref<128x128xf32, #tpu.memory_space<hbm>>
        %dma_start3A_744 = arith.constant 0 : i32
        %dma_start3A_745 = tpu.memref_slice %arg7[%add3A_354, %dma_start3A_744] : memref<10240x128xf32, #tpu.memory_space<hbm>> -> memref<128x128xf32, #tpu.memory_space<hbm>>
        tpu.enqueue_dma source(%arg10 : memref<128x128xf32, #tpu.memory_space<vmem>>) target(%dma_start3A_745 : memref<128x128xf32, #tpu.memory_space<hbm>>) target_semaphore(%run_scoped3A : memref<!tpu.dma_semaphore, #tpu.memory_space<semaphore_mem>>)
        %dma_wait3A = arith.constant 0 : i32
        %dma_wait3A_746 = tpu.memref_slice %arg7[%add3A_354, %dma_wait3A] : memref<10240x128xf32, #tpu.memory_space<hbm>> -> memref<128x128xf32, #tpu.memory_space<hbm>>
        %dma_wait3A_747 = arith.constant 0 : i32
        %dma_wait3A_748 = tpu.memref_slice %arg7[%add3A_354, %dma_wait3A_747] : memref<10240x128xf32, #tpu.memory_space<hbm>> -> memref<128x128xf32, #tpu.memory_space<hbm>>
        tpu.wait_dma2 semaphore(%run_scoped3A : memref<!tpu.dma_semaphore, #tpu.memory_space<semaphore_mem>>) src(%arg10 : memref<128x128xf32, #tpu.memory_space<vmem>>) dst(%dma_wait3A_748 : memref<128x128xf32, #tpu.memory_space<hbm>>)
        tpu.yield
      }) : () -> ()
    } else {
    }
    %mul3A_427 = arith.constant 640 : i32
    %mul3A_428 = arith.muli %arg1, %mul3A_427 : i32
    %add3A_429 = arith.constant 128 : i32
    %add3A_430 = arith.addi %mul3A_428, %add3A_429 : i32
    %iota3A_431 = tpu.iota {dimensions = array<i32: 0>} : vector<16xi32>
    %add3A_432 = arith.constant 0 : i32
    %add3A_433 = arith.addi %add3A_430, %add3A_432 : i32
    %add3A_434 = vector.broadcast %add3A_433 : i32 to vector<16xi32>
    %add3A_435 = arith.addi %iota3A_431, %add3A_434 : vector<16xi32>
    %swap3A_436 = arith.constant 0 : index
    %swap3A_437 = tpu.vector_load %arg11[%swap3A_436] {strides = array<i32>} : memref<128xi32, #tpu.memory_space<vmem>>, vector<16xi32>,
    %swap3A_438 = vector.shape_cast %swap3A_437 : vector<16xi32> to vector<16xi32>
    %swap3A_439 = vector.shape_cast %add3A_435 : vector<16xi32> to vector<16xi32>
    tpu.vector_store %arg11[%swap3A_436], %swap3A_439 {strides = array<i32>} : memref<128xi32, #tpu.memory_space<vmem>>, vector<16xi32>,
    %add3A_440 = arith.constant 16 : i32
    %add3A_441 = arith.addi %add3A_430, %add3A_440 : i32
    %add3A_442 = vector.broadcast %add3A_441 : i32 to vector<16xi32>
    %add3A_443 = arith.addi %iota3A_431, %add3A_442 : vector<16xi32>
    %swap3A_444 = arith.constant 16 : index
    %swap3A_445 = tpu.vector_load %arg11[%swap3A_444] {strides = array<i32>} : memref<128xi32, #tpu.memory_space<vmem>>, vector<16xi32>,
    %swap3A_446 = vector.shape_cast %swap3A_445 : vector<16xi32> to vector<16xi32>
    %swap3A_447 = vector.shape_cast %add3A_443 : vector<16xi32> to vector<16xi32>
    tpu.vector_store %arg11[%swap3A_444], %swap3A_447 {strides = array<i32>} : memref<128xi32, #tpu.memory_space<vmem>>, vector<16xi32>,
    %add3A_448 = arith.constant 32 : i32
    %add3A_449 = arith.addi %add3A_430, %add3A_448 : i32
    %add3A_450 = vector.broadcast %add3A_449 : i32 to vector<16xi32>
    %add3A_451 = arith.addi %iota3A_431, %add3A_450 : vector<16xi32>
    %swap3A_452 = arith.constant 32 : index
    %swap3A_453 = tpu.vector_load %arg11[%swap3A_452] {strides = array<i32>} : memref<128xi32, #tpu.memory_space<vmem>>, vector<16xi32>,
    %swap3A_454 = vector.shape_cast %swap3A_453 : vector<16xi32> to vector<16xi32>
    %swap3A_455 = vector.shape_cast %add3A_451 : vector<16xi32> to vector<16xi32>
    tpu.vector_store %arg11[%swap3A_452], %swap3A_455 {strides = array<i32>} : memref<128xi32, #tpu.memory_space<vmem>>, vector<16xi32>,
    %add3A_456 = arith.constant 48 : i32
    %add3A_457 = arith.addi %add3A_430, %add3A_456 : i32
    %add3A_458 = vector.broadcast %add3A_457 : i32 to vector<16xi32>
    %add3A_459 = arith.addi %iota3A_431, %add3A_458 : vector<16xi32>
    %swap3A_460 = arith.constant 48 : index
    %swap3A_461 = tpu.vector_load %arg11[%swap3A_460] {strides = array<i32>} : memref<128xi32, #tpu.memory_space<vmem>>, vector<16xi32>,
    %swap3A_462 = vector.shape_cast %swap3A_461 : vector<16xi32> to vector<16xi32>
    %swap3A_463 = vector.shape_cast %add3A_459 : vector<16xi32> to vector<16xi32>
    tpu.vector_store %arg11[%swap3A_460], %swap3A_463 {strides = array<i32>} : memref<128xi32, #tpu.memory_space<vmem>>, vector<16xi32>,
    %add3A_464 = arith.constant 64 : i32
    %add3A_465 = arith.addi %add3A_430, %add3A_464 : i32
    %add3A_466 = vector.broadcast %add3A_465 : i32 to vector<16xi32>
    %add3A_467 = arith.addi %iota3A_431, %add3A_466 : vector<16xi32>
    %swap3A_468 = arith.constant 64 : index
    %swap3A_469 = tpu.vector_load %arg11[%swap3A_468] {strides = array<i32>} : memref<128xi32, #tpu.memory_space<vmem>>, vector<16xi32>,
    %swap3A_470 = vector.shape_cast %swap3A_469 : vector<16xi32> to vector<16xi32>
    %swap3A_471 = vector.shape_cast %add3A_467 : vector<16xi32> to vector<16xi32>
    tpu.vector_store %arg11[%swap3A_468], %swap3A_471 {strides = array<i32>} : memref<128xi32, #tpu.memory_space<vmem>>, vector<16xi32>,
    %add3A_472 = arith.constant 80 : i32
    %add3A_473 = arith.addi %add3A_430, %add3A_472 : i32
    %add3A_474 = vector.broadcast %add3A_473 : i32 to vector<16xi32>
    %add3A_475 = arith.addi %iota3A_431, %add3A_474 : vector<16xi32>
    %swap3A_476 = arith.constant 80 : index
    %swap3A_477 = tpu.vector_load %arg11[%swap3A_476] {strides = array<i32>} : memref<128xi32, #tpu.memory_space<vmem>>, vector<16xi32>,
    %swap3A_478 = vector.shape_cast %swap3A_477 : vector<16xi32> to vector<16xi32>
    %swap3A_479 = vector.shape_cast %add3A_475 : vector<16xi32> to vector<16xi32>
    tpu.vector_store %arg11[%swap3A_476], %swap3A_479 {strides = array<i32>} : memref<128xi32, #tpu.memory_space<vmem>>, vector<16xi32>,
    %add3A_480 = arith.constant 96 : i32
    %add3A_481 = arith.addi %add3A_430, %add3A_480 : i32
    %add3A_482 = vector.broadcast %add3A_481 : i32 to vector<16xi32>
    %add3A_483 = arith.addi %iota3A_431, %add3A_482 : vector<16xi32>
    %swap3A_484 = arith.constant 96 : index
    %swap3A_485 = tpu.vector_load %arg11[%swap3A_484] {strides = array<i32>} : memref<128xi32, #tpu.memory_space<vmem>>, vector<16xi32>,
    %swap3A_486 = vector.shape_cast %swap3A_485 : vector<16xi32> to vector<16xi32>
    %swap3A_487 = vector.shape_cast %add3A_483 : vector<16xi32> to vector<16xi32>
    tpu.vector_store %arg11[%swap3A_484], %swap3A_487 {strides = array<i32>} : memref<128xi32, #tpu.memory_space<vmem>>, vector<16xi32>,
    %add3A_488 = arith.constant 112 : i32
    %add3A_489 = arith.addi %add3A_430, %add3A_488 : i32
    %add3A_490 = vector.broadcast %add3A_489 : i32 to vector<16xi32>
    %add3A_491 = arith.addi %iota3A_431, %add3A_490 : vector<16xi32>
    %swap3A_492 = arith.constant 112 : index
    %swap3A_493 = tpu.vector_load %arg11[%swap3A_492] {strides = array<i32>} : memref<128xi32, #tpu.memory_space<vmem>>, vector<16xi32>,
    %swap3A_494 = vector.shape_cast %swap3A_493 : vector<16xi32> to vector<16xi32>
    %swap3A_495 = vector.shape_cast %add3A_491 : vector<16xi32> to vector<16xi32>
    tpu.vector_store %arg11[%swap3A_492], %swap3A_495 {strides = array<i32>} : memref<128xi32, #tpu.memory_space<vmem>>, vector<16xi32>,
    "tpu.region"() ({
      %run_scoped3A = tpu.sem_alloc : memref<!tpu.dma_semaphore, #tpu.memory_space<semaphore_mem>>
      %dma_start3A = arith.constant 0 : i32
      %dma_start3A_743 = arith.constant 0 : i32
      %dma_start3A_744 = tpu.memref_slice %arg12[%dma_start3A, %dma_start3A_743] : memref<10240x128xf32, #tpu.memory_space<vmem_shared>> -> memref<10240x128xf32, #tpu.memory_space<vmem_shared>>
      tpu.enqueue_indirect_dma source(%dma_start3A_744 : memref<10240x128xf32, #tpu.memory_space<vmem_shared>>) target(%arg10 : memref<128x128xf32, #tpu.memory_space<vmem>>) offsets(%arg11 : memref<128xi32, #tpu.memory_space<vmem>>) semaphore(%run_scoped3A : memref<!tpu.dma_semaphore, #tpu.memory_space<semaphore_mem>>)
      %dma_wait3A = arith.constant 0 : i32
      %dma_wait3A_745 = arith.constant 0 : i32
      %dma_wait3A_746 = tpu.memref_slice %arg12[%dma_wait3A, %dma_wait3A_745] : memref<10240x128xf32, #tpu.memory_space<vmem_shared>> -> memref<10240x128xf32, #tpu.memory_space<vmem_shared>>
      tpu.wait_indirect_dma semaphore(%run_scoped3A : memref<!tpu.dma_semaphore, #tpu.memory_space<semaphore_mem>>) src(%dma_wait3A_746 : memref<10240x128xf32, #tpu.memory_space<vmem_shared>>) dst(%arg10 : memref<128x128xf32, #tpu.memory_space<vmem>>)
      tpu.yield
    }) : () -> ()
    %eq3A_496 = arith.constant 0 : i32
    %eq3A_497 = arith.cmpi eq, %arg0, %eq3A_496 : i32
    %convert_element_type3A_498 = arith.extui %eq3A_497 : i1 to i32
    %cond3A_499 = arith.constant 0 : i32
    %cond3A_500 = arith.cmpi ne, %convert_element_type3A_498, %cond3A_499 : i32
    scf.if %cond3A_500 {
      "tpu.region"() ({
        %run_scoped3A = tpu.sem_alloc : memref<!tpu.dma_semaphore, #tpu.memory_space<semaphore_mem>>
        %dma_start3A = arith.constant 0 : i32
        %dma_start3A_743 = tpu.memref_slice %arg6[%add3A_430, %dma_start3A] : memref<10240x128xf32, #tpu.memory_space<hbm>> -> memref<128x128xf32, #tpu.memory_space<hbm>>
        %dma_start3A_744 = arith.constant 0 : i32
        %dma_start3A_745 = tpu.memref_slice %arg6[%add3A_430, %dma_start3A_744] : memref<10240x128xf32, #tpu.memory_space<hbm>> -> memref<128x128xf32, #tpu.memory_space<hbm>>
        tpu.enqueue_dma source(%arg10 : memref<128x128xf32, #tpu.memory_space<vmem>>) target(%dma_start3A_745 : memref<128x128xf32, #tpu.memory_space<hbm>>) target_semaphore(%run_scoped3A : memref<!tpu.dma_semaphore, #tpu.memory_space<semaphore_mem>>)
        %dma_wait3A = arith.constant 0 : i32
        %dma_wait3A_746 = tpu.memref_slice %arg6[%add3A_430, %dma_wait3A] : memref<10240x128xf32, #tpu.memory_space<hbm>> -> memref<128x128xf32, #tpu.memory_space<hbm>>
        %dma_wait3A_747 = arith.constant 0 : i32
        %dma_wait3A_748 = tpu.memref_slice %arg6[%add3A_430, %dma_wait3A_747] : memref<10240x128xf32, #tpu.memory_space<hbm>> -> memref<128x128xf32, #tpu.memory_space<hbm>>
        tpu.wait_dma2 semaphore(%run_scoped3A : memref<!tpu.dma_semaphore, #tpu.memory_space<semaphore_mem>>) src(%arg10 : memref<128x128xf32, #tpu.memory_space<vmem>>) dst(%dma_wait3A_748 : memref<128x128xf32, #tpu.memory_space<hbm>>)
        tpu.yield
      }) : () -> ()
    } else {
    }
    %eq3A_501 = arith.constant 1 : i32
    %eq3A_502 = arith.cmpi eq, %arg0, %eq3A_501 : i32
    %convert_element_type3A_503 = arith.extui %eq3A_502 : i1 to i32
    %cond3A_504 = arith.constant 0 : i32
    %cond3A_505 = arith.cmpi ne, %convert_element_type3A_503, %cond3A_504 : i32
    scf.if %cond3A_505 {
      "tpu.region"() ({
        %run_scoped3A = tpu.sem_alloc : memref<!tpu.dma_semaphore, #tpu.memory_space<semaphore_mem>>
        %dma_start3A = arith.constant 0 : i32
        %dma_start3A_743 = tpu.memref_slice %arg7[%add3A_430, %dma_start3A] : memref<10240x128xf32, #tpu.memory_space<hbm>> -> memref<128x128xf32, #tpu.memory_space<hbm>>
        %dma_start3A_744 = arith.constant 0 : i32
        %dma_start3A_745 = tpu.memref_slice %arg7[%add3A_430, %dma_start3A_744] : memref<10240x128xf32, #tpu.memory_space<hbm>> -> memref<128x128xf32, #tpu.memory_space<hbm>>
        tpu.enqueue_dma source(%arg10 : memref<128x128xf32, #tpu.memory_space<vmem>>) target(%dma_start3A_745 : memref<128x128xf32, #tpu.memory_space<hbm>>) target_semaphore(%run_scoped3A : memref<!tpu.dma_semaphore, #tpu.memory_space<semaphore_mem>>)
        %dma_wait3A = arith.constant 0 : i32
        %dma_wait3A_746 = tpu.memref_slice %arg7[%add3A_430, %dma_wait3A] : memref<10240x128xf32, #tpu.memory_space<hbm>> -> memref<128x128xf32, #tpu.memory_space<hbm>>
        %dma_wait3A_747 = arith.constant 0 : i32
        %dma_wait3A_748 = tpu.memref_slice %arg7[%add3A_430, %dma_wait3A_747] : memref<10240x128xf32, #tpu.memory_space<hbm>> -> memref<128x128xf32, #tpu.memory_space<hbm>>
        tpu.wait_dma2 semaphore(%run_scoped3A : memref<!tpu.dma_semaphore, #tpu.memory_space<semaphore_mem>>) src(%arg10 : memref<128x128xf32, #tpu.memory_space<vmem>>) dst(%dma_wait3A_748 : memref<128x128xf32, #tpu.memory_space<hbm>>)
        tpu.yield
      }) : () -> ()
    } else {
    }
    %mul3A_506 = arith.constant 640 : i32
    %mul3A_507 = arith.muli %arg1, %mul3A_506 : i32
    %add3A_508 = arith.constant 256 : i32
    %add3A_509 = arith.addi %mul3A_507, %add3A_508 : i32
    %iota3A_510 = tpu.iota {dimensions = array<i32: 0>} : vector<16xi32>
    %add3A_511 = arith.constant 0 : i32
    %add3A_512 = arith.addi %add3A_509, %add3A_511 : i32
    %add3A_513 = vector.broadcast %add3A_512 : i32 to vector<16xi32>
    %add3A_514 = arith.addi %iota3A_510, %add3A_513 : vector<16xi32>
    %swap3A_515 = arith.constant 0 : index
    %swap3A_516 = tpu.vector_load %arg11[%swap3A_515] {strides = array<i32>} : memref<128xi32, #tpu.memory_space<vmem>>, vector<16xi32>,
    %swap3A_517 = vector.shape_cast %swap3A_516 : vector<16xi32> to vector<16xi32>
    %swap3A_518 = vector.shape_cast %add3A_514 : vector<16xi32> to vector<16xi32>
    tpu.vector_store %arg11[%swap3A_515], %swap3A_518 {strides = array<i32>} : memref<128xi32, #tpu.memory_space<vmem>>, vector<16xi32>,
    %add3A_519 = arith.constant 16 : i32
    %add3A_520 = arith.addi %add3A_509, %add3A_519 : i32
    %add3A_521 = vector.broadcast %add3A_520 : i32 to vector<16xi32>
    %add3A_522 = arith.addi %iota3A_510, %add3A_521 : vector<16xi32>
    %swap3A_523 = arith.constant 16 : index
    %swap3A_524 = tpu.vector_load %arg11[%swap3A_523] {strides = array<i32>} : memref<128xi32, #tpu.memory_space<vmem>>, vector<16xi32>,
    %swap3A_525 = vector.shape_cast %swap3A_524 : vector<16xi32> to vector<16xi32>
    %swap3A_526 = vector.shape_cast %add3A_522 : vector<16xi32> to vector<16xi32>
    tpu.vector_store %arg11[%swap3A_523], %swap3A_526 {strides = array<i32>} : memref<128xi32, #tpu.memory_space<vmem>>, vector<16xi32>,
    %add3A_527 = arith.constant 32 : i32
    %add3A_528 = arith.addi %add3A_509, %add3A_527 : i32
    %add3A_529 = vector.broadcast %add3A_528 : i32 to vector<16xi32>
    %add3A_530 = arith.addi %iota3A_510, %add3A_529 : vector<16xi32>
    %swap3A_531 = arith.constant 32 : index
    %swap3A_532 = tpu.vector_load %arg11[%swap3A_531] {strides = array<i32>} : memref<128xi32, #tpu.memory_space<vmem>>, vector<16xi32>,
    %swap3A_533 = vector.shape_cast %swap3A_532 : vector<16xi32> to vector<16xi32>
    %swap3A_534 = vector.shape_cast %add3A_530 : vector<16xi32> to vector<16xi32>
    tpu.vector_store %arg11[%swap3A_531], %swap3A_534 {strides = array<i32>} : memref<128xi32, #tpu.memory_space<vmem>>, vector<16xi32>,
    %add3A_535 = arith.constant 48 : i32
    %add3A_536 = arith.addi %add3A_509, %add3A_535 : i32
    %add3A_537 = vector.broadcast %add3A_536 : i32 to vector<16xi32>
    %add3A_538 = arith.addi %iota3A_510, %add3A_537 : vector<16xi32>
    %swap3A_539 = arith.constant 48 : index
    %swap3A_540 = tpu.vector_load %arg11[%swap3A_539] {strides = array<i32>} : memref<128xi32, #tpu.memory_space<vmem>>, vector<16xi32>,
    %swap3A_541 = vector.shape_cast %swap3A_540 : vector<16xi32> to vector<16xi32>
    %swap3A_542 = vector.shape_cast %add3A_538 : vector<16xi32> to vector<16xi32>
    tpu.vector_store %arg11[%swap3A_539], %swap3A_542 {strides = array<i32>} : memref<128xi32, #tpu.memory_space<vmem>>, vector<16xi32>,
    %add3A_543 = arith.constant 64 : i32
    %add3A_544 = arith.addi %add3A_509, %add3A_543 : i32
    %add3A_545 = vector.broadcast %add3A_544 : i32 to vector<16xi32>
    %add3A_546 = arith.addi %iota3A_510, %add3A_545 : vector<16xi32>
    %swap3A_547 = arith.constant 64 : index
    %swap3A_548 = tpu.vector_load %arg11[%swap3A_547] {strides = array<i32>} : memref<128xi32, #tpu.memory_space<vmem>>, vector<16xi32>,
    %swap3A_549 = vector.shape_cast %swap3A_548 : vector<16xi32> to vector<16xi32>
    %swap3A_550 = vector.shape_cast %add3A_546 : vector<16xi32> to vector<16xi32>
    tpu.vector_store %arg11[%swap3A_547], %swap3A_550 {strides = array<i32>} : memref<128xi32, #tpu.memory_space<vmem>>, vector<16xi32>,
    %add3A_551 = arith.constant 80 : i32
    %add3A_552 = arith.addi %add3A_509, %add3A_551 : i32
    %add3A_553 = vector.broadcast %add3A_552 : i32 to vector<16xi32>
    %add3A_554 = arith.addi %iota3A_510, %add3A_553 : vector<16xi32>
    %swap3A_555 = arith.constant 80 : index
    %swap3A_556 = tpu.vector_load %arg11[%swap3A_555] {strides = array<i32>} : memref<128xi32, #tpu.memory_space<vmem>>, vector<16xi32>,
    %swap3A_557 = vector.shape_cast %swap3A_556 : vector<16xi32> to vector<16xi32>
    %swap3A_558 = vector.shape_cast %add3A_554 : vector<16xi32> to vector<16xi32>
    tpu.vector_store %arg11[%swap3A_555], %swap3A_558 {strides = array<i32>} : memref<128xi32, #tpu.memory_space<vmem>>, vector<16xi32>,
    %add3A_559 = arith.constant 96 : i32
    %add3A_560 = arith.addi %add3A_509, %add3A_559 : i32
    %add3A_561 = vector.broadcast %add3A_560 : i32 to vector<16xi32>
    %add3A_562 = arith.addi %iota3A_510, %add3A_561 : vector<16xi32>
    %swap3A_563 = arith.constant 96 : index
    %swap3A_564 = tpu.vector_load %arg11[%swap3A_563] {strides = array<i32>} : memref<128xi32, #tpu.memory_space<vmem>>, vector<16xi32>,
    %swap3A_565 = vector.shape_cast %swap3A_564 : vector<16xi32> to vector<16xi32>
    %swap3A_566 = vector.shape_cast %add3A_562 : vector<16xi32> to vector<16xi32>
    tpu.vector_store %arg11[%swap3A_563], %swap3A_566 {strides = array<i32>} : memref<128xi32, #tpu.memory_space<vmem>>, vector<16xi32>,
    %add3A_567 = arith.constant 112 : i32
    %add3A_568 = arith.addi %add3A_509, %add3A_567 : i32
    %add3A_569 = vector.broadcast %add3A_568 : i32 to vector<16xi32>
    %add3A_570 = arith.addi %iota3A_510, %add3A_569 : vector<16xi32>
    %swap3A_571 = arith.constant 112 : index
    %swap3A_572 = tpu.vector_load %arg11[%swap3A_571] {strides = array<i32>} : memref<128xi32, #tpu.memory_space<vmem>>, vector<16xi32>,
    %swap3A_573 = vector.shape_cast %swap3A_572 : vector<16xi32> to vector<16xi32>
    %swap3A_574 = vector.shape_cast %add3A_570 : vector<16xi32> to vector<16xi32>
    tpu.vector_store %arg11[%swap3A_571], %swap3A_574 {strides = array<i32>} : memref<128xi32, #tpu.memory_space<vmem>>, vector<16xi32>,
    "tpu.region"() ({
      %run_scoped3A = tpu.sem_alloc : memref<!tpu.dma_semaphore, #tpu.memory_space<semaphore_mem>>
      %dma_start3A = arith.constant 0 : i32
      %dma_start3A_743 = arith.constant 0 : i32
      %dma_start3A_744 = tpu.memref_slice %arg12[%dma_start3A, %dma_start3A_743] : memref<10240x128xf32, #tpu.memory_space<vmem_shared>> -> memref<10240x128xf32, #tpu.memory_space<vmem_shared>>
      tpu.enqueue_indirect_dma source(%dma_start3A_744 : memref<10240x128xf32, #tpu.memory_space<vmem_shared>>) target(%arg10 : memref<128x128xf32, #tpu.memory_space<vmem>>) offsets(%arg11 : memref<128xi32, #tpu.memory_space<vmem>>) semaphore(%run_scoped3A : memref<!tpu.dma_semaphore, #tpu.memory_space<semaphore_mem>>)
      %dma_wait3A = arith.constant 0 : i32
      %dma_wait3A_745 = arith.constant 0 : i32
      %dma_wait3A_746 = tpu.memref_slice %arg12[%dma_wait3A, %dma_wait3A_745] : memref<10240x128xf32, #tpu.memory_space<vmem_shared>> -> memref<10240x128xf32, #tpu.memory_space<vmem_shared>>
      tpu.wait_indirect_dma semaphore(%run_scoped3A : memref<!tpu.dma_semaphore, #tpu.memory_space<semaphore_mem>>) src(%dma_wait3A_746 : memref<10240x128xf32, #tpu.memory_space<vmem_shared>>) dst(%arg10 : memref<128x128xf32, #tpu.memory_space<vmem>>)
      tpu.yield
    }) : () -> ()
    %eq3A_575 = arith.constant 0 : i32
    %eq3A_576 = arith.cmpi eq, %arg0, %eq3A_575 : i32
    %convert_element_type3A_577 = arith.extui %eq3A_576 : i1 to i32
    %cond3A_578 = arith.constant 0 : i32
    %cond3A_579 = arith.cmpi ne, %convert_element_type3A_577, %cond3A_578 : i32
    scf.if %cond3A_579 {
      "tpu.region"() ({
        %run_scoped3A = tpu.sem_alloc : memref<!tpu.dma_semaphore, #tpu.memory_space<semaphore_mem>>
        %dma_start3A = arith.constant 0 : i32
        %dma_start3A_743 = tpu.memref_slice %arg6[%add3A_509, %dma_start3A] : memref<10240x128xf32, #tpu.memory_space<hbm>> -> memref<128x128xf32, #tpu.memory_space<hbm>>
        %dma_start3A_744 = arith.constant 0 : i32
        %dma_start3A_745 = tpu.memref_slice %arg6[%add3A_509, %dma_start3A_744] : memref<10240x128xf32, #tpu.memory_space<hbm>> -> memref<128x128xf32, #tpu.memory_space<hbm>>
        tpu.enqueue_dma source(%arg10 : memref<128x128xf32, #tpu.memory_space<vmem>>) target(%dma_start3A_745 : memref<128x128xf32, #tpu.memory_space<hbm>>) target_semaphore(%run_scoped3A : memref<!tpu.dma_semaphore, #tpu.memory_space<semaphore_mem>>)
        %dma_wait3A = arith.constant 0 : i32
        %dma_wait3A_746 = tpu.memref_slice %arg6[%add3A_509, %dma_wait3A] : memref<10240x128xf32, #tpu.memory_space<hbm>> -> memref<128x128xf32, #tpu.memory_space<hbm>>
        %dma_wait3A_747 = arith.constant 0 : i32
        %dma_wait3A_748 = tpu.memref_slice %arg6[%add3A_509, %dma_wait3A_747] : memref<10240x128xf32, #tpu.memory_space<hbm>> -> memref<128x128xf32, #tpu.memory_space<hbm>>
        tpu.wait_dma2 semaphore(%run_scoped3A : memref<!tpu.dma_semaphore, #tpu.memory_space<semaphore_mem>>) src(%arg10 : memref<128x128xf32, #tpu.memory_space<vmem>>) dst(%dma_wait3A_748 : memref<128x128xf32, #tpu.memory_space<hbm>>)
        tpu.yield
      }) : () -> ()
    } else {
    }
    %eq3A_580 = arith.constant 1 : i32
    %eq3A_581 = arith.cmpi eq, %arg0, %eq3A_580 : i32
    %convert_element_type3A_582 = arith.extui %eq3A_581 : i1 to i32
    %cond3A_583 = arith.constant 0 : i32
    %cond3A_584 = arith.cmpi ne, %convert_element_type3A_582, %cond3A_583 : i32
    scf.if %cond3A_584 {
      "tpu.region"() ({
        %run_scoped3A = tpu.sem_alloc : memref<!tpu.dma_semaphore, #tpu.memory_space<semaphore_mem>>
        %dma_start3A = arith.constant 0 : i32
        %dma_start3A_743 = tpu.memref_slice %arg7[%add3A_509, %dma_start3A] : memref<10240x128xf32, #tpu.memory_space<hbm>> -> memref<128x128xf32, #tpu.memory_space<hbm>>
        %dma_start3A_744 = arith.constant 0 : i32
        %dma_start3A_745 = tpu.memref_slice %arg7[%add3A_509, %dma_start3A_744] : memref<10240x128xf32, #tpu.memory_space<hbm>> -> memref<128x128xf32, #tpu.memory_space<hbm>>
        tpu.enqueue_dma source(%arg10 : memref<128x128xf32, #tpu.memory_space<vmem>>) target(%dma_start3A_745 : memref<128x128xf32, #tpu.memory_space<hbm>>) target_semaphore(%run_scoped3A : memref<!tpu.dma_semaphore, #tpu.memory_space<semaphore_mem>>)
        %dma_wait3A = arith.constant 0 : i32
        %dma_wait3A_746 = tpu.memref_slice %arg7[%add3A_509, %dma_wait3A] : memref<10240x128xf32, #tpu.memory_space<hbm>> -> memref<128x128xf32, #tpu.memory_space<hbm>>
        %dma_wait3A_747 = arith.constant 0 : i32
        %dma_wait3A_748 = tpu.memref_slice %arg7[%add3A_509, %dma_wait3A_747] : memref<10240x128xf32, #tpu.memory_space<hbm>> -> memref<128x128xf32, #tpu.memory_space<hbm>>
        tpu.wait_dma2 semaphore(%run_scoped3A : memref<!tpu.dma_semaphore, #tpu.memory_space<semaphore_mem>>) src(%arg10 : memref<128x128xf32, #tpu.memory_space<vmem>>) dst(%dma_wait3A_748 : memref<128x128xf32, #tpu.memory_space<hbm>>)
        tpu.yield
      }) : () -> ()
    } else {
    }
    %mul3A_585 = arith.constant 640 : i32
    %mul3A_586 = arith.muli %arg1, %mul3A_585 : i32
    %add3A_587 = arith.constant 384 : i32
    %add3A_588 = arith.addi %mul3A_586, %add3A_587 : i32
    %iota3A_589 = tpu.iota {dimensions = array<i32: 0>} : vector<16xi32>
    %add3A_590 = arith.constant 0 : i32
    %add3A_591 = arith.addi %add3A_588, %add3A_590 : i32
    %add3A_592 = vector.broadcast %add3A_591 : i32 to vector<16xi32>
    %add3A_593 = arith.addi %iota3A_589, %add3A_592 : vector<16xi32>
    %swap3A_594 = arith.constant 0 : index
    %swap3A_595 = tpu.vector_load %arg11[%swap3A_594] {strides = array<i32>} : memref<128xi32, #tpu.memory_space<vmem>>, vector<16xi32>,
    %swap3A_596 = vector.shape_cast %swap3A_595 : vector<16xi32> to vector<16xi32>
    %swap3A_597 = vector.shape_cast %add3A_593 : vector<16xi32> to vector<16xi32>
    tpu.vector_store %arg11[%swap3A_594], %swap3A_597 {strides = array<i32>} : memref<128xi32, #tpu.memory_space<vmem>>, vector<16xi32>,
    %add3A_598 = arith.constant 16 : i32
    %add3A_599 = arith.addi %add3A_588, %add3A_598 : i32
    %add3A_600 = vector.broadcast %add3A_599 : i32 to vector<16xi32>
    %add3A_601 = arith.addi %iota3A_589, %add3A_600 : vector<16xi32>
    %swap3A_602 = arith.constant 16 : index
    %swap3A_603 = tpu.vector_load %arg11[%swap3A_602] {strides = array<i32>} : memref<128xi32, #tpu.memory_space<vmem>>, vector<16xi32>,
    %swap3A_604 = vector.shape_cast %swap3A_603 : vector<16xi32> to vector<16xi32>
    %swap3A_605 = vector.shape_cast %add3A_601 : vector<16xi32> to vector<16xi32>
    tpu.vector_store %arg11[%swap3A_602], %swap3A_605 {strides = array<i32>} : memref<128xi32, #tpu.memory_space<vmem>>, vector<16xi32>,
    %add3A_606 = arith.constant 32 : i32
    %add3A_607 = arith.addi %add3A_588, %add3A_606 : i32
    %add3A_608 = vector.broadcast %add3A_607 : i32 to vector<16xi32>
    %add3A_609 = arith.addi %iota3A_589, %add3A_608 : vector<16xi32>
    %swap3A_610 = arith.constant 32 : index
    %swap3A_611 = tpu.vector_load %arg11[%swap3A_610] {strides = array<i32>} : memref<128xi32, #tpu.memory_space<vmem>>, vector<16xi32>,
    %swap3A_612 = vector.shape_cast %swap3A_611 : vector<16xi32> to vector<16xi32>
    %swap3A_613 = vector.shape_cast %add3A_609 : vector<16xi32> to vector<16xi32>
    tpu.vector_store %arg11[%swap3A_610], %swap3A_613 {strides = array<i32>} : memref<128xi32, #tpu.memory_space<vmem>>, vector<16xi32>,
    %add3A_614 = arith.constant 48 : i32
    %add3A_615 = arith.addi %add3A_588, %add3A_614 : i32
    %add3A_616 = vector.broadcast %add3A_615 : i32 to vector<16xi32>
    %add3A_617 = arith.addi %iota3A_589, %add3A_616 : vector<16xi32>
    %swap3A_618 = arith.constant 48 : index
    %swap3A_619 = tpu.vector_load %arg11[%swap3A_618] {strides = array<i32>} : memref<128xi32, #tpu.memory_space<vmem>>, vector<16xi32>,
    %swap3A_620 = vector.shape_cast %swap3A_619 : vector<16xi32> to vector<16xi32>
    %swap3A_621 = vector.shape_cast %add3A_617 : vector<16xi32> to vector<16xi32>
    tpu.vector_store %arg11[%swap3A_618], %swap3A_621 {strides = array<i32>} : memref<128xi32, #tpu.memory_space<vmem>>, vector<16xi32>,
    %add3A_622 = arith.constant 64 : i32
    %add3A_623 = arith.addi %add3A_588, %add3A_622 : i32
    %add3A_624 = vector.broadcast %add3A_623 : i32 to vector<16xi32>
    %add3A_625 = arith.addi %iota3A_589, %add3A_624 : vector<16xi32>
    %swap3A_626 = arith.constant 64 : index
    %swap3A_627 = tpu.vector_load %arg11[%swap3A_626] {strides = array<i32>} : memref<128xi32, #tpu.memory_space<vmem>>, vector<16xi32>,
    %swap3A_628 = vector.shape_cast %swap3A_627 : vector<16xi32> to vector<16xi32>
    %swap3A_629 = vector.shape_cast %add3A_625 : vector<16xi32> to vector<16xi32>
    tpu.vector_store %arg11[%swap3A_626], %swap3A_629 {strides = array<i32>} : memref<128xi32, #tpu.memory_space<vmem>>, vector<16xi32>,
    %add3A_630 = arith.constant 80 : i32
    %add3A_631 = arith.addi %add3A_588, %add3A_630 : i32
    %add3A_632 = vector.broadcast %add3A_631 : i32 to vector<16xi32>
    %add3A_633 = arith.addi %iota3A_589, %add3A_632 : vector<16xi32>
    %swap3A_634 = arith.constant 80 : index
    %swap3A_635 = tpu.vector_load %arg11[%swap3A_634] {strides = array<i32>} : memref<128xi32, #tpu.memory_space<vmem>>, vector<16xi32>,
    %swap3A_636 = vector.shape_cast %swap3A_635 : vector<16xi32> to vector<16xi32>
    %swap3A_637 = vector.shape_cast %add3A_633 : vector<16xi32> to vector<16xi32>
    tpu.vector_store %arg11[%swap3A_634], %swap3A_637 {strides = array<i32>} : memref<128xi32, #tpu.memory_space<vmem>>, vector<16xi32>,
    %add3A_638 = arith.constant 96 : i32
    %add3A_639 = arith.addi %add3A_588, %add3A_638 : i32
    %add3A_640 = vector.broadcast %add3A_639 : i32 to vector<16xi32>
    %add3A_641 = arith.addi %iota3A_589, %add3A_640 : vector<16xi32>
    %swap3A_642 = arith.constant 96 : index
    %swap3A_643 = tpu.vector_load %arg11[%swap3A_642] {strides = array<i32>} : memref<128xi32, #tpu.memory_space<vmem>>, vector<16xi32>,
    %swap3A_644 = vector.shape_cast %swap3A_643 : vector<16xi32> to vector<16xi32>
    %swap3A_645 = vector.shape_cast %add3A_641 : vector<16xi32> to vector<16xi32>
    tpu.vector_store %arg11[%swap3A_642], %swap3A_645 {strides = array<i32>} : memref<128xi32, #tpu.memory_space<vmem>>, vector<16xi32>,
    %add3A_646 = arith.constant 112 : i32
    %add3A_647 = arith.addi %add3A_588, %add3A_646 : i32
    %add3A_648 = vector.broadcast %add3A_647 : i32 to vector<16xi32>
    %add3A_649 = arith.addi %iota3A_589, %add3A_648 : vector<16xi32>
    %swap3A_650 = arith.constant 112 : index
    %swap3A_651 = tpu.vector_load %arg11[%swap3A_650] {strides = array<i32>} : memref<128xi32, #tpu.memory_space<vmem>>, vector<16xi32>,
    %swap3A_652 = vector.shape_cast %swap3A_651 : vector<16xi32> to vector<16xi32>
    %swap3A_653 = vector.shape_cast %add3A_649 : vector<16xi32> to vector<16xi32>
    tpu.vector_store %arg11[%swap3A_650], %swap3A_653 {strides = array<i32>} : memref<128xi32, #tpu.memory_space<vmem>>, vector<16xi32>,
    "tpu.region"() ({
      %run_scoped3A = tpu.sem_alloc : memref<!tpu.dma_semaphore, #tpu.memory_space<semaphore_mem>>
      %dma_start3A = arith.constant 0 : i32
      %dma_start3A_743 = arith.constant 0 : i32
      %dma_start3A_744 = tpu.memref_slice %arg12[%dma_start3A, %dma_start3A_743] : memref<10240x128xf32, #tpu.memory_space<vmem_shared>> -> memref<10240x128xf32, #tpu.memory_space<vmem_shared>>
      tpu.enqueue_indirect_dma source(%dma_start3A_744 : memref<10240x128xf32, #tpu.memory_space<vmem_shared>>) target(%arg10 : memref<128x128xf32, #tpu.memory_space<vmem>>) offsets(%arg11 : memref<128xi32, #tpu.memory_space<vmem>>) semaphore(%run_scoped3A : memref<!tpu.dma_semaphore, #tpu.memory_space<semaphore_mem>>)
      %dma_wait3A = arith.constant 0 : i32
      %dma_wait3A_745 = arith.constant 0 : i32
      %dma_wait3A_746 = tpu.memref_slice %arg12[%dma_wait3A, %dma_wait3A_745] : memref<10240x128xf32, #tpu.memory_space<vmem_shared>> -> memref<10240x128xf32, #tpu.memory_space<vmem_shared>>
      tpu.wait_indirect_dma semaphore(%run_scoped3A : memref<!tpu.dma_semaphore, #tpu.memory_space<semaphore_mem>>) src(%dma_wait3A_746 : memref<10240x128xf32, #tpu.memory_space<vmem_shared>>) dst(%arg10 : memref<128x128xf32, #tpu.memory_space<vmem>>)
      tpu.yield
    }) : () -> ()
    %eq3A_654 = arith.constant 0 : i32
    %eq3A_655 = arith.cmpi eq, %arg0, %eq3A_654 : i32
    %convert_element_type3A_656 = arith.extui %eq3A_655 : i1 to i32
    %cond3A_657 = arith.constant 0 : i32
    %cond3A_658 = arith.cmpi ne, %convert_element_type3A_656, %cond3A_657 : i32
    scf.if %cond3A_658 {
      "tpu.region"() ({
        %run_scoped3A = tpu.sem_alloc : memref<!tpu.dma_semaphore, #tpu.memory_space<semaphore_mem>>
        %dma_start3A = arith.constant 0 : i32
        %dma_start3A_743 = tpu.memref_slice %arg6[%add3A_588, %dma_start3A] : memref<10240x128xf32, #tpu.memory_space<hbm>> -> memref<128x128xf32, #tpu.memory_space<hbm>>
        %dma_start3A_744 = arith.constant 0 : i32
        %dma_start3A_745 = tpu.memref_slice %arg6[%add3A_588, %dma_start3A_744] : memref<10240x128xf32, #tpu.memory_space<hbm>> -> memref<128x128xf32, #tpu.memory_space<hbm>>
        tpu.enqueue_dma source(%arg10 : memref<128x128xf32, #tpu.memory_space<vmem>>) target(%dma_start3A_745 : memref<128x128xf32, #tpu.memory_space<hbm>>) target_semaphore(%run_scoped3A : memref<!tpu.dma_semaphore, #tpu.memory_space<semaphore_mem>>)
        %dma_wait3A = arith.constant 0 : i32
        %dma_wait3A_746 = tpu.memref_slice %arg6[%add3A_588, %dma_wait3A] : memref<10240x128xf32, #tpu.memory_space<hbm>> -> memref<128x128xf32, #tpu.memory_space<hbm>>
        %dma_wait3A_747 = arith.constant 0 : i32
        %dma_wait3A_748 = tpu.memref_slice %arg6[%add3A_588, %dma_wait3A_747] : memref<10240x128xf32, #tpu.memory_space<hbm>> -> memref<128x128xf32, #tpu.memory_space<hbm>>
        tpu.wait_dma2 semaphore(%run_scoped3A : memref<!tpu.dma_semaphore, #tpu.memory_space<semaphore_mem>>) src(%arg10 : memref<128x128xf32, #tpu.memory_space<vmem>>) dst(%dma_wait3A_748 : memref<128x128xf32, #tpu.memory_space<hbm>>)
        tpu.yield
      }) : () -> ()
    } else {
    }
    %eq3A_659 = arith.constant 1 : i32
    %eq3A_660 = arith.cmpi eq, %arg0, %eq3A_659 : i32
    %convert_element_type3A_661 = arith.extui %eq3A_660 : i1 to i32
    %cond3A_662 = arith.constant 0 : i32
    %cond3A_663 = arith.cmpi ne, %convert_element_type3A_661, %cond3A_662 : i32
    scf.if %cond3A_663 {
      "tpu.region"() ({
        %run_scoped3A = tpu.sem_alloc : memref<!tpu.dma_semaphore, #tpu.memory_space<semaphore_mem>>
        %dma_start3A = arith.constant 0 : i32
        %dma_start3A_743 = tpu.memref_slice %arg7[%add3A_588, %dma_start3A] : memref<10240x128xf32, #tpu.memory_space<hbm>> -> memref<128x128xf32, #tpu.memory_space<hbm>>
        %dma_start3A_744 = arith.constant 0 : i32
        %dma_start3A_745 = tpu.memref_slice %arg7[%add3A_588, %dma_start3A_744] : memref<10240x128xf32, #tpu.memory_space<hbm>> -> memref<128x128xf32, #tpu.memory_space<hbm>>
        tpu.enqueue_dma source(%arg10 : memref<128x128xf32, #tpu.memory_space<vmem>>) target(%dma_start3A_745 : memref<128x128xf32, #tpu.memory_space<hbm>>) target_semaphore(%run_scoped3A : memref<!tpu.dma_semaphore, #tpu.memory_space<semaphore_mem>>)
        %dma_wait3A = arith.constant 0 : i32
        %dma_wait3A_746 = tpu.memref_slice %arg7[%add3A_588, %dma_wait3A] : memref<10240x128xf32, #tpu.memory_space<hbm>> -> memref<128x128xf32, #tpu.memory_space<hbm>>
        %dma_wait3A_747 = arith.constant 0 : i32
        %dma_wait3A_748 = tpu.memref_slice %arg7[%add3A_588, %dma_wait3A_747] : memref<10240x128xf32, #tpu.memory_space<hbm>> -> memref<128x128xf32, #tpu.memory_space<hbm>>
        tpu.wait_dma2 semaphore(%run_scoped3A : memref<!tpu.dma_semaphore, #tpu.memory_space<semaphore_mem>>) src(%arg10 : memref<128x128xf32, #tpu.memory_space<vmem>>) dst(%dma_wait3A_748 : memref<128x128xf32, #tpu.memory_space<hbm>>)
        tpu.yield
      }) : () -> ()
    } else {
    }
    %mul3A_664 = arith.constant 640 : i32
    %mul3A_665 = arith.muli %arg1, %mul3A_664 : i32
    %add3A_666 = arith.constant 512 : i32
    %add3A_667 = arith.addi %mul3A_665, %add3A_666 : i32
    %iota3A_668 = tpu.iota {dimensions = array<i32: 0>} : vector<16xi32>
    %add3A_669 = arith.constant 0 : i32
    %add3A_670 = arith.addi %add3A_667, %add3A_669 : i32
    %add3A_671 = vector.broadcast %add3A_670 : i32 to vector<16xi32>
    %add3A_672 = arith.addi %iota3A_668, %add3A_671 : vector<16xi32>
    %swap3A_673 = arith.constant 0 : index
    %swap3A_674 = tpu.vector_load %arg11[%swap3A_673] {strides = array<i32>} : memref<128xi32, #tpu.memory_space<vmem>>, vector<16xi32>,
    %swap3A_675 = vector.shape_cast %swap3A_674 : vector<16xi32> to vector<16xi32>
    %swap3A_676 = vector.shape_cast %add3A_672 : vector<16xi32> to vector<16xi32>
    tpu.vector_store %arg11[%swap3A_673], %swap3A_676 {strides = array<i32>} : memref<128xi32, #tpu.memory_space<vmem>>, vector<16xi32>,
    %add3A_677 = arith.constant 16 : i32
    %add3A_678 = arith.addi %add3A_667, %add3A_677 : i32
    %add3A_679 = vector.broadcast %add3A_678 : i32 to vector<16xi32>
    %add3A_680 = arith.addi %iota3A_668, %add3A_679 : vector<16xi32>
    %swap3A_681 = arith.constant 16 : index
    %swap3A_682 = tpu.vector_load %arg11[%swap3A_681] {strides = array<i32>} : memref<128xi32, #tpu.memory_space<vmem>>, vector<16xi32>,
    %swap3A_683 = vector.shape_cast %swap3A_682 : vector<16xi32> to vector<16xi32>
    %swap3A_684 = vector.shape_cast %add3A_680 : vector<16xi32> to vector<16xi32>
    tpu.vector_store %arg11[%swap3A_681], %swap3A_684 {strides = array<i32>} : memref<128xi32, #tpu.memory_space<vmem>>, vector<16xi32>,
    %add3A_685 = arith.constant 32 : i32
    %add3A_686 = arith.addi %add3A_667, %add3A_685 : i32
    %add3A_687 = vector.broadcast %add3A_686 : i32 to vector<16xi32>
    %add3A_688 = arith.addi %iota3A_668, %add3A_687 : vector<16xi32>
    %swap3A_689 = arith.constant 32 : index
    %swap3A_690 = tpu.vector_load %arg11[%swap3A_689] {strides = array<i32>} : memref<128xi32, #tpu.memory_space<vmem>>, vector<16xi32>,
    %swap3A_691 = vector.shape_cast %swap3A_690 : vector<16xi32> to vector<16xi32>
    %swap3A_692 = vector.shape_cast %add3A_688 : vector<16xi32> to vector<16xi32>
    tpu.vector_store %arg11[%swap3A_689], %swap3A_692 {strides = array<i32>} : memref<128xi32, #tpu.memory_space<vmem>>, vector<16xi32>,
    %add3A_693 = arith.constant 48 : i32
    %add3A_694 = arith.addi %add3A_667, %add3A_693 : i32
    %add3A_695 = vector.broadcast %add3A_694 : i32 to vector<16xi32>
    %add3A_696 = arith.addi %iota3A_668, %add3A_695 : vector<16xi32>
    %swap3A_697 = arith.constant 48 : index
    %swap3A_698 = tpu.vector_load %arg11[%swap3A_697] {strides = array<i32>} : memref<128xi32, #tpu.memory_space<vmem>>, vector<16xi32>,
    %swap3A_699 = vector.shape_cast %swap3A_698 : vector<16xi32> to vector<16xi32>
    %swap3A_700 = vector.shape_cast %add3A_696 : vector<16xi32> to vector<16xi32>
    tpu.vector_store %arg11[%swap3A_697], %swap3A_700 {strides = array<i32>} : memref<128xi32, #tpu.memory_space<vmem>>, vector<16xi32>,
    %add3A_701 = arith.constant 64 : i32
    %add3A_702 = arith.addi %add3A_667, %add3A_701 : i32
    %add3A_703 = vector.broadcast %add3A_702 : i32 to vector<16xi32>
    %add3A_704 = arith.addi %iota3A_668, %add3A_703 : vector<16xi32>
    %swap3A_705 = arith.constant 64 : index
    %swap3A_706 = tpu.vector_load %arg11[%swap3A_705] {strides = array<i32>} : memref<128xi32, #tpu.memory_space<vmem>>, vector<16xi32>,
    %swap3A_707 = vector.shape_cast %swap3A_706 : vector<16xi32> to vector<16xi32>
    %swap3A_708 = vector.shape_cast %add3A_704 : vector<16xi32> to vector<16xi32>
    tpu.vector_store %arg11[%swap3A_705], %swap3A_708 {strides = array<i32>} : memref<128xi32, #tpu.memory_space<vmem>>, vector<16xi32>,
    %add3A_709 = arith.constant 80 : i32
    %add3A_710 = arith.addi %add3A_667, %add3A_709 : i32
    %add3A_711 = vector.broadcast %add3A_710 : i32 to vector<16xi32>
    %add3A_712 = arith.addi %iota3A_668, %add3A_711 : vector<16xi32>
    %swap3A_713 = arith.constant 80 : index
    %swap3A_714 = tpu.vector_load %arg11[%swap3A_713] {strides = array<i32>} : memref<128xi32, #tpu.memory_space<vmem>>, vector<16xi32>,
    %swap3A_715 = vector.shape_cast %swap3A_714 : vector<16xi32> to vector<16xi32>
    %swap3A_716 = vector.shape_cast %add3A_712 : vector<16xi32> to vector<16xi32>
    tpu.vector_store %arg11[%swap3A_713], %swap3A_716 {strides = array<i32>} : memref<128xi32, #tpu.memory_space<vmem>>, vector<16xi32>,
    %add3A_717 = arith.constant 96 : i32
    %add3A_718 = arith.addi %add3A_667, %add3A_717 : i32
    %add3A_719 = vector.broadcast %add3A_718 : i32 to vector<16xi32>
    %add3A_720 = arith.addi %iota3A_668, %add3A_719 : vector<16xi32>
    %swap3A_721 = arith.constant 96 : index
    %swap3A_722 = tpu.vector_load %arg11[%swap3A_721] {strides = array<i32>} : memref<128xi32, #tpu.memory_space<vmem>>, vector<16xi32>,
    %swap3A_723 = vector.shape_cast %swap3A_722 : vector<16xi32> to vector<16xi32>
    %swap3A_724 = vector.shape_cast %add3A_720 : vector<16xi32> to vector<16xi32>
    tpu.vector_store %arg11[%swap3A_721], %swap3A_724 {strides = array<i32>} : memref<128xi32, #tpu.memory_space<vmem>>, vector<16xi32>,
    %add3A_725 = arith.constant 112 : i32
    %add3A_726 = arith.addi %add3A_667, %add3A_725 : i32
    %add3A_727 = vector.broadcast %add3A_726 : i32 to vector<16xi32>
    %add3A_728 = arith.addi %iota3A_668, %add3A_727 : vector<16xi32>
    %swap3A_729 = arith.constant 112 : index
    %swap3A_730 = tpu.vector_load %arg11[%swap3A_729] {strides = array<i32>} : memref<128xi32, #tpu.memory_space<vmem>>, vector<16xi32>,
    %swap3A_731 = vector.shape_cast %swap3A_730 : vector<16xi32> to vector<16xi32>
    %swap3A_732 = vector.shape_cast %add3A_728 : vector<16xi32> to vector<16xi32>
    tpu.vector_store %arg11[%swap3A_729], %swap3A_732 {strides = array<i32>} : memref<128xi32, #tpu.memory_space<vmem>>, vector<16xi32>,
    "tpu.region"() ({
      %run_scoped3A = tpu.sem_alloc : memref<!tpu.dma_semaphore, #tpu.memory_space<semaphore_mem>>
      %dma_start3A = arith.constant 0 : i32
      %dma_start3A_743 = arith.constant 0 : i32
      %dma_start3A_744 = tpu.memref_slice %arg12[%dma_start3A, %dma_start3A_743] : memref<10240x128xf32, #tpu.memory_space<vmem_shared>> -> memref<10240x128xf32, #tpu.memory_space<vmem_shared>>
      tpu.enqueue_indirect_dma source(%dma_start3A_744 : memref<10240x128xf32, #tpu.memory_space<vmem_shared>>) target(%arg10 : memref<128x128xf32, #tpu.memory_space<vmem>>) offsets(%arg11 : memref<128xi32, #tpu.memory_space<vmem>>) semaphore(%run_scoped3A : memref<!tpu.dma_semaphore, #tpu.memory_space<semaphore_mem>>)
      %dma_wait3A = arith.constant 0 : i32
      %dma_wait3A_745 = arith.constant 0 : i32
      %dma_wait3A_746 = tpu.memref_slice %arg12[%dma_wait3A, %dma_wait3A_745] : memref<10240x128xf32, #tpu.memory_space<vmem_shared>> -> memref<10240x128xf32, #tpu.memory_space<vmem_shared>>
      tpu.wait_indirect_dma semaphore(%run_scoped3A : memref<!tpu.dma_semaphore, #tpu.memory_space<semaphore_mem>>) src(%dma_wait3A_746 : memref<10240x128xf32, #tpu.memory_space<vmem_shared>>) dst(%arg10 : memref<128x128xf32, #tpu.memory_space<vmem>>)
      tpu.yield
    }) : () -> ()
    %eq3A_733 = arith.constant 0 : i32
    %eq3A_734 = arith.cmpi eq, %arg0, %eq3A_733 : i32
    %convert_element_type3A_735 = arith.extui %eq3A_734 : i1 to i32
    %cond3A_736 = arith.constant 0 : i32
    %cond3A_737 = arith.cmpi ne, %convert_element_type3A_735, %cond3A_736 : i32
    scf.if %cond3A_737 {
      "tpu.region"() ({
        %run_scoped3A = tpu.sem_alloc : memref<!tpu.dma_semaphore, #tpu.memory_space<semaphore_mem>>
        %dma_start3A = arith.constant 0 : i32
        %dma_start3A_743 = tpu.memref_slice %arg6[%add3A_667, %dma_start3A] : memref<10240x128xf32, #tpu.memory_space<hbm>> -> memref<128x128xf32, #tpu.memory_space<hbm>>
        %dma_start3A_744 = arith.constant 0 : i32
        %dma_start3A_745 = tpu.memref_slice %arg6[%add3A_667, %dma_start3A_744] : memref<10240x128xf32, #tpu.memory_space<hbm>> -> memref<128x128xf32, #tpu.memory_space<hbm>>
        tpu.enqueue_dma source(%arg10 : memref<128x128xf32, #tpu.memory_space<vmem>>) target(%dma_start3A_745 : memref<128x128xf32, #tpu.memory_space<hbm>>) target_semaphore(%run_scoped3A : memref<!tpu.dma_semaphore, #tpu.memory_space<semaphore_mem>>)
        %dma_wait3A = arith.constant 0 : i32
        %dma_wait3A_746 = tpu.memref_slice %arg6[%add3A_667, %dma_wait3A] : memref<10240x128xf32, #tpu.memory_space<hbm>> -> memref<128x128xf32, #tpu.memory_space<hbm>>
        %dma_wait3A_747 = arith.constant 0 : i32
        %dma_wait3A_748 = tpu.memref_slice %arg6[%add3A_667, %dma_wait3A_747] : memref<10240x128xf32, #tpu.memory_space<hbm>> -> memref<128x128xf32, #tpu.memory_space<hbm>>
        tpu.wait_dma2 semaphore(%run_scoped3A : memref<!tpu.dma_semaphore, #tpu.memory_space<semaphore_mem>>) src(%arg10 : memref<128x128xf32, #tpu.memory_space<vmem>>) dst(%dma_wait3A_748 : memref<128x128xf32, #tpu.memory_space<hbm>>)
        tpu.yield
      }) : () -> ()
    } else {
    }
    %eq3A_738 = arith.constant 1 : i32
    %eq3A_739 = arith.cmpi eq, %arg0, %eq3A_738 : i32
    %convert_element_type3A_740 = arith.extui %eq3A_739 : i1 to i32
    %cond3A_741 = arith.constant 0 : i32
    %cond3A_742 = arith.cmpi ne, %convert_element_type3A_740, %cond3A_741 : i32
    scf.if %cond3A_742 {
      "tpu.region"() ({
        %run_scoped3A = tpu.sem_alloc : memref<!tpu.dma_semaphore, #tpu.memory_space<semaphore_mem>>
        %dma_start3A = arith.constant 0 : i32
        %dma_start3A_743 = tpu.memref_slice %arg7[%add3A_667, %dma_start3A] : memref<10240x128xf32, #tpu.memory_space<hbm>> -> memref<128x128xf32, #tpu.memory_space<hbm>>
        %dma_start3A_744 = arith.constant 0 : i32
        %dma_start3A_745 = tpu.memref_slice %arg7[%add3A_667, %dma_start3A_744] : memref<10240x128xf32, #tpu.memory_space<hbm>> -> memref<128x128xf32, #tpu.memory_space<hbm>>
        tpu.enqueue_dma source(%arg10 : memref<128x128xf32, #tpu.memory_space<vmem>>) target(%dma_start3A_745 : memref<128x128xf32, #tpu.memory_space<hbm>>) target_semaphore(%run_scoped3A : memref<!tpu.dma_semaphore, #tpu.memory_space<semaphore_mem>>)
        %dma_wait3A = arith.constant 0 : i32
        %dma_wait3A_746 = tpu.memref_slice %arg7[%add3A_667, %dma_wait3A] : memref<10240x128xf32, #tpu.memory_space<hbm>> -> memref<128x128xf32, #tpu.memory_space<hbm>>
        %dma_wait3A_747 = arith.constant 0 : i32
        %dma_wait3A_748 = tpu.memref_slice %arg7[%add3A_667, %dma_wait3A_747] : memref<10240x128xf32, #tpu.memory_space<hbm>> -> memref<128x128xf32, #tpu.memory_space<hbm>>
        tpu.wait_dma2 semaphore(%run_scoped3A : memref<!tpu.dma_semaphore, #tpu.memory_space<semaphore_mem>>) src(%arg10 : memref<128x128xf32, #tpu.memory_space<vmem>>) dst(%dma_wait3A_748 : memref<128x128xf32, #tpu.memory_space<hbm>>)
        tpu.yield
      }) : () -> ()
    } else {
    }
    return
  }
}

module attributes {stable_mosaic.version = 14 : i64} {
  func.func @_linear_body(%arg0: i32, %arg1: memref<400x256xf32, #tpu.memory_space<vmem>>, %arg2: memref<256x256xf32, #tpu.memory_space<vmem>>, %arg3: memref<2x400x16xf32, #tpu.memory_space<vmem>>, %arg4: memref<400x128xf32, #tpu.memory_space<vmem>>, %arg5: memref<400x128xf32, #tpu.memory_space<vmem>>) attributes {dimension_semantics = [#tpu.dimension_semantics<arbitrary>], iteration_bounds = array<i64: 25>, scalar_prefetch = 0 : i64, scratch_operands = 0 : i64, tpu.core_type = #tpu.core_type<tc>, window_params = [{transform_indices = @transform_0, window_bounds = array<i64: 400, 256>}, {pipeline_mode = #tpu.pipeline_mode<synchronous>, transform_indices = @transform_1, window_bounds = array<i64: 256, 256>}, {transform_indices = @transform_2, window_bounds = array<i64: 2, 400, 16>}, {transform_indices = @transform_3, window_bounds = array<i64: 400, 128>}, {transform_indices = @transform_4, window_bounds = array<i64: 400, 128>}]} {
    %get3A = arith.constant 0 : index
    %get3A_0 = arith.constant 0 : index
    %get3A_1 = arith.constant 0 : index
    %get3A_2 = vector.load %arg3[%get3A, %get3A_0, %get3A_1] : memref<2x400x16xf32, #tpu.memory_space<vmem>>, vector<1x400x1xf32>
    %get3A_3 = vector.shape_cast %get3A_2 : vector<1x400x1xf32> to vector<400x1xf32>
    %get3A_4 = arith.constant 1 : index
    %get3A_5 = arith.constant 0 : index
    %get3A_6 = arith.constant 0 : index
    %get3A_7 = vector.load %arg3[%get3A_4, %get3A_5, %get3A_6] : memref<2x400x16xf32, #tpu.memory_space<vmem>>, vector<1x400x1xf32>
    %get3A_8 = vector.shape_cast %get3A_7 : vector<1x400x1xf32> to vector<400x1xf32>
    %add3A = arith.addf %get3A_3, %get3A_8 : vector<400x1xf32>
    %add3A_9 = arith.constant 1.000000e+00 : f32
    %add3A_10 = vector.broadcast %add3A_9 : f32 to vector<400x1xf32>
    %add3A_11 = arith.addf %add3A, %add3A_10 : vector<400x1xf32>
    %rsqrt3A = math.rsqrt %add3A_11 : vector<400x1xf32>
    %get3A_12 = arith.constant 0 : index
    %get3A_13 = arith.constant 0 : index
    %get3A_14 = vector.load %arg1[%get3A_12, %get3A_13] : memref<400x256xf32, #tpu.memory_space<vmem>>, vector<400x256xf32>
    %get3A_15 = arith.constant 0 : index
    %get3A_16 = arith.constant 0 : index
    %get3A_17 = vector.load %arg2[%get3A_15, %get3A_16] : memref<256x256xf32, #tpu.memory_space<vmem>>, vector<256x256xf32>
    %dot_general3A = arith.constant dense<0.000000e+00> : vector<400x256xf32>
    %dot_general3A_18 = tpu.matmul %get3A_14, %get3A_17, %dot_general3A {dimension_numbers = #tpu.dot_dimension_numbers<[1], [0], [0], [1], [0, 0, 1, 1], [], []>, transpose_lhs_hint = false} : vector<400x256xf32>, vector<256x256xf32>, vector<400x256xf32> -> vector<400x256xf32>
    %slice3A = vector.extract_strided_slice %dot_general3A_18 {offsets = [0, 0], sizes = [400, 128], strides = [1, 1]} : vector<400x256xf32> to vector<400x128xf32>
    %mul3A = vector.broadcast %rsqrt3A : vector<400x1xf32> to vector<400x128xf32>
    %mul3A_19 = arith.mulf %slice3A, %mul3A : vector<400x128xf32>
    %swap3A = arith.constant 0 : index
    %swap3A_20 = arith.constant 0 : index
    %swap3A_21 = vector.load %arg4[%swap3A, %swap3A_20] : memref<400x128xf32, #tpu.memory_space<vmem>>, vector<400x128xf32>
    tpu.vector_store %arg4[%swap3A, %swap3A_20], %mul3A_19 {strides = array<i32>} : memref<400x128xf32, #tpu.memory_space<vmem>>, vector<400x128xf32>,
    %slice3A_22 = vector.extract_strided_slice %dot_general3A_18 {offsets = [0, 128], sizes = [400, 128], strides = [1, 1]} : vector<400x256xf32> to vector<400x128xf32>
    %mul3A_23 = vector.broadcast %rsqrt3A : vector<400x1xf32> to vector<400x128xf32>
    %mul3A_24 = arith.mulf %slice3A_22, %mul3A_23 : vector<400x128xf32>
    %swap3A_25 = arith.constant 0 : index
    %swap3A_26 = arith.constant 0 : index
    %swap3A_27 = vector.load %arg5[%swap3A_25, %swap3A_26] : memref<400x128xf32, #tpu.memory_space<vmem>>, vector<400x128xf32>
    tpu.vector_store %arg5[%swap3A_25, %swap3A_26], %mul3A_24 {strides = array<i32>} : memref<400x128xf32, #tpu.memory_space<vmem>>, vector<400x128xf32>,
    return
  }
  func.func @transform_0(%arg0: i32) -> (i32, i32) {
    %c0_i32 = arith.constant 0 : i32
    %c0_i32_0 = arith.constant 0 : i32
    return %arg0, %c0_i32 : i32, i32
  }
  func.func @transform_1(%arg0: i32) -> (i32, i32) {
    %c0_i32 = arith.constant 0 : i32
    %c0_i32_0 = arith.constant 0 : i32
    %c0_i32_1 = arith.constant 0 : i32
    return %c0_i32, %c0_i32_0 : i32, i32
  }
  func.func @transform_2(%arg0: i32) -> (i32, i32, i32) {
    %c0_i32 = arith.constant 0 : i32
    %c0_i32_0 = arith.constant 0 : i32
    %c0_i32_1 = arith.constant 0 : i32
    return %c0_i32, %arg0, %c0_i32_0 : i32, i32, i32
  }
  func.func @transform_3(%arg0: i32) -> (i32, i32) {
    %c0_i32 = arith.constant 0 : i32
    %c0_i32_0 = arith.constant 0 : i32
    return %arg0, %c0_i32 : i32, i32
  }
  func.func @transform_4(%arg0: i32) -> (i32, i32) {
    %c0_i32 = arith.constant 0 : i32
    %c0_i32_0 = arith.constant 0 : i32
    return %arg0, %c0_i32 : i32, i32
  }
}

module attributes {stable_mosaic.version = 14 : i64} {
  func.func @_epilogue_body(%arg0: i32, %arg1: memref<400x128xf32, #tpu.memory_space<vmem>>, %arg2: memref<400x128xf32, #tpu.memory_space<vmem>>, %arg3: memref<400x128xf32, #tpu.memory_space<vmem>>, %arg4: memref<400x128xf32, #tpu.memory_space<vmem>>, %arg5: memref<2x400x16xf32, #tpu.memory_space<vmem>>, %arg6: memref<256xf32, #tpu.memory_space<vmem>>, %arg7: memref<400x256xf32, #tpu.memory_space<vmem>>) attributes {dimension_semantics = [#tpu.dimension_semantics<arbitrary>], iteration_bounds = array<i64: 25>, scalar_prefetch = 0 : i64, scratch_operands = 0 : i64, tpu.core_type = #tpu.core_type<tc>, window_params = [{transform_indices = @transform_0, window_bounds = array<i64: 400, 128>}, {transform_indices = @transform_1, window_bounds = array<i64: 400, 128>}, {transform_indices = @transform_2, window_bounds = array<i64: 400, 128>}, {transform_indices = @transform_3, window_bounds = array<i64: 400, 128>}, {transform_indices = @transform_4, window_bounds = array<i64: 2, 400, 16>}, {pipeline_mode = #tpu.pipeline_mode<synchronous>, transform_indices = @transform_5, window_bounds = array<i64: 256>}, {transform_indices = @transform_6, window_bounds = array<i64: 400, 256>}]} {
    %get3A = arith.constant 0 : index
    %get3A_0 = arith.constant 0 : index
    %get3A_1 = arith.constant 0 : index
    %get3A_2 = vector.load %arg5[%get3A, %get3A_0, %get3A_1] : memref<2x400x16xf32, #tpu.memory_space<vmem>>, vector<1x400x1xf32>
    %get3A_3 = vector.shape_cast %get3A_2 : vector<1x400x1xf32> to vector<400x1xf32>
    %get3A_4 = arith.constant 1 : index
    %get3A_5 = arith.constant 0 : index
    %get3A_6 = arith.constant 0 : index
    %get3A_7 = vector.load %arg5[%get3A_4, %get3A_5, %get3A_6] : memref<2x400x16xf32, #tpu.memory_space<vmem>>, vector<1x400x1xf32>
    %get3A_8 = vector.shape_cast %get3A_7 : vector<1x400x1xf32> to vector<400x1xf32>
    %add3A = arith.addf %get3A_3, %get3A_8 : vector<400x1xf32>
    %add3A_9 = arith.constant 1.000000e+00 : f32
    %add3A_10 = vector.broadcast %add3A_9 : f32 to vector<400x1xf32>
    %add3A_11 = arith.addf %add3A, %add3A_10 : vector<400x1xf32>
    %rsqrt3A = math.rsqrt %add3A_11 : vector<400x1xf32>
    %get3A_12 = arith.constant 0 : index
    %get3A_13 = arith.constant 0 : index
    %get3A_14 = vector.load %arg1[%get3A_12, %get3A_13] : memref<400x128xf32, #tpu.memory_space<vmem>>, vector<400x128xf32>
    %get3A_15 = arith.constant 0 : index
    %get3A_16 = arith.constant 0 : index
    %get3A_17 = vector.load %arg3[%get3A_15, %get3A_16] : memref<400x128xf32, #tpu.memory_space<vmem>>, vector<400x128xf32>
    %add3A_18 = arith.addf %get3A_14, %get3A_17 : vector<400x128xf32>
    %mul3A = vector.broadcast %rsqrt3A : vector<400x1xf32> to vector<400x128xf32>
    %mul3A_19 = arith.mulf %add3A_18, %mul3A : vector<400x128xf32>
    %get3A_20 = arith.constant 0 : index
    %get3A_21 = arith.constant 0 : index
    %get3A_22 = vector.load %arg2[%get3A_20, %get3A_21] : memref<400x128xf32, #tpu.memory_space<vmem>>, vector<400x128xf32>
    %get3A_23 = arith.constant 0 : index
    %get3A_24 = arith.constant 0 : index
    %get3A_25 = vector.load %arg4[%get3A_23, %get3A_24] : memref<400x128xf32, #tpu.memory_space<vmem>>, vector<400x128xf32>
    %add3A_26 = arith.addf %get3A_22, %get3A_25 : vector<400x128xf32>
    %mul3A_27 = vector.broadcast %rsqrt3A : vector<400x1xf32> to vector<400x128xf32>
    %mul3A_28 = arith.mulf %add3A_26, %mul3A_27 : vector<400x128xf32>
    %concatenate3A = tpu.concatenate %mul3A_19, %mul3A_28 in 1 : vector<400x128xf32>, vector<400x128xf32> -> vector<400x256xf32>
    %get3A_29 = arith.constant 0 : index
    %get3A_30 = vector.load %arg6[%get3A_29] : memref<256xf32, #tpu.memory_space<vmem>>, vector<256xf32>
    %broadcast_in_dim3A = vector.shape_cast %get3A_30 : vector<256xf32> to vector<1x256xf32>
    %add3A_31 = vector.broadcast %broadcast_in_dim3A : vector<1x256xf32> to vector<400x256xf32>
    %add3A_32 = arith.addf %concatenate3A, %add3A_31 : vector<400x256xf32>
    %swap3A = arith.constant 0 : index
    %swap3A_33 = arith.constant 0 : index
    %swap3A_34 = vector.load %arg7[%swap3A, %swap3A_33] : memref<400x256xf32, #tpu.memory_space<vmem>>, vector<400x256xf32>
    tpu.vector_store %arg7[%swap3A, %swap3A_33], %add3A_32 {strides = array<i32>} : memref<400x256xf32, #tpu.memory_space<vmem>>, vector<400x256xf32>,
    return
  }
  func.func @transform_0(%arg0: i32) -> (i32, i32) {
    %c0_i32 = arith.constant 0 : i32
    %c0_i32_0 = arith.constant 0 : i32
    return %arg0, %c0_i32 : i32, i32
  }
  func.func @transform_1(%arg0: i32) -> (i32, i32) {
    %c0_i32 = arith.constant 0 : i32
    %c0_i32_0 = arith.constant 0 : i32
    return %arg0, %c0_i32 : i32, i32
  }
  func.func @transform_2(%arg0: i32) -> (i32, i32) {
    %c0_i32 = arith.constant 0 : i32
    %c0_i32_0 = arith.constant 0 : i32
    return %arg0, %c0_i32 : i32, i32
  }
  func.func @transform_3(%arg0: i32) -> (i32, i32) {
    %c0_i32 = arith.constant 0 : i32
    %c0_i32_0 = arith.constant 0 : i32
    return %arg0, %c0_i32 : i32, i32
  }
  func.func @transform_4(%arg0: i32) -> (i32, i32, i32) {
    %c0_i32 = arith.constant 0 : i32
    %c0_i32_0 = arith.constant 0 : i32
    %c0_i32_1 = arith.constant 0 : i32
    return %c0_i32, %arg0, %c0_i32_0 : i32, i32, i32
  }
  func.func @transform_5(%arg0: i32) -> i32 {
    %c0_i32 = arith.constant 0 : i32
    %c0_i32_0 = arith.constant 0 : i32
    return %c0_i32 : i32
  }
  func.func @transform_6(%arg0: i32) -> (i32, i32) {
    %c0_i32 = arith.constant 0 : i32
    %c0_i32_0 = arith.constant 0 : i32
    return %arg0, %c0_i32 : i32, i32
  }
}

</mosaic_0001>

<sc_bundles>
// kernel: kernel.6.cloned.1.call-start
scs
__scs_entry_jumppad:
0x0: {  	(pc) =	sbr.rel $0x88, $3  }
0x1: {  	(tag) =	ssettag $0x0;
	lr =	simm.s32 $0x1  }
0x2: {  	[smem:$0x3F9D] =	sst lr;
	_ =	strace $0xD0000000  }
0x3: {  	_ = 	snop  }
0x4: {  	_ = 	snop  }
0x5: {  	_ = 	snop  }
0x6: {  	_ = 	snop  }
0x7: {  	_ = 	snop  }
__scs_overlays_trampoline_lowered:
0x8: {  	[smem:$0x3FAC] =	sst s0  }
0x9: {  	[smem:$0x3FAD] =	sst s1  }
0xa: {  	[smem:$0x3FAE] =	sst s2  }
0xb: {  	[smem:$0x3FAF] =	sst s3  }
0xc: {  	[smem:$0x3FB0] =	sst s4  }
0xd: {  	[smem:$0x3FB1] =	sst s5  }
0xe: {  	[smem:$0x3FB2] =	sst s6  }
0xf: {  	[smem:$0x3FB3] =	sst s7  }
0x10: {  	[smem:$0x3FB4] =	sst s8  }
0x11: {  	[smem:$0x3FB5] =	sst s9;
	s0 =	simm.s32 @!p0 $0x0  }
0x12: {  	s1 =	sld [smem:$0x3F9B];
	s0 =	simm.s32 @p0 $0x1  }
0x13: {  	[smem:$0x3FB6] =	sst s0;
	s0 =	simm.s32 @!p1 $0x0  }
0x14: {  	s2 =	sld [smem:$0x3F9A];
	s0 =	simm.s32 @p1 $0x1  }
0x15: {  	[smem:$0x3FB7] =	sst s0;
	s0 =	simm.s32 @!p2 $0x0  }
0x16: {  	s3 =	sld [smem:$0x3FDB];
	s0 =	simm.s32 @p2 $0x1  }
0x17: {  	s4 =	simm.s32 $0x1BF5;
	[smem:$0x3FB9] =	sst s0  }
0x18: {  	s0 =	sld [smem:$0x3F9C];
	_ =	swait.ge [sflag:s4], $0x0  }
0x19: {  	s7 =	sld [smem:$0x3F9D]  }
0x1a: {  	s8 =	sadd.s32 $0xFFFFE003, lr  }
0x1b: {  	s9 =	sadd.s32 $0xFFFFFEF7, lr;
	s5 =	simm.s32 $0xFFFFFFFF;
	p2 =	slt.u32 s8, $0xFFFFF086  }
0x1c: {  	p1 =	slt.u32 s9, $0xF7A;
	s5 =	simm.s32 @!p2 $0x0  }
0x1d: {  	s5 =	simm.s32 @p1 $0x1;
	p0 =	seq.s32 s7, s2  }
0x1e: {  	s7 =	smul.u32 @!p0 $0xF7A, s2;
	p2 =	seq.s32 @!p0 s5, $0x0  }
0x1f: {  	s9 =	smul.u32 $0xF7A, s1;
	s8 =	simm.s32 @!p0 $0x1BF5;
	p2 =	por !p2, p0  }
0x20: {  	[sflag:s8] =	ssyncset.s32 @!p0 $0xFFFFF086;
	s6 =	sadd.s32 @!p0 s3, s7;
	s7 =	simm.s32 @!p0 $0x108  }
0x21: {  	s3 =	sadd.s32 s3, s9;
	s6 =	sadd.s32 @!p0 $0x88, s6;
	s7 =	simm.s32 @p2 $0x1082  }
0x22: {  	[simem:s7], [sflag:s8] =	dma.local @!p0 [hbm:s6], $0xF7A  }
0x23: {  	s9 =	sor.u32 $0xD0000000, s2;
	s6 =	simm.s32 $0x108;
	_ =	swait.ge @!p0 [sflag:s8], $0x0  }
0x24: {  	s3 =	sadd.s32 $0x88, s3;
	s6 =	simm.s32 @!p1 $0x1082;
	[sflag:s4] =	ssyncset.s32 $0xFFFFF086  }
0x25: {  	[simem:s6], [sflag:s4] =	dma.local [hbm:s3], $0xF7A  }
0x26: {  	[smem:$0x3F9D] =	sst s1;
	(tag) =	ssettag s2;
	_ =	strace s9  }
0x27: {  	s1 =	sld [smem:$0x3FAD]  }
0x28: {  	s2 =	sld [smem:$0x3FAE]  }
0x29: {  	s4 =	sld [smem:$0x3FB0]  }
0x2a: {  	p0 =	seq.s32 s5, $0x0;
	s5 =	sld [smem:$0x3FB1]  }
0x2b: {  	s6 =	sld [smem:$0x3FB2]  }
0x2c: {  	s7 =	sld [smem:$0x3FB3]  }
0x2d: {  	s3 =	simm.s32 $0x108;
	s8 =	sld [smem:$0x3FB4]  }
0x2e: {  	s3 =	simm.s32 @!p0 $0x1082;
	s9 =	sld [smem:$0x3FB5]  }
0x2f: {  	lr =	sadd.s32 s0, s3;
	s0 =	sld [smem:$0x3FAC]  }
0x30: {  	s3 =	sld [smem:$0x3FAF]  }
0x31: {  	[smem:$0x3FB8] =	sst s10  }
0x32: {  	s10 =	sld [smem:$0x3FB6];
	_ =	sdelay $0x3  }
0x33: {  	p0 =	seq.s32 s10, $0x1;
	s10 =	sld [smem:$0x3FB8];
	_ =	sdelay $0x3  }
0x34: {  	[smem:$0x3FB8] =	sst s10  }
0x35: {  	s10 =	sld [smem:$0x3FB7];
	_ =	sdelay $0x3  }
0x36: {  	p1 =	seq.s32 s10, $0x1;
	s10 =	sld [smem:$0x3FB8];
	_ =	sdelay $0x3  }
0x37: {  	[smem:$0x3FB8] =	sst s10  }
0x38: {  	s10 =	sld [smem:$0x3FB9]  }
0x39: {  	_ = 	snop;
	(pc) =	sbr.ind lr, $3  }
0x3a: {  	_ = 	snop  }
0x3b: {  	_ = 	snop  }
0x3c: {  	p2 =	seq.s32 s10, $0x1;
	s10 =	sld [smem:$0x3FB8]  }
0x3d: {  	_ =	shalt  }
0x3e: {  	_ =	shalt  }
0x3f: {  	_ =	shalt  }
0x40: {  	_ =	shalt  }
0x41: {  	_ =	shalt  }
0x42: {  	_ =	shalt  }
0x43: {  	_ =	shalt  }
0x44: {  	_ =	shalt  }
0x45: {  	_ =	shalt  }
0x46: {  	_ =	shalt  }
0x47: {  	_ =	shalt  }
0x48: {  	_ =	shalt  }
0x49: {  	_ =	shalt  }
0x4a: {  	_ =	shalt  }
0x4b: {  	_ =	shalt  }
0x4c: {  	_ =	shalt  }
0x4d: {  	_ =	shalt  }
0x4e: {  	_ =	shalt  }
0x4f: {  	_ =	shalt  }
0x50: {  	_ =	shalt  }
0x51: {  	_ =	shalt  }
0x52: {  	_ =	shalt  }
0x53: {  	_ =	shalt  }
0x54: {  	_ =	shalt  }
0x55: {  	_ =	shalt  }
0x56: {  	_ =	shalt  }
0x57: {  	_ =	shalt  }
0x58: {  	_ =	shalt  }
0x59: {  	_ =	shalt  }
0x5a: {  	_ =	shalt  }
0x5b: {  	_ =	shalt  }
0x5c: {  	_ =	shalt  }
0x5d: {  	_ =	shalt  }
0x5e: {  	_ =	shalt  }
0x5f: {  	_ =	shalt  }
0x60: {  	_ =	shalt  }
0x61: {  	_ =	shalt  }
0x62: {  	_ =	shalt  }
0x63: {  	_ =	shalt  }
0x64: {  	_ =	shalt  }
0x65: {  	_ =	shalt  }
0x66: {  	_ =	shalt  }
0x67: {  	_ =	shalt  }
0x68: {  	_ =	shalt  }
0x69: {  	_ =	shalt  }
0x6a: {  	_ =	shalt  }
0x6b: {  	_ =	shalt  }
0x6c: {  	_ =	shalt  }
0x6d: {  	_ =	shalt  }
0x6e: {  	_ =	shalt  }
0x6f: {  	_ =	shalt  }
0x70: {  	_ =	shalt  }
0x71: {  	_ =	shalt  }
0x72: {  	_ =	shalt  }
0x73: {  	_ =	shalt  }
0x74: {  	_ =	shalt  }
0x75: {  	_ =	shalt  }
0x76: {  	_ =	shalt  }
0x77: {  	_ =	shalt  }
0x78: {  	_ =	shalt  }
0x79: {  	_ =	shalt  }
0x7a: {  	_ =	shalt  }
0x7b: {  	_ =	shalt  }
0x7c: {  	_ =	shalt  }
0x7d: {  	_ =	shalt  }
0x7e: {  	_ =	shalt  }
0x7f: {  	_ =	shalt  }
0x80: {  	_ =	shalt  }
0x81: {  	_ =	shalt  }
0x82: {  	_ =	shalt  }
0x83: {  	_ =	shalt  }
0x84: {  	_ =	shalt  }
0x85: {  	_ =	shalt  }
0x86: {  	_ =	shalt  }
0x87: {  	_ =	shalt  }
.Lfunc_end0:
.L_simem_size_0:
called_computation_lowered:
.L_overlay_start_0:
0x88: {  	s2 =	sld [smem:$0x3FD9]  }
0x89: {  	s3 =	sld [smem:$0x3FFE];
	_ =	sdelay $0x1  }
0x8a: {  	s1 =	srdreg.scid  }
0x8b: {  	s0 =	sand.u32 $0x1, s1  }
0x8c: {  	s17 =	sshll.u32 s0, $0xA;
	s2 =	sadd.s32 s3, s2  }
0x8d: {  	s2 =	sadd.s32 s2, s17  }
0x8e: {  	[smem:$0x3FC4] =	sst s2  }
0x8f: {  	_ = 	snop  }
0x90: {  	s2 =	sld [smem:$0x3FD0];
	(tm) =	ssettm $0x1  }
0x91: {  	s18 =	sld [smem:$0x3FFB];
	_ =	sdelay $0x3  }
0x92: {  	_ =	strace s18  }
0x93: {  	s3 =	sld [smem:$0x3FFC];
	_ =	sdelay $0x3  }
0x94: {  	_ =	strace s3  }
0x95: {  	s3 =	sld [smem:$0x3FFD];
	_ =	sdelay $0x3  }
0x96: {  	_ =	strace s3  }
0x97: {  	_ =	strace $0x8FFFFFFF  }
0x98: {  	s19 =	sld [smem:$0x3FDB];
	_ =	sdelay $0x1  }
0x99: {  	s4 =	simm.s32 $_scs_section_size  }
0x9a: {  	s5 =	simm.s32 $_size__tile_overlayer_lowered;
	s6 =	simm.s32 $_tile_overlayer_lowered  }
0x9b: {  	s22 =	simm.s32 $0x1BFF;
	s21 =	sshll.u32 s6, $0x1;
	s3 =	sadd.s32 s4, s19  }
0x9c: {  	s7 =	simm.s32 $0x0;
	s20 =	sshll.u32 s5, $0x1;
	s5 =	sadd.s32 s21, s3  }
0x9d: {  	[timem:s7], [sflag:s22] =	dma.local [hbm:s5], s20  }
0x9e: {  	_ =	swait.ge [sflag:s22], s20  }
0x9f: {  	s4 =	ssub.s32 $0x0, s20;
	[sflag:s22] =	ssyncset.done $0x0  }
0xa0: {  	[sflag:s22] =	ssyncadd.s32 s4;
	_ =	sdelay $0x1  }
0xa1: {  	s23 =	simm.s32 $0x1B8B  }
0xa2: {  	_ =	swait.ge [sflag:s23], $0x1  }
0xa3: {  	[sflag:s23] =	ssyncset.done $0x0  }
0xa4: {  	s25 =	simm.s32 $0x1B8E;
	s24 =	sld [smem:$0x3FFE];
	[sflag:s23] =	ssyncadd.s32 $0xFFFFFFFF  }
0xa5: {  	s26 =	simm.s32 $execute0_lowered;
	[smem:$0x3FD2] =	sst s25  }
0xa6: {  	s5 =	sshll.u32 s26, $0x1;
	_ =	strace $0x80000046;
	[dreg:$0x1] =	wrdreg $0xFFFFFFFF  }
0xa7: {  	s28 =	simm.s32 $_size_execute0_lowered;
	s3 =	sadd.s32 s3, s5;
	[dreg:$0x0] =	wrdreg $0x0  }
0xa8: {  	s5 =	sshll.u32 s28, $0x1;
	[dreg:$0x2] =	wrdreg s3  }
0xa9: {  	[dreg:$0x3] =	wrdreg s5  }
0xaa: {  	[dreg:$0x4] =	wrdreg $0xC0  }
0xab: {  	_ =	task [dreg:s7], $0x5FFFF  }
0xac: {  	[dreg:$0x1] =	wrdreg $0xFFFFFFFF  }
0xad: {  	[dreg:$0x0] =	wrdreg $0x60  }
0xae: {  	[dreg:$0x2] =	wrdreg s24  }
0xaf: {  	[dreg:$0x3] =	wrdreg s2  }
0xb0: {  	[dreg:$0x4] =	wrdreg $0x19000  }
0xb1: {  	[dreg:$0x5] =	wrdreg $0x9  }
0xb2: {  	_ =	task.clear_ibuf [dreg:s7], $0x6FFFF;
	_ =	strace $0x90000046  }
0xb3: {  	s29 =	simm.s32 $0x9;
	_ =	strace $0x80000048  }
0xb4: {  	_ =	swait.ge [sflag:s29], $0x1  }
0xb5: {  	[sflag:s29] =	ssyncadd.s32 $0xFFFFFFFF  }
0xb6: {  	_ =	strace $0x90000048  }
0xb7: {  	_ =	sfence  }
0xb8: {  	s30 =	sld [smem:$0x0];
	_ =	sdelay $0x2  }
0xb9: {  	s31 =	sshll.u32 s1, $0xD;
	s1 =	sshrl.u32 s1, $0x2  }
0xba: {  	s3 =	sand.u32 $0x4000, s31;
	s1 =	sadd.s32 s1, s30  }
0xbb: {  	s0 =	sor.u32 s3, s0;
	s1 =	sshll.u32 s1, $0x11  }
0xbc: {  	s0 =	sor.u32 s1, s0  }
0xbd: {  	s0 =	sadd.s32 $0x8F2B, s0  }
0xbe: {  	[sflag:s0] =	ssyncadd.remote.s32 $0x1  }
0xbf: {  	_ =	sfence.sel $0xFFFF  }
0xc0: {  	[dreg:$0x0] =	wrdreg $0xFFFFFFFF;
	(pc) =	sbr.abs _section_cstart, $3  }
0xc1: {  	[dreg:$0x1] =	wrdreg $0xFFFFFFFF  }
0xc2: {  	_ =	task.clear_ibuf [dreg:s7], $0x2FFFF;
	_ =	strace $0x9FFFFFFF  }
0xc3: {  	(tm) =	ssettm $0x7FFFFFFF  }
tec
execute0_lowered:
.L_overlay_start_1:
0x0: {  	(tag) =	ssettag $0x1  }
0x1: {  	s5 =	rddreg [dreg:$0x0];
	s0 =	srdreg.scid  }
0x2: {  	s8 =	rddreg [dreg:$0x1];
	s6 =	sand.u32 $0x1, s0  }
0x3: {  	s0 =	stileid.u32;
	s4 =	smul.u32 $0x14000, s6  }
0x4: {  	s2 =	rddreg [dreg:$0x2];
	s7 =	smul.u32 $0x1400, s0  }
0x5: {  	s1 =	rddreg [dreg:$0x3];
	s3 =	simm.s32 $0x0  }
0x6: {  	[smem:$0x7FF] =	sst s3;
	s31 =	ssub.s32 $0x2, s6;
	s4 =	sadd.s32 s7, s4  }
0x7: {  	_ =	strace $0x80000047;
	s9 =	sshrl.u32 s4, $0x3;
	s4 =	smul.u32 $0x280, s0  }
0x8: {  	s6 =	smul.u32 $0x2800, s6;
	s11 =	sshrl.u32 s31, $0x1;
	s10 =	sadd.s32 s9, s5  }
0x9: {  	s9 =	ssub.s32 s31, s11;
	s11 =	sor.u32 $0x10, s4;
	s30 =	sor.u32 $0x20, s4  }
0xa: {  	s31 =	sor.u32 $0x30, s4;
	s12 =	sor.u32 $0x40, s4;
	s13 =	sor.u32 $0x50, s4  }
0xb: {  	s14 =	sor.u32 $0x60, s4;
	s15 =	sor.u32 $0x70, s4;
	s16 =	sadd.s32 $0x80, s4  }
0xc: {  	s17 =	sadd.s32 $0x90, s4;
	s18 =	sadd.s32 $0xA0, s4;
	s19 =	sadd.s32 $0xB0, s4  }
0xd: {  	s20 =	sadd.s32 $0xC0, s4;
	s21 =	sadd.s32 $0xD0, s4;
	s22 =	sadd.s32 $0xE0, s4  }
0xe: {  	s23 =	sadd.s32 $0xF0, s4;
	s24 =	sadd.s32 $0x100, s4;
	s25 =	sadd.s32 $0x110, s4  }
0xf: {  	v39 =	vlaneseq.u32;
	s26 =	sadd.s32 $0x120, s4;
	s28 =	sadd.s32 $0x130, s4;
	s29 =	sadd.s32 $0x140, s4  }
0x10: {  	v40 =	vimm.f32 $1.000000000e+00;
	v41 =	vimm.f32 $0.0e+00;
	s5 =	sadd.s32 $0x150, s4;
	s7 =	sadd.s32 $0x160, s4;
	v23 =	vor.u32 s4, v39;
	s9 =	smax.u32 s9, $0x1  }
0x11: {  	s10 =	sadd.s32 $0x2200, s10;
	v0 =	vor.u32 s11, v39;
	v1 =	vor.u32 s30, v39;
	s11 =	sadd.s32 $0x170, s4;
	v3 =	vor.u32 s12, v39;
	s12 =	sadd.s32 $0x180, s4  }
0x12: {  	v2 =	vor.u32 s31, v39;
	v5 =	vor.u32 s14, v39;
	s30 =	sadd.s32 $0x190, s4;
	s14 =	sadd.s32 $0x1A0, s4;
	v6 =	vor.u32 s15, v39;
	s15 =	sadd.s32 $0x1B0, s4  }
0x13: {  	v7 =	vor.u32 s17, v39;
	v8 =	vor.u32 s18, v39;
	s17 =	sadd.s32 $0x1C0, s4;
	s18 =	sadd.s32 $0x1D0, s4;
	v9 =	vor.u32 s19, v39;
	s19 =	sadd.s32 $0x1E0, s4  }
0x14: {  	v10 =	vor.u32 s20, v39;
	v11 =	vor.u32 s21, v39;
	s20 =	sadd.s32 $0x1F0, s4;
	s21 =	sadd.s32 $0x200, s4;
	v12 =	vor.u32 s22, v39;
	s22 =	sadd.s32 $0x210, s4  }
0x15: {  	v4 =	vor.u32 s13, v39;
	v13 =	vor.u32 s23, v39;
	s23 =	sadd.s32 $0x220, s4;
	s31 =	sadd.s32 s4, s6;
	v15 =	vor.u32 s26, v39;
	s26 =	sadd.s32 $0x230, s4  }
0x16: {  	v16 =	vor.u32 s28, v39;
	s28 =	sadd.s32 $0x240, s4;
	v19 =	vor.u32 s7, v39;
	v20 =	vor.u32 s16, v39;
	s7 =	sadd.s32 s6, s16;
	s16 =	sadd.s32 $0x250, s4  }
0x17: {  	v14 =	vor.u32 s25, v39;
	v17 =	vor.u32 s29, v39;
	v18 =	vor.u32 s5, v39;
	s29 =	sadd.s32 $0x260, s4;
	s13 =	simm.s32 $0x880;
	s25 =	sshll.u32 s31, $0x1  }
0x18: {  	v25 =	vor.u32 s24, v39;
	v22 =	vor.u32 s30, v39;
	s30 =	sadd.s32 $0x270, s4;
	s5 =	sshll.u32 s7, $0x1;
	v24 =	vor.u32 s14, v39;
	s14 =	sadd.s32 s6, s24  }
0x19: {  	v21 =	vor.u32 s11, v39;
	v26 =	vor.u32 s12, v39;
	s24 =	sadd.s32 s6, s12;
	v27 =	vor.u32 s15, v39;
	s12 =	simm.s32 $0x1080;
	s15 =	simm.s32 $0x1100  }
0x1a: {  	v28 =	vor.u32 s17, v39;
	v29 =	vor.u32 s18, v39;
	v37 =	vor.u32 s16, v39;
	s16 =	simm.s32 $0x0;
	s4 =	sadd.s32 s8, s25;
	s5 =	sadd.s32 s8, s5  }
0x1b: {  	v30 =	vor.u32 s19, v39;
	v31 =	vor.u32 s20, v39;
	v32 =	vor.u32 s21, v39;
	s7 =	sshll.u32 s14, $0x1;
	s11 =	sshll.u32 s24, $0x1;
	s25 =	sadd.s32 s6, s21  }
0x1c: {  	v33 =	vor.u32 s22, v39;
	v34 =	vor.u32 s23, v39;
	v35 =	vor.u32 s26, v39;
	s14 =	simm.s32 $0x1;
	s6 =	sadd.s32 s8, s7;
	s31 =	sshll.u32 s25, $0x1  }
0x1d: {  	v36 =	vor.u32 s28, v39;
	v38 =	vor.u32 s29, v39;
	v39 =	vor.u32 s30, v39;
	s7 =	sadd.s32 s8, s11;
	s11 =	simm.s32 $0x80;
	s8 =	sadd.s32 s8, s31  }
.LBB2_1:
0x1e: {  	s17 =	simm.s32 $0x0  }
.LBB2_2:
0x1f: {  	p0 =	sne.s32 s17, $0x1FC0  }
.Ltmp0:
0x20: {  	_ = 	snop;
	(pc) =	sbr.rel @p0 .LBB2_2-.Ltmp0, $3  }
0x21: {  	_ =	sdelay $0x1  }
0x22: {  	s18 =	sshra.s32 s17, $0x2  }
0x23: {  	s17 =	sadd.s32 $0x40, s17;
	[tilespmem:s18+$0x80] =	vst v40  }
0x24: {  	s17 =	simm.s32 $0x40;
	s18 =	simm.s32 $0x0  }
.LBB2_4:
0x25: {  	p0 =	sne.s32 s17, $0x1FC0;
	[tilespmem:s18+$0x880] =	vst v41;
	s18 =	smov.u32 s17;
	s17 =	sadd.s32 $0x40, s17  }
.Ltmp1:
0x26: {  	(pc) =	sbr.rel @p0 .LBB2_4-.Ltmp1, $2  }
0x27: {  	_ =	sdelay $0x2  }
0x28: {  	s18 =	sshra.s32 s18, $0x2  }
0x29: {  	[tilespmem:s18+$0x880] =	vst v41  }
0x2a: {  	[tilespmem:$0x1080] =	vst v23  }
0x2b: {  	[tilespmem:$0x1090] =	vst v0  }
0x2c: {  	[tilespmem:$0x10A0] =	vst v1  }
0x2d: {  	[tilespmem:$0x10B0] =	vst v2  }
0x2e: {  	[tilespmem:$0x10C0] =	vst v3  }
0x2f: {  	[tilespmem:$0x10D0] =	vst v4  }
0x30: {  	[tilespmem:$0x10E0] =	vst v5  }
0x31: {  	[tilespmem:$0x10F0] =	vst v6  }
0x32: {  	[spmem:s2] =	stream.indirect.scatter [tilespmem:s13], [sflag:$0x1], $0x10, s12, s11, $0xb8;
	[tilespmem:$0x4100] =	vst v63  }
0x33: {  	_ =	swait.ge [sflag:s14], $0x800  }
0x34: {  	[sflag:s14] =	ssyncset.done $0x0  }
0x35: {  	[sflag:s14] =	ssyncadd.s32 $0xFFFFF800  }
0x36: {  	[tilespmem:$0x1080] =	vst v20  }
0x37: {  	[tilespmem:$0x1090] =	vst v7  }
0x38: {  	[tilespmem:$0x10A0] =	vst v8  }
0x39: {  	[tilespmem:$0x10B0] =	vst v9  }
0x3a: {  	[tilespmem:$0x10C0] =	vst v10  }
0x3b: {  	[tilespmem:$0x10D0] =	vst v11  }
0x3c: {  	[tilespmem:$0x10E0] =	vst v12  }
0x3d: {  	[tilespmem:$0x10F0] =	vst v13  }
0x3e: {  	[spmem:s2] =	stream.indirect.scatter [tilespmem:s13], [sflag:$0x1], $0x10, s12, s11, $0xb8;
	[tilespmem:$0x4100] =	vst v63  }
0x3f: {  	_ =	swait.ge [sflag:s14], $0x800  }
0x40: {  	[sflag:s14] =	ssyncset.done $0x0  }
0x41: {  	[sflag:s14] =	ssyncadd.s32 $0xFFFFF800  }
0x42: {  	[tilespmem:$0x1080] =	vst v25  }
0x43: {  	[tilespmem:$0x1090] =	vst v14  }
0x44: {  	[tilespmem:$0x10A0] =	vst v15  }
0x45: {  	[tilespmem:$0x10B0] =	vst v16  }
0x46: {  	[tilespmem:$0x10C0] =	vst v17  }
0x47: {  	[tilespmem:$0x10D0] =	vst v18  }
0x48: {  	[tilespmem:$0x10E0] =	vst v19  }
0x49: {  	[tilespmem:$0x10F0] =	vst v21  }
0x4a: {  	[spmem:s2] =	stream.indirect.scatter [tilespmem:s13], [sflag:$0x1], $0x10, s12, s11, $0xb8;
	[tilespmem:$0x4100] =	vst v63  }
0x4b: {  	_ =	swait.ge [sflag:s14], $0x800  }
0x4c: {  	[sflag:s14] =	ssyncset.done $0x0  }
0x4d: {  	[sflag:s14] =	ssyncadd.s32 $0xFFFFF800  }
0x4e: {  	[tilespmem:$0x1080] =	vst v26  }
0x4f: {  	[tilespmem:$0x1090] =	vst v22  }
0x50: {  	[tilespmem:$0x10A0] =	vst v24  }
0x51: {  	[tilespmem:$0x10B0] =	vst v27  }
0x52: {  	[tilespmem:$0x10C0] =	vst v28  }
0x53: {  	[tilespmem:$0x10D0] =	vst v29  }
0x54: {  	[tilespmem:$0x10E0] =	vst v30  }
0x55: {  	[tilespmem:$0x10F0] =	vst v31  }
0x56: {  	[spmem:s2] =	stream.indirect.scatter [tilespmem:s13], [sflag:$0x1], $0x10, s12, s11, $0xb8;
	[tilespmem:$0x4100] =	vst v63  }
0x57: {  	_ =	swait.ge [sflag:s14], $0x800  }
0x58: {  	[sflag:s14] =	ssyncset.done $0x0  }
0x59: {  	[sflag:s14] =	ssyncadd.s32 $0xFFFFF800  }
0x5a: {  	[tilespmem:$0x1080] =	vst v32  }
0x5b: {  	[tilespmem:$0x1090] =	vst v33  }
0x5c: {  	[tilespmem:$0x10A0] =	vst v34  }
0x5d: {  	[tilespmem:$0x10B0] =	vst v35  }
0x5e: {  	[tilespmem:$0x10C0] =	vst v36  }
0x5f: {  	[tilespmem:$0x10D0] =	vst v37  }
0x60: {  	[tilespmem:$0x10E0] =	vst v38  }
0x61: {  	[tilespmem:$0x10F0] =	vst v39  }
0x62: {  	[spmem:s2] =	stream.indirect.scatter [tilespmem:s13], [sflag:$0x1], $0x10, s12, s11, $0xb8;
	[tilespmem:$0x4100] =	vst v63  }
0x63: {  	_ =	swait.ge [sflag:s14], $0x800  }
0x64: {  	[sflag:s14] =	ssyncset.done $0x0  }
0x65: {  	[sflag:s14] =	ssyncadd.s32 $0xFFFFF800  }
0x66: {  	s17 =	sadd.s32 $0x0, s10;
	[bflag:$0x0] =	sbarrier.arrive $0xFFFF  }
0x67: {  	[tilespmem:s3], [sflag:$0x1] =	stream.linear.gather [hbm4b:s17+s3], $0x80, $0x38;
	[tilespmem:$0x4100] =	vst v63  }
0x68: {  	_ =	swait.ge [sflag:s14], $0x80  }
0x69: {  	[sflag:s14] =	ssyncset.done $0x0  }
0x6a: {  	[sflag:s14] =	ssyncadd.s32 $0xFFFFFF80  }
0x6b: {  	[spmem:s2] =	stream.indirect.scatter.add.f32 [tilespmem:s11], [sflag:$0x1], $0x10, s3, s11, $0xb8;
	[tilespmem:$0x4100] =	vst v63  }
0x6c: {  	_ =	swait.ge [sflag:s14], $0x800  }
0x6d: {  	s18 =	simm.s32 $0x20;
	s17 =	simm.s32 $0x10;
	[sflag:s14] =	ssyncset.done $0x0  }
.LBB2_6:
0x6e: {  	s19 =	sadd.s32 s17, s10  }
0x6f: {  	[sflag:s14] =	ssyncadd.s32 $0xFFFFF800;
	s17 =	smov.u32 s18;
	s20 =	sadd.s32 $0x10, s18  }
0x70: {  	[tilespmem:s3], [sflag:$0x1] =	stream.linear.gather [hbm4b:s19+s3], $0x80, $0x38;
	[tilespmem:$0x4100] =	vst v63  }
0x71: {  	p0 =	sne.s32 s18, $0x270;
	_ =	swait.ge [sflag:s14], $0x80  }
.Ltmp2:
0x72: {  	[sflag:s14] =	ssyncset.done $0x0;
	(pc) =	sbr.rel @p0 .LBB2_6-.Ltmp2, $4  }
0x73: {  	[sflag:s14] =	ssyncadd.s32 $0xFFFFFF80  }
0x74: {  	[spmem:s2] =	stream.indirect.scatter.add.f32 [tilespmem:s11], [sflag:$0x1], $0x10, s3, s11, $0xb8;
	[tilespmem:$0x4100] =	vst v63  }
0x75: {  	_ =	swait.ge [sflag:s14], $0x800  }
0x76: {  	s18 =	smov.u32 s20;
	[sflag:s14] =	ssyncset.done $0x0  }
0x77: {  	s17 =	sadd.s32 s17, s10;
	[sflag:s14] =	ssyncadd.s32 $0xFFFFF800  }
0x78: {  	[tilespmem:s3], [sflag:$0x1] =	stream.linear.gather [hbm4b:s17+s3], $0x80, $0x38;
	[tilespmem:$0x4100] =	vst v63  }
0x79: {  	_ =	swait.ge [sflag:s14], $0x80  }
0x7a: {  	[sflag:s14] =	ssyncset.done $0x0  }
0x7b: {  	[sflag:s14] =	ssyncadd.s32 $0xFFFFFF80  }
0x7c: {  	[spmem:s2] =	stream.indirect.scatter.add.f32 [tilespmem:s11], [sflag:$0x1], $0x10, s3, s11, $0xb8;
	[tilespmem:$0x4100] =	vst v63  }
0x7d: {  	_ =	swait.ge [sflag:s14], $0x800  }
0x7e: {  	[sflag:s14] =	ssyncset.done $0x0  }
0x7f: {  	[sflag:s14] =	ssyncadd.s32 $0xFFFFF800  }
0x80: {  	[bflag:$0x0] =	sbarrier.arrive $0xFFFF  }
0x81: {  	[tilespmem:$0x1080] =	vst v23  }
0x82: {  	[tilespmem:$0x1090] =	vst v0  }
0x83: {  	[tilespmem:$0x10A0] =	vst v1  }
0x84: {  	[tilespmem:$0x10B0] =	vst v2  }
0x85: {  	[tilespmem:$0x10C0] =	vst v3  }
0x86: {  	[tilespmem:$0x10D0] =	vst v4  }
0x87: {  	[tilespmem:$0x10E0] =	vst v5  }
0x88: {  	[tilespmem:$0x10F0] =	vst v6  }
0x89: {  	[tilespmem:s15], [sflag:$0x1] =	stream.indirect.gather [spmem:s2], $0x10, s12, s11, $0xb8;
	[tilespmem:$0x4100] =	vst v63  }
0x8a: {  	_ =	swait.ge [sflag:s14], $0x800  }
0x8b: {  	[sflag:s14] =	ssyncset.done $0x0  }
0x8c: {  	[sflag:s14] =	ssyncadd.s32 $0xFFFFF800  }
0x8d: {  	[hbm4b:s4+s3] =	stream.linear.scatter [tilespmem:s15], [sflag:$0x1], $0x800, $0x38;
	[tilespmem:$0x4100] =	vst v63  }
0x8e: {  	_ =	swait.ge [sflag:s14], $0x800  }
0x8f: {  	[sflag:s14] =	ssyncset.done $0x0  }
0x90: {  	[sflag:s14] =	ssyncadd.s32 $0xFFFFF800  }
0x91: {  	[tilespmem:$0x1080] =	vst v20  }
0x92: {  	[tilespmem:$0x1090] =	vst v7  }
0x93: {  	[tilespmem:$0x10A0] =	vst v8  }
0x94: {  	[tilespmem:$0x10B0] =	vst v9  }
0x95: {  	[tilespmem:$0x10C0] =	vst v10  }
0x96: {  	[tilespmem:$0x10D0] =	vst v11  }
0x97: {  	[tilespmem:$0x10E0] =	vst v12  }
0x98: {  	[tilespmem:$0x10F0] =	vst v13  }
0x99: {  	[tilespmem:s15], [sflag:$0x1] =	stream.indirect.gather [spmem:s2], $0x10, s12, s11, $0xb8;
	[tilespmem:$0x4100] =	vst v63  }
0x9a: {  	_ =	swait.ge [sflag:s14], $0x800  }
0x9b: {  	[sflag:s14] =	ssyncset.done $0x0  }
0x9c: {  	[sflag:s14] =	ssyncadd.s32 $0xFFFFF800  }
0x9d: {  	[hbm4b:s5+s3] =	stream.linear.scatter [tilespmem:s15], [sflag:$0x1], $0x800, $0x38;
	[tilespmem:$0x4100] =	vst v63  }
0x9e: {  	_ =	swait.ge [sflag:s14], $0x800  }
0x9f: {  	[sflag:s14] =	ssyncset.done $0x0  }
0xa0: {  	[sflag:s14] =	ssyncadd.s32 $0xFFFFF800  }
0xa1: {  	[tilespmem:$0x1080] =	vst v25  }
0xa2: {  	[tilespmem:$0x1090] =	vst v14  }
0xa3: {  	[tilespmem:$0x10A0] =	vst v15  }
0xa4: {  	[tilespmem:$0x10B0] =	vst v16  }
0xa5: {  	[tilespmem:$0x10C0] =	vst v17  }
0xa6: {  	[tilespmem:$0x10D0] =	vst v18  }
0xa7: {  	[tilespmem:$0x10E0] =	vst v19  }
0xa8: {  	[tilespmem:$0x10F0] =	vst v21  }
0xa9: {  	[tilespmem:s15], [sflag:$0x1] =	stream.indirect.gather [spmem:s2], $0x10, s12, s11, $0xb8;
	[tilespmem:$0x4100] =	vst v63  }
0xaa: {  	_ =	swait.ge [sflag:s14], $0x800  }
0xab: {  	[sflag:s14] =	ssyncset.done $0x0  }
0xac: {  	[sflag:s14] =	ssyncadd.s32 $0xFFFFF800  }
0xad: {  	[hbm4b:s6+s3] =	stream.linear.scatter [tilespmem:s15], [sflag:$0x1], $0x800, $0x38;
	[tilespmem:$0x4100] =	vst v63  }
0xae: {  	_ =	swait.ge [sflag:s14], $0x800  }
0xaf: {  	[sflag:s14] =	ssyncset.done $0x0  }
0xb0: {  	[sflag:s14] =	ssyncadd.s32 $0xFFFFF800  }
0xb1: {  	[tilespmem:$0x1080] =	vst v26  }
0xb2: {  	[tilespmem:$0x1090] =	vst v22  }
0xb3: {  	[tilespmem:$0x10A0] =	vst v24  }
0xb4: {  	[tilespmem:$0x10B0] =	vst v27  }
0xb5: {  	[tilespmem:$0x10C0] =	vst v28  }
0xb6: {  	[tilespmem:$0x10D0] =	vst v29  }
0xb7: {  	[tilespmem:$0x10E0] =	vst v30  }
0xb8: {  	[tilespmem:$0x10F0] =	vst v31  }
0xb9: {  	[tilespmem:s15], [sflag:$0x1] =	stream.indirect.gather [spmem:s2], $0x10, s12, s11, $0xb8;
	[tilespmem:$0x4100] =	vst v63  }
0xba: {  	_ =	swait.ge [sflag:s14], $0x800  }
0xbb: {  	[sflag:s14] =	ssyncset.done $0x0  }
0xbc: {  	[sflag:s14] =	ssyncadd.s32 $0xFFFFF800  }
0xbd: {  	[hbm4b:s7+s3] =	stream.linear.scatter [tilespmem:s15], [sflag:$0x1], $0x800, $0x38;
	[tilespmem:$0x4100] =	vst v63  }
0xbe: {  	_ =	swait.ge [sflag:s14], $0x800  }
0xbf: {  	[sflag:s14] =	ssyncset.done $0x0  }
0xc0: {  	[sflag:s14] =	ssyncadd.s32 $0xFFFFF800  }
0xc1: {  	[tilespmem:$0x1080] =	vst v32  }
0xc2: {  	[tilespmem:$0x1090] =	vst v33  }
0xc3: {  	[tilespmem:$0x10A0] =	vst v34  }
0xc4: {  	[tilespmem:$0x10B0] =	vst v35  }
0xc5: {  	[tilespmem:$0x10C0] =	vst v36  }
0xc6: {  	[tilespmem:$0x10D0] =	vst v37  }
0xc7: {  	[tilespmem:$0x10E0] =	vst v38  }
0xc8: {  	[tilespmem:$0x10F0] =	vst v39  }
0xc9: {  	[tilespmem:s15], [sflag:$0x1] =	stream.indirect.gather [spmem:s2], $0x10, s12, s11, $0xb8;
	[tilespmem:$0x4100] =	vst v63  }
0xca: {  	s16 =	sadd.s32 $0x1, s16;
	_ =	swait.ge [sflag:s14], $0x800  }
0xcb: {  	p0 =	sne.s32 s16, s9;
	[sflag:s14] =	ssyncset.done $0x0  }
.Ltmp3:
0xcc: {  	[sflag:s14] =	ssyncadd.s32 $0xFFFFF800;
	(pc) =	sbr.rel @p0 .LBB2_1-.Ltmp3, $4  }
0xcd: {  	[hbm4b:s8+s3] =	stream.linear.scatter [tilespmem:s15], [sflag:$0x1], $0x800, $0x38;
	[tilespmem:$0x4100] =	vst v63  }
0xce: {  	_ =	swait.ge [sflag:s14], $0x800  }
0xcf: {  	[sflag:s14] =	ssyncset.done $0x0  }
0xd0: {  	[sflag:s14] =	ssyncadd.s32 $0xFFFFF800  }
0xd1: {  	_ =	sfence.sel $0x180000  }
0xd2: {  	[bflag:$0x0] =	sbarrier.arrive $0xFFFF  }
0xd3: {  	p0 =	sne.s32 s0, $0x0;
	_ =	strace $0x90000047  }
0xd4: {  	s0 =	sadd.s32 @!p0 $0x100000, s1;
	[bflag:$0x2] =	sbarrier.arrive $0xFFFF  }
0xd5: {  	[sflag:s0] =	ssyncadd.tile.s32 @!p0 $0x1;
	_ =	shalt  }
.Lfunc_end2:
_tile_overlayer_lowered:
.L_overlay_start_2:
0xd6: {  	(tag) =	ssettag $0x2  }
0xd7: {  	s0 =	rddreg [dreg:$0x0];
	s2 =	stileid.u32  }
0xd8: {  	s1 =	rddreg [dreg:$0x1];
	p0 =	sne.s32 s2, $0x0  }
0xd9: {  	s3 =	rddreg [dreg:$0x2];
	[bflag:$0x3] =	sbarrier.arrive $0xFFFF;
	s2 =	simm.s32 @!p0 $0x1C01  }
0xda: {  	[timem:s3], [sflag:s2] =	dma.local @!p0 [hbm:s0], s1  }
0xdb: {  	s0 =	simm.s32 @!p0 $0x1  }
0xdc: {  	_ =	swait.ge @!p0 [sflag:s0], s1  }
0xdd: {  	s1 =	ssub.s32 @!p0 $0x0, s1;
	[sflag:s0] =	ssyncset.done @!p0 $0x0  }
0xde: {  	[sflag:s0] =	ssyncadd.s32 @!p0 s1  }
0xdf: {  	[bflag:$0x3] =	sbarrier.arrive $0xFFFF  }
0xe0: {  	_ =	shalt  }

// kernel: kernel.9.cloned.1.call-start
scs
__scs_entry_jumppad:
0x0: {  	(pc) =	sbr.rel $0x88, $3  }
0x1: {  	(tag) =	ssettag $0x0;
	lr =	simm.s32 $0x1  }
0x2: {  	[smem:$0x3F9D] =	sst lr;
	_ =	strace $0xD0000000  }
0x3: {  	_ = 	snop  }
0x4: {  	_ = 	snop  }
0x5: {  	_ = 	snop  }
0x6: {  	_ = 	snop  }
0x7: {  	_ = 	snop  }
__scs_overlays_trampoline_lowered:
0x8: {  	[smem:$0x3FAC] =	sst s0  }
0x9: {  	[smem:$0x3FAD] =	sst s1  }
0xa: {  	[smem:$0x3FAE] =	sst s2  }
0xb: {  	[smem:$0x3FAF] =	sst s3  }
0xc: {  	[smem:$0x3FB0] =	sst s4  }
0xd: {  	[smem:$0x3FB1] =	sst s5  }
0xe: {  	[smem:$0x3FB2] =	sst s6  }
0xf: {  	[smem:$0x3FB3] =	sst s7  }
0x10: {  	[smem:$0x3FB4] =	sst s8  }
0x11: {  	[smem:$0x3FB5] =	sst s9;
	s0 =	simm.s32 @!p0 $0x0  }
0x12: {  	s1 =	sld [smem:$0x3F9B];
	s0 =	simm.s32 @p0 $0x1  }
0x13: {  	[smem:$0x3FB6] =	sst s0;
	s0 =	simm.s32 @!p1 $0x0  }
0x14: {  	s2 =	sld [smem:$0x3F9A];
	s0 =	simm.s32 @p1 $0x1  }
0x15: {  	[smem:$0x3FB7] =	sst s0;
	s0 =	simm.s32 @!p2 $0x0  }
0x16: {  	s3 =	sld [smem:$0x3FDB];
	s0 =	simm.s32 @p2 $0x1  }
0x17: {  	s4 =	simm.s32 $0x1BF5;
	[smem:$0x3FB9] =	sst s0  }
0x18: {  	s0 =	sld [smem:$0x3F9C];
	_ =	swait.ge [sflag:s4], $0x0  }
0x19: {  	s7 =	sld [smem:$0x3F9D]  }
0x1a: {  	s8 =	sadd.s32 $0xFFFFE003, lr  }
0x1b: {  	s9 =	sadd.s32 $0xFFFFFEF7, lr;
	s5 =	simm.s32 $0xFFFFFFFF;
	p2 =	slt.u32 s8, $0xFFFFF086  }
0x1c: {  	p1 =	slt.u32 s9, $0xF7A;
	s5 =	simm.s32 @!p2 $0x0  }
0x1d: {  	s5 =	simm.s32 @p1 $0x1;
	p0 =	seq.s32 s7, s2  }
0x1e: {  	s7 =	smul.u32 @!p0 $0xF7A, s2;
	p2 =	seq.s32 @!p0 s5, $0x0  }
0x1f: {  	s9 =	smul.u32 $0xF7A, s1;
	s8 =	simm.s32 @!p0 $0x1BF5;
	p2 =	por !p2, p0  }
0x20: {  	[sflag:s8] =	ssyncset.s32 @!p0 $0xFFFFF086;
	s6 =	sadd.s32 @!p0 s3, s7;
	s7 =	simm.s32 @!p0 $0x108  }
0x21: {  	s3 =	sadd.s32 s3, s9;
	s6 =	sadd.s32 @!p0 $0x88, s6;
	s7 =	simm.s32 @p2 $0x1082  }
0x22: {  	[simem:s7], [sflag:s8] =	dma.local @!p0 [hbm:s6], $0xF7A  }
0x23: {  	s9 =	sor.u32 $0xD0000000, s2;
	s6 =	simm.s32 $0x108;
	_ =	swait.ge @!p0 [sflag:s8], $0x0  }
0x24: {  	s3 =	sadd.s32 $0x88, s3;
	s6 =	simm.s32 @!p1 $0x1082;
	[sflag:s4] =	ssyncset.s32 $0xFFFFF086  }
0x25: {  	[simem:s6], [sflag:s4] =	dma.local [hbm:s3], $0xF7A  }
0x26: {  	[smem:$0x3F9D] =	sst s1;
	(tag) =	ssettag s2;
	_ =	strace s9  }
0x27: {  	s1 =	sld [smem:$0x3FAD]  }
0x28: {  	s2 =	sld [smem:$0x3FAE]  }
0x29: {  	s4 =	sld [smem:$0x3FB0]  }
0x2a: {  	p0 =	seq.s32 s5, $0x0;
	s5 =	sld [smem:$0x3FB1]  }
0x2b: {  	s6 =	sld [smem:$0x3FB2]  }
0x2c: {  	s7 =	sld [smem:$0x3FB3]  }
0x2d: {  	s3 =	simm.s32 $0x108;
	s8 =	sld [smem:$0x3FB4]  }
0x2e: {  	s3 =	simm.s32 @!p0 $0x1082;
	s9 =	sld [smem:$0x3FB5]  }
0x2f: {  	lr =	sadd.s32 s0, s3;
	s0 =	sld [smem:$0x3FAC]  }
0x30: {  	s3 =	sld [smem:$0x3FAF]  }
0x31: {  	[smem:$0x3FB8] =	sst s10  }
0x32: {  	s10 =	sld [smem:$0x3FB6];
	_ =	sdelay $0x3  }
0x33: {  	p0 =	seq.s32 s10, $0x1;
	s10 =	sld [smem:$0x3FB8];
	_ =	sdelay $0x3  }
0x34: {  	[smem:$0x3FB8] =	sst s10  }
0x35: {  	s10 =	sld [smem:$0x3FB7];
	_ =	sdelay $0x3  }
0x36: {  	p1 =	seq.s32 s10, $0x1;
	s10 =	sld [smem:$0x3FB8];
	_ =	sdelay $0x3  }
0x37: {  	[smem:$0x3FB8] =	sst s10  }
0x38: {  	s10 =	sld [smem:$0x3FB9]  }
0x39: {  	_ = 	snop;
	(pc) =	sbr.ind lr, $3  }
0x3a: {  	_ = 	snop  }
0x3b: {  	_ = 	snop  }
0x3c: {  	p2 =	seq.s32 s10, $0x1;
	s10 =	sld [smem:$0x3FB8]  }
0x3d: {  	_ =	shalt  }
0x3e: {  	_ =	shalt  }
0x3f: {  	_ =	shalt  }
0x40: {  	_ =	shalt  }
0x41: {  	_ =	shalt  }
0x42: {  	_ =	shalt  }
0x43: {  	_ =	shalt  }
0x44: {  	_ =	shalt  }
0x45: {  	_ =	shalt  }
0x46: {  	_ =	shalt  }
0x47: {  	_ =	shalt  }
0x48: {  	_ =	shalt  }
0x49: {  	_ =	shalt  }
0x4a: {  	_ =	shalt  }
0x4b: {  	_ =	shalt  }
0x4c: {  	_ =	shalt  }
0x4d: {  	_ =	shalt  }
0x4e: {  	_ =	shalt  }
0x4f: {  	_ =	shalt  }
0x50: {  	_ =	shalt  }
0x51: {  	_ =	shalt  }
0x52: {  	_ =	shalt  }
0x53: {  	_ =	shalt  }
0x54: {  	_ =	shalt  }
0x55: {  	_ =	shalt  }
0x56: {  	_ =	shalt  }
0x57: {  	_ =	shalt  }
0x58: {  	_ =	shalt  }
0x59: {  	_ =	shalt  }
0x5a: {  	_ =	shalt  }
0x5b: {  	_ =	shalt  }
0x5c: {  	_ =	shalt  }
0x5d: {  	_ =	shalt  }
0x5e: {  	_ =	shalt  }
0x5f: {  	_ =	shalt  }
0x60: {  	_ =	shalt  }
0x61: {  	_ =	shalt  }
0x62: {  	_ =	shalt  }
0x63: {  	_ =	shalt  }
0x64: {  	_ =	shalt  }
0x65: {  	_ =	shalt  }
0x66: {  	_ =	shalt  }
0x67: {  	_ =	shalt  }
0x68: {  	_ =	shalt  }
0x69: {  	_ =	shalt  }
0x6a: {  	_ =	shalt  }
0x6b: {  	_ =	shalt  }
0x6c: {  	_ =	shalt  }
0x6d: {  	_ =	shalt  }
0x6e: {  	_ =	shalt  }
0x6f: {  	_ =	shalt  }
0x70: {  	_ =	shalt  }
0x71: {  	_ =	shalt  }
0x72: {  	_ =	shalt  }
0x73: {  	_ =	shalt  }
0x74: {  	_ =	shalt  }
0x75: {  	_ =	shalt  }
0x76: {  	_ =	shalt  }
0x77: {  	_ =	shalt  }
0x78: {  	_ =	shalt  }
0x79: {  	_ =	shalt  }
0x7a: {  	_ =	shalt  }
0x7b: {  	_ =	shalt  }
0x7c: {  	_ =	shalt  }
0x7d: {  	_ =	shalt  }
0x7e: {  	_ =	shalt  }
0x7f: {  	_ =	shalt  }
0x80: {  	_ =	shalt  }
0x81: {  	_ =	shalt  }
0x82: {  	_ =	shalt  }
0x83: {  	_ =	shalt  }
0x84: {  	_ =	shalt  }
0x85: {  	_ =	shalt  }
0x86: {  	_ =	shalt  }
0x87: {  	_ =	shalt  }
.Lfunc_end0:
.L_simem_size_0:
called_computation.1_lowered:
.L_overlay_start_0:
0x88: {  	s2 =	sld [smem:$0x3FD9]  }
0x89: {  	s3 =	sld [smem:$0x3FFE];
	_ =	sdelay $0x1  }
0x8a: {  	s1 =	srdreg.scid  }
0x8b: {  	s0 =	sand.u32 $0x1, s1  }
0x8c: {  	s17 =	sshll.u32 s0, $0xA;
	s2 =	sadd.s32 s3, s2  }
0x8d: {  	s2 =	sadd.s32 s2, s17  }
0x8e: {  	[smem:$0x3FC4] =	sst s2  }
0x8f: {  	_ = 	snop  }
0x90: {  	s2 =	sld [smem:$0x3FD0];
	(tm) =	ssettm $0x1  }
0x91: {  	s18 =	sld [smem:$0x3FFB];
	_ =	sdelay $0x3  }
0x92: {  	_ =	strace s18  }
0x93: {  	s3 =	sld [smem:$0x3FFC];
	_ =	sdelay $0x3  }
0x94: {  	_ =	strace s3  }
0x95: {  	s3 =	sld [smem:$0x3FFD];
	_ =	sdelay $0x3  }
0x96: {  	_ =	strace s3  }
0x97: {  	_ =	strace $0x8FFFFFFF  }
0x98: {  	s19 =	sld [smem:$0x3FDB];
	_ =	sdelay $0x1  }
0x99: {  	s4 =	simm.s32 $_scs_section_size  }
0x9a: {  	s5 =	simm.s32 $_size__tile_overlayer_lowered;
	s6 =	simm.s32 $_tile_overlayer_lowered  }
0x9b: {  	s22 =	simm.s32 $0x1BFF;
	s21 =	sshll.u32 s6, $0x1;
	s3 =	sadd.s32 s4, s19  }
0x9c: {  	s7 =	simm.s32 $0x0;
	s20 =	sshll.u32 s5, $0x1;
	s5 =	sadd.s32 s21, s3  }
0x9d: {  	[timem:s7], [sflag:s22] =	dma.local [hbm:s5], s20  }
0x9e: {  	_ =	swait.ge [sflag:s22], s20  }
0x9f: {  	s4 =	ssub.s32 $0x0, s20;
	[sflag:s22] =	ssyncset.done $0x0  }
0xa0: {  	[sflag:s22] =	ssyncadd.s32 s4;
	_ =	sdelay $0x1  }
0xa1: {  	s23 =	simm.s32 $0x1B8B  }
0xa2: {  	_ =	swait.ge [sflag:s23], $0x1  }
0xa3: {  	[sflag:s23] =	ssyncset.done $0x0  }
0xa4: {  	s25 =	simm.s32 $0x1B8E;
	s24 =	sld [smem:$0x3FFE];
	[sflag:s23] =	ssyncadd.s32 $0xFFFFFFFF  }
0xa5: {  	s26 =	simm.s32 $execute0_lowered;
	[smem:$0x3FD2] =	sst s25  }
0xa6: {  	s5 =	sshll.u32 s26, $0x1;
	_ =	strace $0x80000049;
	[dreg:$0x1] =	wrdreg $0xFFFFFFFF  }
0xa7: {  	s28 =	simm.s32 $_size_execute0_lowered;
	s3 =	sadd.s32 s3, s5;
	[dreg:$0x0] =	wrdreg $0x0  }
0xa8: {  	s5 =	sshll.u32 s28, $0x1;
	[dreg:$0x2] =	wrdreg s3  }
0xa9: {  	[dreg:$0x3] =	wrdreg s5  }
0xaa: {  	[dreg:$0x4] =	wrdreg $0xC0  }
0xab: {  	_ =	task [dreg:s7], $0x5FFFF  }
0xac: {  	[dreg:$0x1] =	wrdreg $0xFFFFFFFF  }
0xad: {  	[dreg:$0x0] =	wrdreg $0x60  }
0xae: {  	[dreg:$0x2] =	wrdreg s24  }
0xaf: {  	[dreg:$0x3] =	wrdreg s2  }
0xb0: {  	[dreg:$0x4] =	wrdreg $0x90800  }
0xb1: {  	[dreg:$0x5] =	wrdreg $0x9  }
0xb2: {  	_ =	task.clear_ibuf [dreg:s7], $0x6FFFF;
	_ =	strace $0x90000049  }
0xb3: {  	s29 =	simm.s32 $0x9;
	_ =	strace $0x8000004B  }
0xb4: {  	_ =	swait.ge [sflag:s29], $0x1  }
0xb5: {  	[sflag:s29] =	ssyncadd.s32 $0xFFFFFFFF  }
0xb6: {  	_ =	strace $0x9000004B  }
0xb7: {  	_ =	sfence  }
0xb8: {  	s30 =	sld [smem:$0x0];
	_ =	sdelay $0x2  }
0xb9: {  	s31 =	sshll.u32 s1, $0xD;
	s1 =	sshrl.u32 s1, $0x2  }
0xba: {  	s3 =	sand.u32 $0x4000, s31;
	s1 =	sadd.s32 s1, s30  }
0xbb: {  	s0 =	sor.u32 s3, s0;
	s1 =	sshll.u32 s1, $0x11  }
0xbc: {  	s0 =	sor.u32 s1, s0  }
0xbd: {  	s0 =	sadd.s32 $0x8F2B, s0  }
0xbe: {  	[sflag:s0] =	ssyncadd.remote.s32 $0x1  }
0xbf: {  	_ =	sfence.sel $0xFFFF  }
0xc0: {  	[dreg:$0x0] =	wrdreg $0xFFFFFFFF;
	(pc) =	sbr.abs _section_cstart, $3  }
0xc1: {  	[dreg:$0x1] =	wrdreg $0xFFFFFFFF  }
0xc2: {  	_ =	task.clear_ibuf [dreg:s7], $0x2FFFF;
	_ =	strace $0x9FFFFFFF  }
0xc3: {  	(tm) =	ssettm $0x7FFFFFFF  }
tec
execute0_lowered:
.L_overlay_start_1:
0x0: {  	(tag) =	ssettag $0x1  }
0x1: {  	s6 =	rddreg [dreg:$0x0]  }
0x2: {  	s7 =	rddreg [dreg:$0x1]  }
0x3: {  	s2 =	rddreg [dreg:$0x2]  }
0x4: {  	s0 =	rddreg [dreg:$0x3]  }
0x5: {  	s3 =	simm.s32 $0x0;
	s1 =	stileid.u32;
	s4 =	srdreg.scid  }
0x6: {  	[smem:$0x7FF] =	sst s3;
	s5 =	smul.u32 $0x500, s1  }
0x7: {  	s11 =	sand.u32 $0x1, s4;
	s9 =	smul.u32 $0x280, s1;
	s12 =	sadd.s32 $0xAA600, s6  }
0x8: {  	_ =	strace $0x8000004A;
	s4 =	ssub.s32 $0x2, s11;
	p1 =	seq.s32 s11, $0x1  }
0x9: {  	p0 =	seq.s32 s11, $0x0;
	s11 =	simm.s32 $0x83400;
	s5 =	sadd.s32 s5, s6  }
0xa: {  	s8 =	sshrl.u32 s4, $0x1;
	s13 =	sor.u32 $0x10, s9;
	s14 =	sor.u32 $0x20, s9  }
0xb: {  	s15 =	sor.u32 $0x30, s9;
	s16 =	sor.u32 $0x40, s9;
	s17 =	sor.u32 $0x50, s9  }
0xc: {  	s18 =	sor.u32 $0x60, s9;
	s19 =	sor.u32 $0x70, s9;
	s10 =	sadd.s32 $0x80, s9  }
0xd: {  	s20 =	sadd.s32 $0x90, s9;
	s21 =	sadd.s32 $0xA0, s9;
	s22 =	sadd.s32 $0xB0, s9  }
0xe: {  	s23 =	sadd.s32 $0xC0, s9;
	s24 =	sadd.s32 $0xD0, s9;
	s25 =	sadd.s32 $0xE0, s9  }
0xf: {  	s11 =	simm.s32 @!p1 $0x5C200;
	s26 =	sadd.s32 $0xF0, s9;
	s28 =	sadd.s32 $0x100, s9  }
0x10: {  	v39 =	vlaneseq.u32;
	s29 =	sadd.s32 $0x130, s9;
	s30 =	sadd.s32 $0x190, s9;
	s31 =	sadd.s32 $0x1C0, s9  }
0x11: {  	v40 =	vimm.f32 $0.0e+00;
	v21 =	vor.u32 s9, v39;
	s12 =	smov.u32 @p0 s7;
	s8 =	ssub.s32 s4, s8;
	s4 =	sadd.s32 $0x7200, s5  }
0x12: {  	s5 =	sadd.s32 $0x2200, s5;
	v0 =	vor.u32 s13, v39;
	v1 =	vor.u32 s14, v39;
	s13 =	sadd.s32 $0x110, s9;
	s14 =	sadd.s32 $0x120, s9;
	v2 =	vor.u32 s15, v39  }
0x13: {  	v3 =	vor.u32 s16, v39;
	v4 =	vor.u32 s17, v39;
	s15 =	sadd.s32 $0x140, s9;
	s16 =	sadd.s32 $0x150, s9;
	s17 =	sadd.s32 $0x160, s9;
	v5 =	vor.u32 s18, v39  }
0x14: {  	v6 =	vor.u32 s19, v39;
	v7 =	vor.u32 s20, v39;
	s20 =	sadd.s32 $0x170, s9;
	s19 =	sadd.s32 $0x180, s9;
	v9 =	vor.u32 s22, v39;
	s22 =	sadd.s32 $0x1A0, s9  }
0x15: {  	v10 =	vor.u32 s23, v39;
	s23 =	sadd.s32 $0x1B0, s9;
	v11 =	vor.u32 s24, v39;
	v12 =	vor.u32 s25, v39;
	s24 =	sadd.s32 $0x1D0, s9;
	s25 =	sadd.s32 $0x1E0, s9  }
0x16: {  	v8 =	vor.u32 s21, v39;
	v13 =	vor.u32 s26, v39;
	s26 =	sadd.s32 $0x1F0, s9;
	v16 =	vor.u32 s29, v39;
	s29 =	sadd.s32 $0x220, s9;
	s6 =	sadd.s32 s11, s6  }
0x17: {  	v22 =	vor.u32 s30, v39;
	s18 =	sadd.s32 $0x260, s9;
	v24 =	vor.u32 s10, v39;
	v25 =	vor.u32 s28, v39;
	s21 =	sshll.u32 s10, $0x4;
	s28 =	sshll.u32 s28, $0x4  }
0x18: {  	s30 =	smul.u32 $0x2800, s1;
	v27 =	vor.u32 s31, v39;
	v14 =	vor.u32 s13, v39;
	v15 =	vor.u32 s14, v39;
	s13 =	sadd.s32 $0x200, s9;
	s14 =	sadd.s32 $0x210, s9  }
0x19: {  	v17 =	vor.u32 s15, v39;
	v18 =	vor.u32 s16, v39;
	v19 =	vor.u32 s17, v39;
	s15 =	sadd.s32 $0x230, s9;
	s16 =	sadd.s32 $0x240, s9;
	s17 =	sadd.s32 $0x250, s9  }
0x1a: {  	v20 =	vor.u32 s20, v39;
	s20 =	sadd.s32 $0x270, s9;
	v23 =	vor.u32 s22, v39;
	v28 =	vor.u32 s19, v39;
	s19 =	sshll.u32 s19, $0x4;
	s7 =	smax.u32 s8, $0x1  }
0x1b: {  	v26 =	vor.u32 s23, v39;
	v29 =	vor.u32 s24, v39;
	s9 =	sadd.s32 s12, s21;
	s10 =	sadd.s32 s12, s28;
	v38 =	vor.u32 s18, v39;
	s18 =	simm.s32 $0x0  }
0x1c: {  	v30 =	vor.u32 s25, v39;
	v31 =	vor.u32 s26, v39;
	v34 =	vor.u32 s29, v39;
	s31 =	sshll.u32 s13, $0x4;
	s8 =	sadd.s32 s12, s30;
	s11 =	sadd.s32 s12, s19  }
0x1d: {  	v32 =	vor.u32 s13, v39;
	v33 =	vor.u32 s14, v39;
	v35 =	vor.u32 s15, v39;
	s13 =	simm.s32 $0x1;
	s14 =	simm.s32 $0x2800;
	s15 =	simm.s32 $0x80  }
0x1e: {  	v36 =	vor.u32 s16, v39;
	v37 =	vor.u32 s17, v39;
	v39 =	vor.u32 s20, v39;
	s16 =	simm.s32 $0x9000;
	s17 =	simm.s32 $0x5000;
	s12 =	sadd.s32 s12, s31  }
.LBB2_1:
0x1f: {  	s19 =	simm.s32 $0x0;
	s20 =	simm.s32 $0x200  }
.LBB2_2:
0x20: {  	p0 =	sne.s32 s20, $0xFE00;
	[tilespmem:s19+$0x5070] =	vst v40  }
0x21: {  	[tilespmem:s19+$0x5000] =	vst v40  }
0x22: {  	[tilespmem:s19+$0x5010] =	vst v40  }
.Ltmp0:
0x23: {  	[tilespmem:s19+$0x5020] =	vst v40;
	(pc) =	sbr.rel @p0 .LBB2_2-.Ltmp0, $4  }
0x24: {  	[tilespmem:s19+$0x5030] =	vst v40  }
0x25: {  	[tilespmem:s19+$0x5040] =	vst v40  }
0x26: {  	[tilespmem:s19+$0x5050] =	vst v40  }
0x27: {  	[tilespmem:s19+$0x5060] =	vst v40;
	s19 =	sshra.s32 s20, $0x2;
	s20 =	sadd.s32 $0x200, s20  }
0x28: {  	[tilespmem:s19+$0x5070] =	vst v40  }
0x29: {  	[tilespmem:s19+$0x5000] =	vst v40  }
0x2a: {  	[tilespmem:s19+$0x5010] =	vst v40  }
0x2b: {  	[tilespmem:s19+$0x5020] =	vst v40  }
0x2c: {  	[tilespmem:s19+$0x5030] =	vst v40  }
0x2d: {  	[tilespmem:s19+$0x5040] =	vst v40  }
0x2e: {  	[tilespmem:s19+$0x5050] =	vst v40  }
0x2f: {  	[tilespmem:s19+$0x5060] =	vst v40;
	s29 =	simm.s32 $0x0  }
0x30: {  	[tilespmem:s29], [sflag:$0x1] =	stream.linear.gather [hbm4b:s4+s29], $0x2800, $0x38;
	[tilespmem:$0x1D080] =	vst v63  }
0x31: {  	_ =	swait.ge [sflag:s13], $0x2800  }
0x32: {  	[sflag:s13] =	ssyncset.done $0x0  }
0x33: {  	[sflag:s13] =	ssyncadd.s32 $0xFFFFD800  }
0x34: {  	[tilespmem:s14], [sflag:$0x1] =	stream.linear.gather [hbm4b:s5+s29], $0x2800, $0x38;
	[tilespmem:$0x1D080] =	vst v63  }
0x35: {  	_ =	swait.ge [sflag:s13], $0x2800  }
0x36: {  	[sflag:s13] =	ssyncset.done $0x0  }
0x37: {  	[sflag:s13] =	ssyncadd.s32 $0xFFFFD800  }
0x38: {  	[tilespmem:$0x9000] =	vst v21  }
0x39: {  	[tilespmem:$0x9010] =	vst v0  }
0x3a: {  	[tilespmem:$0x9020] =	vst v1  }
0x3b: {  	[tilespmem:$0x9030] =	vst v2  }
0x3c: {  	[tilespmem:$0x9040] =	vst v3  }
0x3d: {  	[tilespmem:$0x9050] =	vst v4  }
0x3e: {  	[tilespmem:$0x9060] =	vst v5  }
0x3f: {  	[tilespmem:$0x9070] =	vst v6  }
0x40: {  	[spmem:s2] =	stream.indirect.scatter [tilespmem:s17], [sflag:$0x1], $0x80, s16, s15, $0xb8;
	[tilespmem:$0x1D080] =	vst v63  }
0x41: {  	_ =	swait.ge [sflag:s13], $0x4000  }
0x42: {  	[sflag:s13] =	ssyncset.done $0x0  }
0x43: {  	[sflag:s13] =	ssyncadd.s32 $0xFFFFC000  }
0x44: {  	[tilespmem:$0x9000] =	vst v24  }
0x45: {  	[tilespmem:$0x9010] =	vst v7  }
0x46: {  	[tilespmem:$0x9020] =	vst v8  }
0x47: {  	[tilespmem:$0x9030] =	vst v9  }
0x48: {  	[tilespmem:$0x9040] =	vst v10  }
0x49: {  	[tilespmem:$0x9050] =	vst v11  }
0x4a: {  	[tilespmem:$0x9060] =	vst v12  }
0x4b: {  	[tilespmem:$0x9070] =	vst v13  }
0x4c: {  	[spmem:s2] =	stream.indirect.scatter [tilespmem:s17], [sflag:$0x1], $0x80, s16, s15, $0xb8;
	[tilespmem:$0x1D080] =	vst v63  }
0x4d: {  	_ =	swait.ge [sflag:s13], $0x4000  }
0x4e: {  	[sflag:s13] =	ssyncset.done $0x0  }
0x4f: {  	[sflag:s13] =	ssyncadd.s32 $0xFFFFC000  }
0x50: {  	[tilespmem:$0x9000] =	vst v25  }
0x51: {  	[tilespmem:$0x9010] =	vst v14  }
0x52: {  	[tilespmem:$0x9020] =	vst v15  }
0x53: {  	[tilespmem:$0x9030] =	vst v16  }
0x54: {  	[tilespmem:$0x9040] =	vst v17  }
0x55: {  	[tilespmem:$0x9050] =	vst v18  }
0x56: {  	[tilespmem:$0x9060] =	vst v19  }
0x57: {  	[tilespmem:$0x9070] =	vst v20  }
0x58: {  	[spmem:s2] =	stream.indirect.scatter [tilespmem:s17], [sflag:$0x1], $0x80, s16, s15, $0xb8;
	[tilespmem:$0x1D080] =	vst v63  }
0x59: {  	_ =	swait.ge [sflag:s13], $0x4000  }
0x5a: {  	[sflag:s13] =	ssyncset.done $0x0  }
0x5b: {  	[sflag:s13] =	ssyncadd.s32 $0xFFFFC000  }
0x5c: {  	[tilespmem:$0x9000] =	vst v28  }
0x5d: {  	[tilespmem:$0x9010] =	vst v22  }
0x5e: {  	[tilespmem:$0x9020] =	vst v23  }
0x5f: {  	[tilespmem:$0x9030] =	vst v26  }
0x60: {  	[tilespmem:$0x9040] =	vst v27  }
0x61: {  	[tilespmem:$0x9050] =	vst v29  }
0x62: {  	[tilespmem:$0x9060] =	vst v30  }
0x63: {  	[tilespmem:$0x9070] =	vst v31  }
0x64: {  	[spmem:s2] =	stream.indirect.scatter [tilespmem:s17], [sflag:$0x1], $0x80, s16, s15, $0xb8;
	[tilespmem:$0x1D080] =	vst v63  }
0x65: {  	_ =	swait.ge [sflag:s13], $0x4000  }
0x66: {  	[sflag:s13] =	ssyncset.done $0x0  }
0x67: {  	[sflag:s13] =	ssyncadd.s32 $0xFFFFC000  }
0x68: {  	[tilespmem:$0x9000] =	vst v32  }
0x69: {  	[tilespmem:$0x9010] =	vst v33  }
0x6a: {  	[tilespmem:$0x9020] =	vst v34  }
0x6b: {  	[tilespmem:$0x9030] =	vst v35  }
0x6c: {  	[tilespmem:$0x9040] =	vst v36  }
0x6d: {  	[tilespmem:$0x9050] =	vst v37  }
0x6e: {  	[tilespmem:$0x9060] =	vst v38  }
0x6f: {  	[tilespmem:$0x9070] =	vst v39  }
0x70: {  	[spmem:s2] =	stream.indirect.scatter [tilespmem:s17], [sflag:$0x1], $0x80, s16, s15, $0xb8;
	[tilespmem:$0x1D080] =	vst v63  }
0x71: {  	_ =	swait.ge [sflag:s13], $0x4000  }
0x72: {  	[sflag:s13] =	ssyncset.done $0x0  }
0x73: {  	[sflag:s13] =	ssyncadd.s32 $0xFFFFC000  }
0x74: {  	s30 =	simm.s32 $0x0;
	[bflag:$0x0] =	sbarrier.arrive $0xFFFF  }
0x75: {  	[tilespmem:s17], [sflag:$0x1] =	stream.indirect.gather [hbm4b:s6+s15], $0x80, s30, s15, $0xb8;
	[tilespmem:$0x1D080] =	vst v63  }
0x76: {  	_ =	swait.ge [sflag:s13], $0x4000  }
0x77: {  	[sflag:s13] =	ssyncset.done $0x0  }
0x78: {  	s31 =	simm.s32 $0x2800;
	[sflag:s13] =	ssyncadd.s32 $0xFFFFC000  }
0x79: {  	[spmem:s2] =	stream.indirect.scatter.add.f32 [tilespmem:s17], [sflag:$0x1], $0x80, s31, s15, $0xb8;
	[tilespmem:$0x1D080] =	vst v63  }
0x7a: {  	_ =	swait.ge [sflag:s13], $0x4000  }
0x7b: {  	s19 =	simm.s32 $0x200;
	s20 =	simm.s32 $0x400;
	[sflag:s13] =	ssyncset.done $0x0  }
.LBB2_4:
0x7c: {  	s21 =	sshra.s32 s19, $0x2  }
0x7d: {  	[sflag:s13] =	ssyncadd.s32 $0xFFFFC000;
	s19 =	smov.u32 s20;
	s22 =	sadd.s32 $0x200, s20  }
0x7e: {  	[tilespmem:s17], [sflag:$0x1] =	stream.indirect.gather [hbm4b:s6+s15], $0x80, s21, s15, $0xb8;
	[tilespmem:$0x1D080] =	vst v63  }
0x7f: {  	p0 =	sne.s32 s20, $0x9E00;
	_ =	swait.ge [sflag:s13], $0x4000  }
.Ltmp1:
0x80: {  	[sflag:s13] =	ssyncset.done $0x0;
	(pc) =	sbr.rel @p0 .LBB2_4-.Ltmp1, $4  }
0x81: {  	s20 =	sadd.s32 $0x2800, s21;
	[sflag:s13] =	ssyncadd.s32 $0xFFFFC000  }
0x82: {  	[spmem:s2] =	stream.indirect.scatter.add.f32 [tilespmem:s17], [sflag:$0x1], $0x80, s20, s15, $0xb8;
	[tilespmem:$0x1D080] =	vst v63  }
0x83: {  	_ =	swait.ge [sflag:s13], $0x4000  }
0x84: {  	s20 =	smov.u32 s22;
	[sflag:s13] =	ssyncset.done $0x0  }
0x85: {  	s19 =	sshra.s32 s19, $0x2;
	[sflag:s13] =	ssyncadd.s32 $0xFFFFC000  }
0x86: {  	[tilespmem:s17], [sflag:$0x1] =	stream.indirect.gather [hbm4b:s6+s15], $0x80, s19, s15, $0xb8;
	[tilespmem:$0x1D080] =	vst v63  }
0x87: {  	_ =	swait.ge [sflag:s13], $0x4000  }
0x88: {  	[sflag:s13] =	ssyncset.done $0x0  }
0x89: {  	s19 =	sadd.s32 $0x2800, s19;
	[sflag:s13] =	ssyncadd.s32 $0xFFFFC000  }
0x8a: {  	[spmem:s2] =	stream.indirect.scatter.add.f32 [tilespmem:s17], [sflag:$0x1], $0x80, s19, s15, $0xb8;
	[tilespmem:$0x1D080] =	vst v63  }
0x8b: {  	_ =	swait.ge [sflag:s13], $0x4000  }
0x8c: {  	[sflag:s13] =	ssyncset.done $0x0  }
0x8d: {  	[sflag:s13] =	ssyncadd.s32 $0xFFFFC000  }
0x8e: {  	[bflag:$0x0] =	sbarrier.arrive $0xFFFF  }
0x8f: {  	[tilespmem:$0x9000] =	vst v21  }
0x90: {  	[tilespmem:$0x9010] =	vst v0  }
0x91: {  	[tilespmem:$0x9020] =	vst v1  }
0x92: {  	[tilespmem:$0x9030] =	vst v2  }
0x93: {  	[tilespmem:$0x9040] =	vst v3  }
0x94: {  	[tilespmem:$0x9050] =	vst v4  }
0x95: {  	[tilespmem:$0x9060] =	vst v5  }
0x96: {  	[tilespmem:$0x9070] =	vst v6  }
0x97: {  	[tilespmem:s17], [sflag:$0x1] =	stream.indirect.gather [spmem:s2], $0x80, s16, s15, $0xb8;
	[tilespmem:$0x1D080] =	vst v63  }
0x98: {  	_ =	swait.ge [sflag:s13], $0x4000  }
0x99: {  	[sflag:s13] =	ssyncset.done $0x0  }
0x9a: {  	[sflag:s13] =	ssyncadd.s32 $0xFFFFC000  }
0x9b: {  	[hbm4b:s8+s3] =	stream.linear.scatter [tilespmem:s17], [sflag:$0x1], $0x4000, $0x38;
	[tilespmem:$0x1D080] =	vst v63  }
0x9c: {  	_ =	swait.ge [sflag:s13], $0x4000  }
0x9d: {  	[sflag:s13] =	ssyncset.done $0x0  }
0x9e: {  	[sflag:s13] =	ssyncadd.s32 $0xFFFFC000  }
0x9f: {  	[tilespmem:$0x9000] =	vst v24  }
0xa0: {  	[tilespmem:$0x9010] =	vst v7  }
0xa1: {  	[tilespmem:$0x9020] =	vst v8  }
0xa2: {  	[tilespmem:$0x9030] =	vst v9  }
0xa3: {  	[tilespmem:$0x9040] =	vst v10  }
0xa4: {  	[tilespmem:$0x9050] =	vst v11  }
0xa5: {  	[tilespmem:$0x9060] =	vst v12  }
0xa6: {  	[tilespmem:$0x9070] =	vst v13  }
0xa7: {  	[tilespmem:s17], [sflag:$0x1] =	stream.indirect.gather [spmem:s2], $0x80, s16, s15, $0xb8;
	[tilespmem:$0x1D080] =	vst v63  }
0xa8: {  	_ =	swait.ge [sflag:s13], $0x4000  }
0xa9: {  	[sflag:s13] =	ssyncset.done $0x0  }
0xaa: {  	[sflag:s13] =	ssyncadd.s32 $0xFFFFC000  }
0xab: {  	[hbm4b:s9+s3] =	stream.linear.scatter [tilespmem:s17], [sflag:$0x1], $0x4000, $0x38;
	[tilespmem:$0x1D080] =	vst v63  }
0xac: {  	_ =	swait.ge [sflag:s13], $0x4000  }
0xad: {  	[sflag:s13] =	ssyncset.done $0x0  }
0xae: {  	[sflag:s13] =	ssyncadd.s32 $0xFFFFC000  }
0xaf: {  	[tilespmem:$0x9000] =	vst v25  }
0xb0: {  	[tilespmem:$0x9010] =	vst v14  }
0xb1: {  	[tilespmem:$0x9020] =	vst v15  }
0xb2: {  	[tilespmem:$0x9030] =	vst v16  }
0xb3: {  	[tilespmem:$0x9040] =	vst v17  }
0xb4: {  	[tilespmem:$0x9050] =	vst v18  }
0xb5: {  	[tilespmem:$0x9060] =	vst v19  }
0xb6: {  	[tilespmem:$0x9070] =	vst v20  }
0xb7: {  	[tilespmem:s17], [sflag:$0x1] =	stream.indirect.gather [spmem:s2], $0x80, s16, s15, $0xb8;
	[tilespmem:$0x1D080] =	vst v63  }
0xb8: {  	_ =	swait.ge [sflag:s13], $0x4000  }
0xb9: {  	[sflag:s13] =	ssyncset.done $0x0  }
0xba: {  	[sflag:s13] =	ssyncadd.s32 $0xFFFFC000  }
0xbb: {  	[hbm4b:s10+s3] =	stream.linear.scatter [tilespmem:s17], [sflag:$0x1], $0x4000, $0x38;
	[tilespmem:$0x1D080] =	vst v63  }
0xbc: {  	_ =	swait.ge [sflag:s13], $0x4000  }
0xbd: {  	[sflag:s13] =	ssyncset.done $0x0  }
0xbe: {  	[sflag:s13] =	ssyncadd.s32 $0xFFFFC000  }
0xbf: {  	[tilespmem:$0x9000] =	vst v28  }
0xc0: {  	[tilespmem:$0x9010] =	vst v22  }
0xc1: {  	[tilespmem:$0x9020] =	vst v23  }
0xc2: {  	[tilespmem:$0x9030] =	vst v26  }
0xc3: {  	[tilespmem:$0x9040] =	vst v27  }
0xc4: {  	[tilespmem:$0x9050] =	vst v29  }
0xc5: {  	[tilespmem:$0x9060] =	vst v30  }
0xc6: {  	[tilespmem:$0x9070] =	vst v31  }
0xc7: {  	[tilespmem:s17], [sflag:$0x1] =	stream.indirect.gather [spmem:s2], $0x80, s16, s15, $0xb8;
	[tilespmem:$0x1D080] =	vst v63  }
0xc8: {  	_ =	swait.ge [sflag:s13], $0x4000  }
0xc9: {  	[sflag:s13] =	ssyncset.done $0x0  }
0xca: {  	[sflag:s13] =	ssyncadd.s32 $0xFFFFC000  }
0xcb: {  	[hbm4b:s11+s3] =	stream.linear.scatter [tilespmem:s17], [sflag:$0x1], $0x4000, $0x38;
	[tilespmem:$0x1D080] =	vst v63  }
0xcc: {  	_ =	swait.ge [sflag:s13], $0x4000  }
0xcd: {  	[sflag:s13] =	ssyncset.done $0x0  }
0xce: {  	[sflag:s13] =	ssyncadd.s32 $0xFFFFC000  }
0xcf: {  	[tilespmem:$0x9000] =	vst v32  }
0xd0: {  	[tilespmem:$0x9010] =	vst v33  }
0xd1: {  	[tilespmem:$0x9020] =	vst v34  }
0xd2: {  	[tilespmem:$0x9030] =	vst v35  }
0xd3: {  	[tilespmem:$0x9040] =	vst v36  }
0xd4: {  	[tilespmem:$0x9050] =	vst v37  }
0xd5: {  	[tilespmem:$0x9060] =	vst v38  }
0xd6: {  	[tilespmem:$0x9070] =	vst v39  }
0xd7: {  	[tilespmem:s17], [sflag:$0x1] =	stream.indirect.gather [spmem:s2], $0x80, s16, s15, $0xb8;
	[tilespmem:$0x1D080] =	vst v63  }
0xd8: {  	s18 =	sadd.s32 $0x1, s18;
	_ =	swait.ge [sflag:s13], $0x4000  }
0xd9: {  	p0 =	sne.s32 s18, s7;
	[sflag:s13] =	ssyncset.done $0x0  }
.Ltmp2:
0xda: {  	[sflag:s13] =	ssyncadd.s32 $0xFFFFC000;
	(pc) =	sbr.rel @p0 .LBB2_1-.Ltmp2, $4  }
0xdb: {  	[hbm4b:s12+s3] =	stream.linear.scatter [tilespmem:s17], [sflag:$0x1], $0x4000, $0x38;
	[tilespmem:$0x1D080] =	vst v63  }
0xdc: {  	_ =	swait.ge [sflag:s13], $0x4000  }
0xdd: {  	[sflag:s13] =	ssyncset.done $0x0  }
0xde: {  	[sflag:s13] =	ssyncadd.s32 $0xFFFFC000  }
0xdf: {  	_ =	sfence.sel $0x180000  }
0xe0: {  	[bflag:$0x0] =	sbarrier.arrive $0xFFFF  }
0xe1: {  	p0 =	sne.s32 s1, $0x0;
	_ =	strace $0x9000004A  }
0xe2: {  	s0 =	sadd.s32 @!p0 $0x100000, s0;
	[bflag:$0x2] =	sbarrier.arrive $0xFFFF  }
0xe3: {  	[sflag:s0] =	ssyncadd.tile.s32 @!p0 $0x1;
	_ =	shalt  }
.Lfunc_end2:
_tile_overlayer_lowered:
.L_overlay_start_2:
0xe4: {  	(tag) =	ssettag $0x2  }
0xe5: {  	s0 =	rddreg [dreg:$0x0];
	s2 =	stileid.u32  }
0xe6: {  	s1 =	rddreg [dreg:$0x1];
	p0 =	sne.s32 s2, $0x0  }
0xe7: {  	s3 =	rddreg [dreg:$0x2];
	[bflag:$0x3] =	sbarrier.arrive $0xFFFF;
	s2 =	simm.s32 @!p0 $0x1C01  }
0xe8: {  	[timem:s3], [sflag:s2] =	dma.local @!p0 [hbm:s0], s1  }
0xe9: {  	s0 =	simm.s32 @!p0 $0x1  }
0xea: {  	_ =	swait.ge @!p0 [sflag:s0], s1  }
0xeb: {  	s1 =	ssub.s32 @!p0 $0x0, s1;
	[sflag:s0] =	ssyncset.done @!p0 $0x0  }
0xec: {  	[sflag:s0] =	ssyncadd.s32 @!p0 s1  }
0xed: {  	[bflag:$0x3] =	sbarrier.arrive $0xFFFF  }
0xee: {  	_ =	shalt  }

</sc_bundles>
